<compile_context>
chip_gen: v7x
topology: tpu7x:2x2x1
jax: 0.10.2.dev20260603
libtpu: 0.0.44.dev20260713+nightly
codegen_flags: <defaults>
</compile_context>

<pallas_src>
import functools

import jax
import jax.numpy as jnp
from jax import lax
from jax.experimental import pallas as pl
from jax.experimental.pallas import tpu as pltpu
from jax.experimental.pallas import tpu_sc as plsc

T = 32768
V = 1024
BLANK = V - 1


NC = 2
NS = 16
NW = NC * NS

S_SC = 6144
RW = S_SC // NW
CH = 32
NCH = RW // CH
UNR = 8
VP = V + 1

_mesh = plsc.VectorSubcoreMesh(core_axis_name="c", subcore_axis_name="s")


@functools.partial(
    pl.kernel,
    mesh=_mesh,
    compiler_params=pltpu.CompilerParams(
        use_tc_tiling_on_sc=False, needs_layout_passes=False),
    out_type=[
        jax.ShapeDtypeStruct((S_SC,), jnp.int32),
        jax.ShapeDtypeStruct((S_SC,), jnp.int32),
        jax.ShapeDtypeStruct((S_SC,), jnp.float32),
    ],
    scratch_types=[
        pltpu.VMEM((2, CH, VP), jnp.float32),
        pltpu.VMEM((RW,), jnp.int32),
        pltpu.VMEM((RW,), jnp.float32),
        pltpu.VMEM((RW,), jnp.int32),
        pltpu.VMEM((V,), jnp.float32),
        pltpu.VMEM((16,), jnp.float32),
        pltpu.VMEM((16,), jnp.int32),
        pltpu.SemaphoreType.DMA,
        pltpu.SemaphoreType.DMA,
    ],
)
def _sc_decode(em, idx_hbm, keep_hbm, score_hbm,
               buf, idxb, scoreb, keepb, rowb, hvb, hpb, sem0, sem1):
    wid = lax.axis_index("c") * NS + lax.axis_index("s")
    start = wid * RW
    iota = lax.broadcasted_iota(jnp.int32, (16,), 0)

    @pl.when(wid > 0)
    def _():
        pltpu.sync_copy(em.at[start - 1], rowb)

    def _strip(s, carry):
        bv, bp = carry
        v = rowb[pl.ds(s * 16, 16)]
        gt = v > bv
        return jnp.where(gt, v, bv), jnp.where(gt, s * 16 + iota, bp)

    hv, hp = lax.fori_loop(1, V // 16, _strip, (rowb[pl.ds(0, 16)], iota))
    hm = hv[0]
    hpos = hp[0]
    for l in range(1, 16):
        vl = hv[l]
        pl_ = hp[l]
        gt = vl > hm
        eq = vl == hm
        hpos = jnp.where(gt, pl_, jnp.where(eq, jnp.minimum(hpos, pl_), hpos))
        hm = jnp.maximum(hm, vl)
    prev0 = jnp.where(wid > 0, hpos, -1)

    sems = (sem0, sem1)
    pltpu.async_copy(em.at[pl.ds(start, CH)], buf.at[0, :, pl.ds(0, V)], sem0)
    ninf = jnp.full((16,), -jnp.inf, jnp.float32)
    zero16 = jnp.zeros((16,), jnp.int32)

    for k in range(NCH):
        slot = k % 2
        if k + 1 < NCH:
            pltpu.async_copy(
                em.at[pl.ds(start + (k + 1) * CH, CH)],
                buf.at[1 - slot, :, pl.ds(0, V)], sems[1 - slot])
        pltpu.make_async_copy(
            em.at[pl.ds(start + k * CH, CH)],
            buf.at[slot, :, pl.ds(0, V)], sems[slot]).wait()
        bslot = buf.at[slot]
        for g in range(CH // 16):
            rowsel = iota + g * 16

            def _col(j, carry, rowsel=rowsel, bslot=bslot):
                bv, bp = carry
                c0 = jnp.full((16,), UNR * j, jnp.int32)
                cols = [c0 + c if c else c0 for c in range(UNR)]
                pairs = [
                    (plsc.load_gather(bslot, [rowsel, cc]), cc) for cc in cols
                ]
                while len(pairs) > 1:
                    nxt = []
                    for a in range(0, len(pairs), 2):
                        (va, pa), (vb, pb) = pairs[a], pairs[a + 1]
                        ab = va >= vb
                        nxt.append(
                            (jnp.maximum(va, vb), jnp.where(ab, pa, pb)))
                    pairs = nxt
                vm, pm = pairs[0]
                gt = vm > bv
                return jnp.where(gt, vm, bv), jnp.where(gt, pm, bp)

            bv, bp = lax.fori_loop(0, V // UNR, _col, (ninf, zero16))
            base = k * CH + g * 16
            idxb[pl.ds(base, 16)] = bp
            scoreb[pl.ds(base, 16)] = bv

    for q in range(RW // 16):
        cur = idxb[pl.ds(q * 16, 16)]
        if q == 0:
            pv = plsc.load_gather(idxb, [jnp.maximum(iota - 1, 0)])
            pv = jnp.where(iota == 0, prev0, pv)
        else:
            pv = plsc.load_gather(idxb, [q * 16 - 1 + iota])
        kp = (cur != BLANK) & (cur != pv)
        keepb[pl.ds(q * 16, 16)] = kp.astype(jnp.int32)

    pltpu.sync_copy(idxb, idx_hbm.at[pl.ds(start, RW)])
    pltpu.sync_copy(keepb, keep_hbm.at[pl.ds(start, RW)])
    pltpu.sync_copy(scoreb, score_hbm.at[pl.ds(start, RW)])



BT = 2048
OFF = S_SC // BT
NBLK = (T - S_SC) // BT
TT = T - S_SC


def _tc_body(x_ref, idx_ref, keep_ref, score_ref, prev_ref):
    i = pl.program_id(0)

    @pl.when(i == 0)
    def _():
        prev_ref[0] = -1

    v = x_ref[:, 0:128]
    bestc = jnp.zeros((BT, 128), jnp.int32)
    for c in range(1, 8):
        u = x_ref[:, c * 128 : (c + 1) * 128]
        gt = u > v
        v = jnp.where(gt, u, v)
        bestc = jnp.where(gt, c, bestc)
    vT = v.T
    cT = bestc.T
    m = jnp.max(vT, axis=0)
    lane0 = jax.lax.broadcasted_iota(jnp.int32, (128, BT), 0)
    posT = cT * 128 + lane0
    cand = jnp.where(vT == m[None, :], posT, V)
    idx = jnp.min(cand, axis=0)
    prev_first = jnp.full((1,), prev_ref[0], dtype=jnp.int32)
    prev = jnp.concatenate([prev_first, idx[: BT - 1]])
    keep = (idx != BLANK) & (idx != prev)
    idx_ref[...] = idx
    keep_ref[...] = keep
    score_ref[...] = m
    prev_ref[0] = idx[BT - 1]


def _tc_decode(emission):
    return pl.pallas_call(
        _tc_body,
        grid=(NBLK,),
        in_specs=[pl.BlockSpec((BT, V), lambda i: (i + OFF, 0))],
        out_specs=[
            pl.BlockSpec((BT,), lambda i: (i,)),
            pl.BlockSpec((BT,), lambda i: (i,)),
            pl.BlockSpec((BT,), lambda i: (i,)),
        ],
        out_shape=[
            jax.ShapeDtypeStruct((TT,), jnp.int32),
            jax.ShapeDtypeStruct((TT,), jnp.bool_),
            jax.ShapeDtypeStruct((TT,), jnp.float32),
        ],
        scratch_shapes=[pltpu.SMEM((1,), jnp.int32)],
    )(emission)


def kernel(emission):
    idx_sc, keep_sci, score_sc = _sc_decode(emission[:S_SC])
    idx_tc, keep_tc, score_tc = _tc_decode(emission)
    k0 = (idx_tc[0] != BLANK) & (idx_tc[0] != idx_sc[S_SC - 1])
    keep_tc = keep_tc.at[0].set(k0)
    idx = jnp.concatenate([idx_sc, idx_tc])
    keep = jnp.concatenate([keep_sci.astype(bool), keep_tc])
    scores = jnp.concatenate([score_sc, score_tc])
    return idx, keep, scores

# --- scband reference (transcript-rebuilt; emitter-appended) ---
"""Pipeline reference for scband-greedy-ctcdecoder-24859270709878 (READ-ONLY COPY).

The authoritative reference and input builder live on the scoring server;
editing this copy changes nothing except your own understanding.
"""

import jax, jax.numpy as jnp
import numpy as np

SEQ_LEN = 32768
NUM_LABEL = 1024
BLANK = NUM_LABEL - 1  # <blank> appended as last vocab entry


def setup_inputs(seed: int = 0) -> dict:
    key = jax.random.key(seed)
    emission = jax.random.normal(key, (SEQ_LEN, NUM_LABEL), dtype=jnp.float32)
    return {"emission": emission}


def reference(emission):
    # Greedy CTC decode: per-timestep argmax over labels,
    # then collapse consecutive duplicates and drop blanks.
    idx = jnp.argmax(emission, axis=-1)                       # [T] int32
    best_scores = jnp.max(emission, axis=-1)                  # [T] float32 (logit of chosen label)
    prev = jnp.concatenate([jnp.full((1,), -1, dtype=idx.dtype), idx[:-1]])
    keep = (idx != BLANK) & (idx != prev)                     # [T] bool mask of emitted tokens
    # The torch module maps kept indices -> vocab words (List[str]);
    # here we return the index path, the keep-mask, and the chosen logits
    # (the array-valued equivalent of the transcript).
    return idx, keep, best_scores

if __name__ == "__main__":
    import jax
    _d = setup_inputs()
    print(jax.jit(kernel)(*tuple(_d.values())))

</pallas_src>

<mosaic_0001>
#map = affine_map<(d0, d1) -> (0, 0)>
#map1 = affine_map<(d0, d1) -> (0)>
module attributes {stable_mosaic.version = 14 : i64} {
  func.func @_sc_decode(%arg0: i32, %arg1: i32, %arg2: memref<6144x1024xf32, #tpu.memory_space<hbm>>, %arg3: memref<6144xi32, #tpu.memory_space<hbm>>, %arg4: memref<6144xi32, #tpu.memory_space<hbm>>, %arg5: memref<6144xf32, #tpu.memory_space<hbm>>, %arg6: memref<2x32x1025xf32, #tpu.memory_space<vmem>>, %arg7: memref<192xi32, #tpu.memory_space<vmem>>, %arg8: memref<192xf32, #tpu.memory_space<vmem>>, %arg9: memref<192xi32, #tpu.memory_space<vmem>>, %arg10: memref<1024xf32, #tpu.memory_space<vmem>>, %arg11: memref<16xf32, #tpu.memory_space<vmem>>, %arg12: memref<16xi32, #tpu.memory_space<vmem>>, %arg13: memref<!tpu.dma_semaphore, #tpu.memory_space<semaphore_mem>>, %arg14: memref<!tpu.dma_semaphore, #tpu.memory_space<semaphore_mem>>) attributes {dimension_semantics = [#tpu.dimension_semantics<core_parallel>, #tpu.dimension_semantics<subcore_parallel>], iteration_bounds = array<i64: 2, 16>, scalar_prefetch = 0 : i64, scratch_operands = 9 : i64, tpu.core_type = #tpu.core_type<sc_vector_subcore>, window_params = [{transform_indices = #map}, {transform_indices = #map1}, {transform_indices = #map1}, {transform_indices = #map1}]} {
    %mul3A = arith.constant 16 : i32
    %mul3A_0 = arith.muli %arg0, %mul3A : i32
    %add3A = arith.addi %mul3A_0, %arg1 : i32
    %mul3A_1 = arith.constant 192 : i32
    %mul3A_2 = arith.muli %add3A, %mul3A_1 : i32
    %iota3A = tpu.iota {dimensions = array<i32: 0>} : vector<16xi32>
    %gt3A = arith.constant 0 : i32
    %gt3A_3 = arith.cmpi sgt, %add3A, %gt3A : i32
    %convert_element_type3A = arith.extui %gt3A_3 : i1 to i32
    %cond3A = arith.constant 0 : i32
    %cond3A_4 = arith.cmpi ne, %convert_element_type3A, %cond3A : i32
    scf.if %cond3A_4 {
      %sub3A_680 = arith.constant 1 : i32
      %sub3A_681 = arith.subi %mul3A_2, %sub3A_680 : i32
      "tpu.region"() ({
        %run_scoped3A = tpu.sem_alloc : memref<!tpu.dma_semaphore, #tpu.memory_space<semaphore_mem>>
        %dma_start3A_682 = arith.constant 0 : i32
        %dma_start3A_683 = tpu.memref_slice %arg2[%sub3A_681, %dma_start3A_682] : memref<6144x1024xf32, #tpu.memory_space<hbm>> -> memref<1x1024xf32, #tpu.memory_space<hbm>>
        %dma_start3A_684 = tpu.memref_squeeze %dma_start3A_683 : memref<1x1024xf32, #tpu.memory_space<hbm>> -> memref<1024xf32, #tpu.memory_space<hbm>>
        %dma_start3A_685 = arith.constant 0 : i32
        %dma_start3A_686 = tpu.memref_slice %arg2[%sub3A_681, %dma_start3A_685] : memref<6144x1024xf32, #tpu.memory_space<hbm>> -> memref<1x1024xf32, #tpu.memory_space<hbm>>
        %dma_start3A_687 = tpu.memref_squeeze %dma_start3A_686 : memref<1x1024xf32, #tpu.memory_space<hbm>> -> memref<1024xf32, #tpu.memory_space<hbm>>
        tpu.enqueue_dma source(%dma_start3A_687 : memref<1024xf32, #tpu.memory_space<hbm>>) target(%arg10 : memref<1024xf32, #tpu.memory_space<vmem>>) target_semaphore(%run_scoped3A : memref<!tpu.dma_semaphore, #tpu.memory_space<semaphore_mem>>)
        %dma_wait3A_688 = arith.constant 0 : i32
        %dma_wait3A_689 = tpu.memref_slice %arg2[%sub3A_681, %dma_wait3A_688] : memref<6144x1024xf32, #tpu.memory_space<hbm>> -> memref<1x1024xf32, #tpu.memory_space<hbm>>
        %dma_wait3A_690 = tpu.memref_squeeze %dma_wait3A_689 : memref<1x1024xf32, #tpu.memory_space<hbm>> -> memref<1024xf32, #tpu.memory_space<hbm>>
        %dma_wait3A_691 = arith.constant 0 : i32
        %dma_wait3A_692 = tpu.memref_slice %arg2[%sub3A_681, %dma_wait3A_691] : memref<6144x1024xf32, #tpu.memory_space<hbm>> -> memref<1x1024xf32, #tpu.memory_space<hbm>>
        %dma_wait3A_693 = tpu.memref_squeeze %dma_wait3A_692 : memref<1x1024xf32, #tpu.memory_space<hbm>> -> memref<1024xf32, #tpu.memory_space<hbm>>
        tpu.wait_dma2 semaphore(%run_scoped3A : memref<!tpu.dma_semaphore, #tpu.memory_space<semaphore_mem>>) src(%dma_wait3A_693 : memref<1024xf32, #tpu.memory_space<hbm>>) dst(%arg10 : memref<1024xf32, #tpu.memory_space<vmem>>)
        tpu.yield
      }) : () -> ()
    } else {
    }
    %get3A = arith.constant 0 : index
    %get3A_5 = tpu.vector_load %arg10[%get3A] {strides = array<i32>} : memref<1024xf32, #tpu.memory_space<vmem>>, vector<16xf32>,
    %scan3A = arith.constant 1 : i32
    %scan3A_6 = arith.constant 63 : i32
    %scan3A_7 = arith.addi %scan3A, %scan3A_6 : i32
    %scan3A_8 = arith.constant 1 : i32
    %scan3A_9:2 = scf.for %scan3A_680 = %scan3A to %scan3A_7 step %scan3A_8 iter_args(%scan3A_681 = %get3A_5, %scan3A_682 = %iota3A) -> (vector<16xf32>, vector<16xi32>)  : i32 {
      %mul3A_683 = arith.constant 16 : i32
      %mul3A_684 = arith.muli %scan3A_680, %mul3A_683 : i32
      %get3A_685 = arith.index_cast %mul3A_684 : i32 to index
      %get3A_686 = tpu.vector_load %arg10[%get3A_685] {strides = array<i32>} : memref<1024xf32, #tpu.memory_space<vmem>>, vector<16xf32>,
      %gt3A_687 = arith.cmpf ogt, %get3A_686, %scan3A_681 : vector<16xf32>
      %select_n3A_688 = arith.select %gt3A_687, %get3A_686, %scan3A_681 : vector<16xi1>, vector<16xf32>
      %mul3A_689 = arith.constant 16 : i32
      %mul3A_690 = arith.muli %scan3A_680, %mul3A_689 : i32
      %add3A_691 = vector.broadcast %mul3A_690 : i32 to vector<16xi32>
      %add3A_692 = arith.addi %add3A_691, %iota3A : vector<16xi32>
      %select_n3A_693 = arith.select %gt3A_687, %add3A_692, %scan3A_682 : vector<16xi1>, vector<16xi32>
      scf.yield %select_n3A_688, %select_n3A_693 : vector<16xf32>, vector<16xi32>
    }
    %scan3A_10 = arith.constant 63 : i32
    %slice3A = vector.extract_strided_slice %scan3A_9#0 {offsets = [0], sizes = [1], strides = [1]} : vector<16xf32> to vector<1xf32>
    %squeeze3A = vector.extract %slice3A[0] : f32 from vector<1xf32>
    %slice3A_11 = vector.extract_strided_slice %scan3A_9#1 {offsets = [0], sizes = [1], strides = [1]} : vector<16xi32> to vector<1xi32>
    %squeeze3A_12 = vector.extract %slice3A_11[0] : i32 from vector<1xi32>
    %slice3A_13 = vector.extract_strided_slice %scan3A_9#0 {offsets = [1], sizes = [1], strides = [1]} : vector<16xf32> to vector<1xf32>
    %squeeze3A_14 = vector.extract %slice3A_13[0] : f32 from vector<1xf32>
    %slice3A_15 = vector.extract_strided_slice %scan3A_9#1 {offsets = [1], sizes = [1], strides = [1]} : vector<16xi32> to vector<1xi32>
    %squeeze3A_16 = vector.extract %slice3A_15[0] : i32 from vector<1xi32>
    %gt3A_17 = arith.cmpf ogt, %squeeze3A_14, %squeeze3A : f32
    %eq3A = arith.cmpf oeq, %squeeze3A_14, %squeeze3A : f32
    %min3A = arith.minsi %squeeze3A_12, %squeeze3A_16 : i32
    %select_n3A = arith.select %eq3A, %min3A, %squeeze3A_12 : i32
    %select_n3A_18 = arith.select %gt3A_17, %squeeze3A_16, %select_n3A : i32
    %max3A = arith.maximumf %squeeze3A, %squeeze3A_14 : f32
    %slice3A_19 = vector.extract_strided_slice %scan3A_9#0 {offsets = [2], sizes = [1], strides = [1]} : vector<16xf32> to vector<1xf32>
    %squeeze3A_20 = vector.extract %slice3A_19[0] : f32 from vector<1xf32>
    %slice3A_21 = vector.extract_strided_slice %scan3A_9#1 {offsets = [2], sizes = [1], strides = [1]} : vector<16xi32> to vector<1xi32>
    %squeeze3A_22 = vector.extract %slice3A_21[0] : i32 from vector<1xi32>
    %gt3A_23 = arith.cmpf ogt, %squeeze3A_20, %max3A : f32
    %eq3A_24 = arith.cmpf oeq, %squeeze3A_20, %max3A : f32
    %min3A_25 = arith.minsi %select_n3A_18, %squeeze3A_22 : i32
    %select_n3A_26 = arith.select %eq3A_24, %min3A_25, %select_n3A_18 : i32
    %select_n3A_27 = arith.select %gt3A_23, %squeeze3A_22, %select_n3A_26 : i32
    %max3A_28 = arith.maximumf %max3A, %squeeze3A_20 : f32
    %slice3A_29 = vector.extract_strided_slice %scan3A_9#0 {offsets = [3], sizes = [1], strides = [1]} : vector<16xf32> to vector<1xf32>
    %squeeze3A_30 = vector.extract %slice3A_29[0] : f32 from vector<1xf32>
    %slice3A_31 = vector.extract_strided_slice %scan3A_9#1 {offsets = [3], sizes = [1], strides = [1]} : vector<16xi32> to vector<1xi32>
    %squeeze3A_32 = vector.extract %slice3A_31[0] : i32 from vector<1xi32>
    %gt3A_33 = arith.cmpf ogt, %squeeze3A_30, %max3A_28 : f32
    %eq3A_34 = arith.cmpf oeq, %squeeze3A_30, %max3A_28 : f32
    %min3A_35 = arith.minsi %select_n3A_27, %squeeze3A_32 : i32
    %select_n3A_36 = arith.select %eq3A_34, %min3A_35, %select_n3A_27 : i32
    %select_n3A_37 = arith.select %gt3A_33, %squeeze3A_32, %select_n3A_36 : i32
    %max3A_38 = arith.maximumf %max3A_28, %squeeze3A_30 : f32
    %slice3A_39 = vector.extract_strided_slice %scan3A_9#0 {offsets = [4], sizes = [1], strides = [1]} : vector<16xf32> to vector<1xf32>
    %squeeze3A_40 = vector.extract %slice3A_39[0] : f32 from vector<1xf32>
    %slice3A_41 = vector.extract_strided_slice %scan3A_9#1 {offsets = [4], sizes = [1], strides = [1]} : vector<16xi32> to vector<1xi32>
    %squeeze3A_42 = vector.extract %slice3A_41[0] : i32 from vector<1xi32>
    %gt3A_43 = arith.cmpf ogt, %squeeze3A_40, %max3A_38 : f32
    %eq3A_44 = arith.cmpf oeq, %squeeze3A_40, %max3A_38 : f32
    %min3A_45 = arith.minsi %select_n3A_37, %squeeze3A_42 : i32
    %select_n3A_46 = arith.select %eq3A_44, %min3A_45, %select_n3A_37 : i32
    %select_n3A_47 = arith.select %gt3A_43, %squeeze3A_42, %select_n3A_46 : i32
    %max3A_48 = arith.maximumf %max3A_38, %squeeze3A_40 : f32
    %slice3A_49 = vector.extract_strided_slice %scan3A_9#0 {offsets = [5], sizes = [1], strides = [1]} : vector<16xf32> to vector<1xf32>
    %squeeze3A_50 = vector.extract %slice3A_49[0] : f32 from vector<1xf32>
    %slice3A_51 = vector.extract_strided_slice %scan3A_9#1 {offsets = [5], sizes = [1], strides = [1]} : vector<16xi32> to vector<1xi32>
    %squeeze3A_52 = vector.extract %slice3A_51[0] : i32 from vector<1xi32>
    %gt3A_53 = arith.cmpf ogt, %squeeze3A_50, %max3A_48 : f32
    %eq3A_54 = arith.cmpf oeq, %squeeze3A_50, %max3A_48 : f32
    %min3A_55 = arith.minsi %select_n3A_47, %squeeze3A_52 : i32
    %select_n3A_56 = arith.select %eq3A_54, %min3A_55, %select_n3A_47 : i32
    %select_n3A_57 = arith.select %gt3A_53, %squeeze3A_52, %select_n3A_56 : i32
    %max3A_58 = arith.maximumf %max3A_48, %squeeze3A_50 : f32
    %slice3A_59 = vector.extract_strided_slice %scan3A_9#0 {offsets = [6], sizes = [1], strides = [1]} : vector<16xf32> to vector<1xf32>
    %squeeze3A_60 = vector.extract %slice3A_59[0] : f32 from vector<1xf32>
    %slice3A_61 = vector.extract_strided_slice %scan3A_9#1 {offsets = [6], sizes = [1], strides = [1]} : vector<16xi32> to vector<1xi32>
    %squeeze3A_62 = vector.extract %slice3A_61[0] : i32 from vector<1xi32>
    %gt3A_63 = arith.cmpf ogt, %squeeze3A_60, %max3A_58 : f32
    %eq3A_64 = arith.cmpf oeq, %squeeze3A_60, %max3A_58 : f32
    %min3A_65 = arith.minsi %select_n3A_57, %squeeze3A_62 : i32
    %select_n3A_66 = arith.select %eq3A_64, %min3A_65, %select_n3A_57 : i32
    %select_n3A_67 = arith.select %gt3A_63, %squeeze3A_62, %select_n3A_66 : i32
    %max3A_68 = arith.maximumf %max3A_58, %squeeze3A_60 : f32
    %slice3A_69 = vector.extract_strided_slice %scan3A_9#0 {offsets = [7], sizes = [1], strides = [1]} : vector<16xf32> to vector<1xf32>
    %squeeze3A_70 = vector.extract %slice3A_69[0] : f32 from vector<1xf32>
    %slice3A_71 = vector.extract_strided_slice %scan3A_9#1 {offsets = [7], sizes = [1], strides = [1]} : vector<16xi32> to vector<1xi32>
    %squeeze3A_72 = vector.extract %slice3A_71[0] : i32 from vector<1xi32>
    %gt3A_73 = arith.cmpf ogt, %squeeze3A_70, %max3A_68 : f32
    %eq3A_74 = arith.cmpf oeq, %squeeze3A_70, %max3A_68 : f32
    %min3A_75 = arith.minsi %select_n3A_67, %squeeze3A_72 : i32
    %select_n3A_76 = arith.select %eq3A_74, %min3A_75, %select_n3A_67 : i32
    %select_n3A_77 = arith.select %gt3A_73, %squeeze3A_72, %select_n3A_76 : i32
    %max3A_78 = arith.maximumf %max3A_68, %squeeze3A_70 : f32
    %slice3A_79 = vector.extract_strided_slice %scan3A_9#0 {offsets = [8], sizes = [1], strides = [1]} : vector<16xf32> to vector<1xf32>
    %squeeze3A_80 = vector.extract %slice3A_79[0] : f32 from vector<1xf32>
    %slice3A_81 = vector.extract_strided_slice %scan3A_9#1 {offsets = [8], sizes = [1], strides = [1]} : vector<16xi32> to vector<1xi32>
    %squeeze3A_82 = vector.extract %slice3A_81[0] : i32 from vector<1xi32>
    %gt3A_83 = arith.cmpf ogt, %squeeze3A_80, %max3A_78 : f32
    %eq3A_84 = arith.cmpf oeq, %squeeze3A_80, %max3A_78 : f32
    %min3A_85 = arith.minsi %select_n3A_77, %squeeze3A_82 : i32
    %select_n3A_86 = arith.select %eq3A_84, %min3A_85, %select_n3A_77 : i32
    %select_n3A_87 = arith.select %gt3A_83, %squeeze3A_82, %select_n3A_86 : i32
    %max3A_88 = arith.maximumf %max3A_78, %squeeze3A_80 : f32
    %slice3A_89 = vector.extract_strided_slice %scan3A_9#0 {offsets = [9], sizes = [1], strides = [1]} : vector<16xf32> to vector<1xf32>
    %squeeze3A_90 = vector.extract %slice3A_89[0] : f32 from vector<1xf32>
    %slice3A_91 = vector.extract_strided_slice %scan3A_9#1 {offsets = [9], sizes = [1], strides = [1]} : vector<16xi32> to vector<1xi32>
    %squeeze3A_92 = vector.extract %slice3A_91[0] : i32 from vector<1xi32>
    %gt3A_93 = arith.cmpf ogt, %squeeze3A_90, %max3A_88 : f32
    %eq3A_94 = arith.cmpf oeq, %squeeze3A_90, %max3A_88 : f32
    %min3A_95 = arith.minsi %select_n3A_87, %squeeze3A_92 : i32
    %select_n3A_96 = arith.select %eq3A_94, %min3A_95, %select_n3A_87 : i32
    %select_n3A_97 = arith.select %gt3A_93, %squeeze3A_92, %select_n3A_96 : i32
    %max3A_98 = arith.maximumf %max3A_88, %squeeze3A_90 : f32
    %slice3A_99 = vector.extract_strided_slice %scan3A_9#0 {offsets = [10], sizes = [1], strides = [1]} : vector<16xf32> to vector<1xf32>
    %squeeze3A_100 = vector.extract %slice3A_99[0] : f32 from vector<1xf32>
    %slice3A_101 = vector.extract_strided_slice %scan3A_9#1 {offsets = [10], sizes = [1], strides = [1]} : vector<16xi32> to vector<1xi32>
    %squeeze3A_102 = vector.extract %slice3A_101[0] : i32 from vector<1xi32>
    %gt3A_103 = arith.cmpf ogt, %squeeze3A_100, %max3A_98 : f32
    %eq3A_104 = arith.cmpf oeq, %squeeze3A_100, %max3A_98 : f32
    %min3A_105 = arith.minsi %select_n3A_97, %squeeze3A_102 : i32
    %select_n3A_106 = arith.select %eq3A_104, %min3A_105, %select_n3A_97 : i32
    %select_n3A_107 = arith.select %gt3A_103, %squeeze3A_102, %select_n3A_106 : i32
    %max3A_108 = arith.maximumf %max3A_98, %squeeze3A_100 : f32
    %slice3A_109 = vector.extract_strided_slice %scan3A_9#0 {offsets = [11], sizes = [1], strides = [1]} : vector<16xf32> to vector<1xf32>
    %squeeze3A_110 = vector.extract %slice3A_109[0] : f32 from vector<1xf32>
    %slice3A_111 = vector.extract_strided_slice %scan3A_9#1 {offsets = [11], sizes = [1], strides = [1]} : vector<16xi32> to vector<1xi32>
    %squeeze3A_112 = vector.extract %slice3A_111[0] : i32 from vector<1xi32>
    %gt3A_113 = arith.cmpf ogt, %squeeze3A_110, %max3A_108 : f32
    %eq3A_114 = arith.cmpf oeq, %squeeze3A_110, %max3A_108 : f32
    %min3A_115 = arith.minsi %select_n3A_107, %squeeze3A_112 : i32
    %select_n3A_116 = arith.select %eq3A_114, %min3A_115, %select_n3A_107 : i32
    %select_n3A_117 = arith.select %gt3A_113, %squeeze3A_112, %select_n3A_116 : i32
    %max3A_118 = arith.maximumf %max3A_108, %squeeze3A_110 : f32
    %slice3A_119 = vector.extract_strided_slice %scan3A_9#0 {offsets = [12], sizes = [1], strides = [1]} : vector<16xf32> to vector<1xf32>
    %squeeze3A_120 = vector.extract %slice3A_119[0] : f32 from vector<1xf32>
    %slice3A_121 = vector.extract_strided_slice %scan3A_9#1 {offsets = [12], sizes = [1], strides = [1]} : vector<16xi32> to vector<1xi32>
    %squeeze3A_122 = vector.extract %slice3A_121[0] : i32 from vector<1xi32>
    %gt3A_123 = arith.cmpf ogt, %squeeze3A_120, %max3A_118 : f32
    %eq3A_124 = arith.cmpf oeq, %squeeze3A_120, %max3A_118 : f32
    %min3A_125 = arith.minsi %select_n3A_117, %squeeze3A_122 : i32
    %select_n3A_126 = arith.select %eq3A_124, %min3A_125, %select_n3A_117 : i32
    %select_n3A_127 = arith.select %gt3A_123, %squeeze3A_122, %select_n3A_126 : i32
    %max3A_128 = arith.maximumf %max3A_118, %squeeze3A_120 : f32
    %slice3A_129 = vector.extract_strided_slice %scan3A_9#0 {offsets = [13], sizes = [1], strides = [1]} : vector<16xf32> to vector<1xf32>
    %squeeze3A_130 = vector.extract %slice3A_129[0] : f32 from vector<1xf32>
    %slice3A_131 = vector.extract_strided_slice %scan3A_9#1 {offsets = [13], sizes = [1], strides = [1]} : vector<16xi32> to vector<1xi32>
    %squeeze3A_132 = vector.extract %slice3A_131[0] : i32 from vector<1xi32>
    %gt3A_133 = arith.cmpf ogt, %squeeze3A_130, %max3A_128 : f32
    %eq3A_134 = arith.cmpf oeq, %squeeze3A_130, %max3A_128 : f32
    %min3A_135 = arith.minsi %select_n3A_127, %squeeze3A_132 : i32
    %select_n3A_136 = arith.select %eq3A_134, %min3A_135, %select_n3A_127 : i32
    %select_n3A_137 = arith.select %gt3A_133, %squeeze3A_132, %select_n3A_136 : i32
    %max3A_138 = arith.maximumf %max3A_128, %squeeze3A_130 : f32
    %slice3A_139 = vector.extract_strided_slice %scan3A_9#0 {offsets = [14], sizes = [1], strides = [1]} : vector<16xf32> to vector<1xf32>
    %squeeze3A_140 = vector.extract %slice3A_139[0] : f32 from vector<1xf32>
    %slice3A_141 = vector.extract_strided_slice %scan3A_9#1 {offsets = [14], sizes = [1], strides = [1]} : vector<16xi32> to vector<1xi32>
    %squeeze3A_142 = vector.extract %slice3A_141[0] : i32 from vector<1xi32>
    %gt3A_143 = arith.cmpf ogt, %squeeze3A_140, %max3A_138 : f32
    %eq3A_144 = arith.cmpf oeq, %squeeze3A_140, %max3A_138 : f32
    %min3A_145 = arith.minsi %select_n3A_137, %squeeze3A_142 : i32
    %select_n3A_146 = arith.select %eq3A_144, %min3A_145, %select_n3A_137 : i32
    %select_n3A_147 = arith.select %gt3A_143, %squeeze3A_142, %select_n3A_146 : i32
    %max3A_148 = arith.maximumf %max3A_138, %squeeze3A_140 : f32
    %slice3A_149 = vector.extract_strided_slice %scan3A_9#0 {offsets = [15], sizes = [1], strides = [1]} : vector<16xf32> to vector<1xf32>
    %squeeze3A_150 = vector.extract %slice3A_149[0] : f32 from vector<1xf32>
    %slice3A_151 = vector.extract_strided_slice %scan3A_9#1 {offsets = [15], sizes = [1], strides = [1]} : vector<16xi32> to vector<1xi32>
    %squeeze3A_152 = vector.extract %slice3A_151[0] : i32 from vector<1xi32>
    %gt3A_153 = arith.cmpf ogt, %squeeze3A_150, %max3A_148 : f32
    %eq3A_154 = arith.cmpf oeq, %squeeze3A_150, %max3A_148 : f32
    %min3A_155 = arith.minsi %select_n3A_147, %squeeze3A_152 : i32
    %select_n3A_156 = arith.select %eq3A_154, %min3A_155, %select_n3A_147 : i32
    %select_n3A_157 = arith.select %gt3A_153, %squeeze3A_152, %select_n3A_156 : i32
    %max3A_158 = arith.maximumf %max3A_148, %squeeze3A_150 : f32
    %gt3A_159 = arith.constant 0 : i32
    %gt3A_160 = arith.cmpi sgt, %add3A, %gt3A_159 : i32
    %jit3A = arith.constant -1 : i32
    %select_n3A_161 = arith.select %gt3A_160, %select_n3A_157, %jit3A : i32
    %dma_start3A = arith.constant 0 : i32
    %dma_start3A_162 = arith.constant 0 : i32
    %dma_start3A_163 = arith.constant 0 : i32
    %dma_start3A_164 = tpu.memref_slice %arg6[%dma_start3A, %dma_start3A_162, %dma_start3A_163] : memref<2x32x1025xf32, #tpu.memory_space<vmem>> -> memref<1x32x1024xf32, #tpu.memory_space<vmem>>
    %dma_start3A_165 = tpu.memref_squeeze %dma_start3A_164 : memref<1x32x1024xf32, #tpu.memory_space<vmem>> -> memref<32x1024xf32, #tpu.memory_space<vmem>>
    %dma_start3A_166 = arith.constant 0 : i32
    %dma_start3A_167 = tpu.memref_slice %arg2[%mul3A_2, %dma_start3A_166] : memref<6144x1024xf32, #tpu.memory_space<hbm>> -> memref<32x1024xf32, #tpu.memory_space<hbm>>
    %dma_start3A_168 = arith.constant 0 : i32
    %dma_start3A_169 = arith.constant 0 : i32
    %dma_start3A_170 = tpu.memref_slice %arg6[%dma_start3A, %dma_start3A_168, %dma_start3A_169] : memref<2x32x1025xf32, #tpu.memory_space<vmem>> -> memref<1x32x1024xf32, #tpu.memory_space<vmem>>
    %dma_start3A_171 = tpu.memref_squeeze %dma_start3A_170 : memref<1x32x1024xf32, #tpu.memory_space<vmem>> -> memref<32x1024xf32, #tpu.memory_space<vmem>>
    %dma_start3A_172 = arith.constant 0 : i32
    %dma_start3A_173 = tpu.memref_slice %arg2[%mul3A_2, %dma_start3A_172] : memref<6144x1024xf32, #tpu.memory_space<hbm>> -> memref<32x1024xf32, #tpu.memory_space<hbm>>
    tpu.enqueue_dma source(%dma_start3A_173 : memref<32x1024xf32, #tpu.memory_space<hbm>>) target(%dma_start3A_171 : memref<32x1024xf32, #tpu.memory_space<vmem>>) target_semaphore(%arg13 : memref<!tpu.dma_semaphore, #tpu.memory_space<semaphore_mem>>)
    %broadcast_in_dim3A = arith.constant 0xFF800000 : f32
    %broadcast_in_dim3A_174 = vector.broadcast %broadcast_in_dim3A : f32 to vector<16xf32>
    %broadcast_in_dim3A_175 = arith.constant 0 : i32
    %broadcast_in_dim3A_176 = vector.broadcast %broadcast_in_dim3A_175 : i32 to vector<16xi32>
    %add3A_177 = arith.constant 32 : i32
    %add3A_178 = arith.addi %mul3A_2, %add3A_177 : i32
    %dma_start3A_179 = arith.constant 1 : i32
    %dma_start3A_180 = arith.constant 0 : i32
    %dma_start3A_181 = arith.constant 0 : i32
    %dma_start3A_182 = tpu.memref_slice %arg6[%dma_start3A_179, %dma_start3A_180, %dma_start3A_181] : memref<2x32x1025xf32, #tpu.memory_space<vmem>> -> memref<1x32x1024xf32, #tpu.memory_space<vmem>>
    %dma_start3A_183 = tpu.memref_squeeze %dma_start3A_182 : memref<1x32x1024xf32, #tpu.memory_space<vmem>> -> memref<32x1024xf32, #tpu.memory_space<vmem>>
    %dma_start3A_184 = arith.constant 0 : i32
    %dma_start3A_185 = tpu.memref_slice %arg2[%add3A_178, %dma_start3A_184] : memref<6144x1024xf32, #tpu.memory_space<hbm>> -> memref<32x1024xf32, #tpu.memory_space<hbm>>
    %dma_start3A_186 = arith.constant 0 : i32
    %dma_start3A_187 = arith.constant 0 : i32
    %dma_start3A_188 = tpu.memref_slice %arg6[%dma_start3A_179, %dma_start3A_186, %dma_start3A_187] : memref<2x32x1025xf32, #tpu.memory_space<vmem>> -> memref<1x32x1024xf32, #tpu.memory_space<vmem>>
    %dma_start3A_189 = tpu.memref_squeeze %dma_start3A_188 : memref<1x32x1024xf32, #tpu.memory_space<vmem>> -> memref<32x1024xf32, #tpu.memory_space<vmem>>
    %dma_start3A_190 = arith.constant 0 : i32
    %dma_start3A_191 = tpu.memref_slice %arg2[%add3A_178, %dma_start3A_190] : memref<6144x1024xf32, #tpu.memory_space<hbm>> -> memref<32x1024xf32, #tpu.memory_space<hbm>>
    tpu.enqueue_dma source(%dma_start3A_191 : memref<32x1024xf32, #tpu.memory_space<hbm>>) target(%dma_start3A_189 : memref<32x1024xf32, #tpu.memory_space<vmem>>) target_semaphore(%arg14 : memref<!tpu.dma_semaphore, #tpu.memory_space<semaphore_mem>>)
    %add3A_192 = arith.constant 0 : i32
    %add3A_193 = arith.addi %mul3A_2, %add3A_192 : i32
    %dma_wait3A = arith.constant 0 : i32
    %dma_wait3A_194 = arith.constant 0 : i32
    %dma_wait3A_195 = arith.constant 0 : i32
    %dma_wait3A_196 = tpu.memref_slice %arg6[%dma_wait3A, %dma_wait3A_194, %dma_wait3A_195] : memref<2x32x1025xf32, #tpu.memory_space<vmem>> -> memref<1x32x1024xf32, #tpu.memory_space<vmem>>
    %dma_wait3A_197 = tpu.memref_squeeze %dma_wait3A_196 : memref<1x32x1024xf32, #tpu.memory_space<vmem>> -> memref<32x1024xf32, #tpu.memory_space<vmem>>
    %dma_wait3A_198 = arith.constant 0 : i32
    %dma_wait3A_199 = tpu.memref_slice %arg2[%add3A_193, %dma_wait3A_198] : memref<6144x1024xf32, #tpu.memory_space<hbm>> -> memref<32x1024xf32, #tpu.memory_space<hbm>>
    %dma_wait3A_200 = arith.constant 0 : i32
    %dma_wait3A_201 = arith.constant 0 : i32
    %dma_wait3A_202 = tpu.memref_slice %arg6[%dma_wait3A, %dma_wait3A_200, %dma_wait3A_201] : memref<2x32x1025xf32, #tpu.memory_space<vmem>> -> memref<1x32x1024xf32, #tpu.memory_space<vmem>>
    %dma_wait3A_203 = tpu.memref_squeeze %dma_wait3A_202 : memref<1x32x1024xf32, #tpu.memory_space<vmem>> -> memref<32x1024xf32, #tpu.memory_space<vmem>>
    %dma_wait3A_204 = arith.constant 0 : i32
    %dma_wait3A_205 = tpu.memref_slice %arg2[%add3A_193, %dma_wait3A_204] : memref<6144x1024xf32, #tpu.memory_space<hbm>> -> memref<32x1024xf32, #tpu.memory_space<hbm>>
    tpu.wait_dma2 semaphore(%arg13 : memref<!tpu.dma_semaphore, #tpu.memory_space<semaphore_mem>>) src(%dma_wait3A_205 : memref<32x1024xf32, #tpu.memory_space<hbm>>) dst(%dma_wait3A_203 : memref<32x1024xf32, #tpu.memory_space<vmem>>)
    %add3A_206 = arith.constant 0 : i32
    %add3A_207 = vector.broadcast %add3A_206 : i32 to vector<16xi32>
    %add3A_208 = arith.addi %iota3A, %add3A_207 : vector<16xi32>
    %scan3A_209 = arith.constant 0 : i32
    %scan3A_210 = arith.constant 0 : i32
    %scan3A_211 = arith.constant 128 : i32
    %scan3A_212 = arith.addi %scan3A_210, %scan3A_211 : i32
    %scan3A_213 = arith.constant 1 : i32
    %scan3A_214:2 = scf.for %scan3A_680 = %scan3A_210 to %scan3A_212 step %scan3A_213 iter_args(%scan3A_681 = %broadcast_in_dim3A_174, %scan3A_682 = %broadcast_in_dim3A_176) -> (vector<16xf32>, vector<16xi32>)  : i32 {
      %mul3A_683 = arith.constant 8 : i32
      %mul3A_684 = arith.muli %mul3A_683, %scan3A_680 : i32
      %broadcast_in_dim3A_685 = vector.broadcast %mul3A_684 : i32 to vector<16xi32>
      %add3A_686 = arith.constant 1 : i32
      %add3A_687 = vector.broadcast %add3A_686 : i32 to vector<16xi32>
      %add3A_688 = arith.addi %broadcast_in_dim3A_685, %add3A_687 : vector<16xi32>
      %add3A_689 = arith.constant 2 : i32
      %add3A_690 = vector.broadcast %add3A_689 : i32 to vector<16xi32>
      %add3A_691 = arith.addi %broadcast_in_dim3A_685, %add3A_690 : vector<16xi32>
      %add3A_692 = arith.constant 3 : i32
      %add3A_693 = vector.broadcast %add3A_692 : i32 to vector<16xi32>
      %add3A_694 = arith.addi %broadcast_in_dim3A_685, %add3A_693 : vector<16xi32>
      %add3A_695 = arith.constant 4 : i32
      %add3A_696 = vector.broadcast %add3A_695 : i32 to vector<16xi32>
      %add3A_697 = arith.addi %broadcast_in_dim3A_685, %add3A_696 : vector<16xi32>
      %add3A_698 = arith.constant 5 : i32
      %add3A_699 = vector.broadcast %add3A_698 : i32 to vector<16xi32>
      %add3A_700 = arith.addi %broadcast_in_dim3A_685, %add3A_699 : vector<16xi32>
      %add3A_701 = arith.constant 6 : i32
      %add3A_702 = vector.broadcast %add3A_701 : i32 to vector<16xi32>
      %add3A_703 = arith.addi %broadcast_in_dim3A_685, %add3A_702 : vector<16xi32>
      %add3A_704 = arith.constant 7 : i32
      %add3A_705 = vector.broadcast %add3A_704 : i32 to vector<16xi32>
      %add3A_706 = arith.addi %broadcast_in_dim3A_685, %add3A_705 : vector<16xi32>
      %gather3A_707 = arith.constant 0 : i32
      %gather3A_708 = arith.constant 0 : i32
      %gather3A_709 = tpu.memref_slice %arg6[%scan3A_209, %gather3A_707, %gather3A_708] : memref<2x32x1025xf32, #tpu.memory_space<vmem>> -> memref<1x32x1025xf32, #tpu.memory_space<vmem>>
      %gather3A_710 = tpu.memref_squeeze %gather3A_709 : memref<1x32x1025xf32, #tpu.memory_space<vmem>> -> memref<32x1025xf32, #tpu.memory_space<vmem>>
      %gather3A_711 = tpu.vector_load_idx %gather3A_710[%add3A_208, %broadcast_in_dim3A_685] : memref<32x1025xf32, #tpu.memory_space<vmem>>[vector<16xi32>, vector<16xi32>], vector<16xf32>,
      %gather3A_712 = arith.constant 0 : i32
      %gather3A_713 = arith.constant 0 : i32
      %gather3A_714 = tpu.memref_slice %arg6[%scan3A_209, %gather3A_712, %gather3A_713] : memref<2x32x1025xf32, #tpu.memory_space<vmem>> -> memref<1x32x1025xf32, #tpu.memory_space<vmem>>
      %gather3A_715 = tpu.memref_squeeze %gather3A_714 : memref<1x32x1025xf32, #tpu.memory_space<vmem>> -> memref<32x1025xf32, #tpu.memory_space<vmem>>
      %gather3A_716 = tpu.vector_load_idx %gather3A_715[%add3A_208, %add3A_688] : memref<32x1025xf32, #tpu.memory_space<vmem>>[vector<16xi32>, vector<16xi32>], vector<16xf32>,
      %gather3A_717 = arith.constant 0 : i32
      %gather3A_718 = arith.constant 0 : i32
      %gather3A_719 = tpu.memref_slice %arg6[%scan3A_209, %gather3A_717, %gather3A_718] : memref<2x32x1025xf32, #tpu.memory_space<vmem>> -> memref<1x32x1025xf32, #tpu.memory_space<vmem>>
      %gather3A_720 = tpu.memref_squeeze %gather3A_719 : memref<1x32x1025xf32, #tpu.memory_space<vmem>> -> memref<32x1025xf32, #tpu.memory_space<vmem>>
      %gather3A_721 = tpu.vector_load_idx %gather3A_720[%add3A_208, %add3A_691] : memref<32x1025xf32, #tpu.memory_space<vmem>>[vector<16xi32>, vector<16xi32>], vector<16xf32>,
      %gather3A_722 = arith.constant 0 : i32
      %gather3A_723 = arith.constant 0 : i32
      %gather3A_724 = tpu.memref_slice %arg6[%scan3A_209, %gather3A_722, %gather3A_723] : memref<2x32x1025xf32, #tpu.memory_space<vmem>> -> memref<1x32x1025xf32, #tpu.memory_space<vmem>>
      %gather3A_725 = tpu.memref_squeeze %gather3A_724 : memref<1x32x1025xf32, #tpu.memory_space<vmem>> -> memref<32x1025xf32, #tpu.memory_space<vmem>>
      %gather3A_726 = tpu.vector_load_idx %gather3A_725[%add3A_208, %add3A_694] : memref<32x1025xf32, #tpu.memory_space<vmem>>[vector<16xi32>, vector<16xi32>], vector<16xf32>,
      %gather3A_727 = arith.constant 0 : i32
      %gather3A_728 = arith.constant 0 : i32
      %gather3A_729 = tpu.memref_slice %arg6[%scan3A_209, %gather3A_727, %gather3A_728] : memref<2x32x1025xf32, #tpu.memory_space<vmem>> -> memref<1x32x1025xf32, #tpu.memory_space<vmem>>
      %gather3A_730 = tpu.memref_squeeze %gather3A_729 : memref<1x32x1025xf32, #tpu.memory_space<vmem>> -> memref<32x1025xf32, #tpu.memory_space<vmem>>
      %gather3A_731 = tpu.vector_load_idx %gather3A_730[%add3A_208, %add3A_697] : memref<32x1025xf32, #tpu.memory_space<vmem>>[vector<16xi32>, vector<16xi32>], vector<16xf32>,
      %gather3A_732 = arith.constant 0 : i32
      %gather3A_733 = arith.constant 0 : i32
      %gather3A_734 = tpu.memref_slice %arg6[%scan3A_209, %gather3A_732, %gather3A_733] : memref<2x32x1025xf32, #tpu.memory_space<vmem>> -> memref<1x32x1025xf32, #tpu.memory_space<vmem>>
      %gather3A_735 = tpu.memref_squeeze %gather3A_734 : memref<1x32x1025xf32, #tpu.memory_space<vmem>> -> memref<32x1025xf32, #tpu.memory_space<vmem>>
      %gather3A_736 = tpu.vector_load_idx %gather3A_735[%add3A_208, %add3A_700] : memref<32x1025xf32, #tpu.memory_space<vmem>>[vector<16xi32>, vector<16xi32>], vector<16xf32>,
      %gather3A_737 = arith.constant 0 : i32
      %gather3A_738 = arith.constant 0 : i32
      %gather3A_739 = tpu.memref_slice %arg6[%scan3A_209, %gather3A_737, %gather3A_738] : memref<2x32x1025xf32, #tpu.memory_space<vmem>> -> memref<1x32x1025xf32, #tpu.memory_space<vmem>>
      %gather3A_740 = tpu.memref_squeeze %gather3A_739 : memref<1x32x1025xf32, #tpu.memory_space<vmem>> -> memref<32x1025xf32, #tpu.memory_space<vmem>>
      %gather3A_741 = tpu.vector_load_idx %gather3A_740[%add3A_208, %add3A_703] : memref<32x1025xf32, #tpu.memory_space<vmem>>[vector<16xi32>, vector<16xi32>], vector<16xf32>,
      %gather3A_742 = arith.constant 0 : i32
      %gather3A_743 = arith.constant 0 : i32
      %gather3A_744 = tpu.memref_slice %arg6[%scan3A_209, %gather3A_742, %gather3A_743] : memref<2x32x1025xf32, #tpu.memory_space<vmem>> -> memref<1x32x1025xf32, #tpu.memory_space<vmem>>
      %gather3A_745 = tpu.memref_squeeze %gather3A_744 : memref<1x32x1025xf32, #tpu.memory_space<vmem>> -> memref<32x1025xf32, #tpu.memory_space<vmem>>
      %gather3A_746 = tpu.vector_load_idx %gather3A_745[%add3A_208, %add3A_706] : memref<32x1025xf32, #tpu.memory_space<vmem>>[vector<16xi32>, vector<16xi32>], vector<16xf32>,
      %ge3A = arith.cmpf oge, %gather3A_711, %gather3A_716 : vector<16xf32>
      %max3A_747 = arith.maximumf %gather3A_711, %gather3A_716 : vector<16xf32>
      %select_n3A_748 = arith.select %ge3A, %broadcast_in_dim3A_685, %add3A_688 : vector<16xi1>, vector<16xi32>
      %ge3A_749 = arith.cmpf oge, %gather3A_721, %gather3A_726 : vector<16xf32>
      %max3A_750 = arith.maximumf %gather3A_721, %gather3A_726 : vector<16xf32>
      %select_n3A_751 = arith.select %ge3A_749, %add3A_691, %add3A_694 : vector<16xi1>, vector<16xi32>
      %ge3A_752 = arith.cmpf oge, %gather3A_731, %gather3A_736 : vector<16xf32>
      %max3A_753 = arith.maximumf %gather3A_731, %gather3A_736 : vector<16xf32>
      %select_n3A_754 = arith.select %ge3A_752, %add3A_697, %add3A_700 : vector<16xi1>, vector<16xi32>
      %ge3A_755 = arith.cmpf oge, %gather3A_741, %gather3A_746 : vector<16xf32>
      %max3A_756 = arith.maximumf %gather3A_741, %gather3A_746 : vector<16xf32>
      %select_n3A_757 = arith.select %ge3A_755, %add3A_703, %add3A_706 : vector<16xi1>, vector<16xi32>
      %ge3A_758 = arith.cmpf oge, %max3A_747, %max3A_750 : vector<16xf32>
      %max3A_759 = arith.maximumf %max3A_747, %max3A_750 : vector<16xf32>
      %select_n3A_760 = arith.select %ge3A_758, %select_n3A_748, %select_n3A_751 : vector<16xi1>, vector<16xi32>
      %ge3A_761 = arith.cmpf oge, %max3A_753, %max3A_756 : vector<16xf32>
      %max3A_762 = arith.maximumf %max3A_753, %max3A_756 : vector<16xf32>
      %select_n3A_763 = arith.select %ge3A_761, %select_n3A_754, %select_n3A_757 : vector<16xi1>, vector<16xi32>
      %ge3A_764 = arith.cmpf oge, %max3A_759, %max3A_762 : vector<16xf32>
      %max3A_765 = arith.maximumf %max3A_759, %max3A_762 : vector<16xf32>
      %select_n3A_766 = arith.select %ge3A_764, %select_n3A_760, %select_n3A_763 : vector<16xi1>, vector<16xi32>
      %gt3A_767 = arith.cmpf ogt, %max3A_765, %scan3A_681 : vector<16xf32>
      %select_n3A_768 = arith.select %gt3A_767, %max3A_765, %scan3A_681 : vector<16xi1>, vector<16xf32>
      %select_n3A_769 = arith.select %gt3A_767, %select_n3A_766, %scan3A_682 : vector<16xi1>, vector<16xi32>
      scf.yield %select_n3A_768, %select_n3A_769 : vector<16xf32>, vector<16xi32>
    }
    %scan3A_215 = arith.constant 128 : i32
    %swap3A = arith.constant 0 : index
    %swap3A_216 = tpu.vector_load %arg7[%swap3A] {strides = array<i32>} : memref<192xi32, #tpu.memory_space<vmem>>, vector<16xi32>,
    tpu.vector_store %arg7[%swap3A], %scan3A_214#1 {strides = array<i32>} : memref<192xi32, #tpu.memory_space<vmem>>, vector<16xi32>,
    %swap3A_217 = arith.constant 0 : index
    %swap3A_218 = tpu.vector_load %arg8[%swap3A_217] {strides = array<i32>} : memref<192xf32, #tpu.memory_space<vmem>>, vector<16xf32>,
    tpu.vector_store %arg8[%swap3A_217], %scan3A_214#0 {strides = array<i32>} : memref<192xf32, #tpu.memory_space<vmem>>, vector<16xf32>,
    %add3A_219 = arith.constant 16 : i32
    %add3A_220 = vector.broadcast %add3A_219 : i32 to vector<16xi32>
    %add3A_221 = arith.addi %iota3A, %add3A_220 : vector<16xi32>
    %scan3A_222 = arith.constant 0 : i32
    %scan3A_223 = arith.constant 0 : i32
    %scan3A_224 = arith.constant 128 : i32
    %scan3A_225 = arith.addi %scan3A_223, %scan3A_224 : i32
    %scan3A_226 = arith.constant 1 : i32
    %scan3A_227:2 = scf.for %scan3A_680 = %scan3A_223 to %scan3A_225 step %scan3A_226 iter_args(%scan3A_681 = %broadcast_in_dim3A_174, %scan3A_682 = %broadcast_in_dim3A_176) -> (vector<16xf32>, vector<16xi32>)  : i32 {
      %mul3A_683 = arith.constant 8 : i32
      %mul3A_684 = arith.muli %mul3A_683, %scan3A_680 : i32
      %broadcast_in_dim3A_685 = vector.broadcast %mul3A_684 : i32 to vector<16xi32>
      %add3A_686 = arith.constant 1 : i32
      %add3A_687 = vector.broadcast %add3A_686 : i32 to vector<16xi32>
      %add3A_688 = arith.addi %broadcast_in_dim3A_685, %add3A_687 : vector<16xi32>
      %add3A_689 = arith.constant 2 : i32
      %add3A_690 = vector.broadcast %add3A_689 : i32 to vector<16xi32>
      %add3A_691 = arith.addi %broadcast_in_dim3A_685, %add3A_690 : vector<16xi32>
      %add3A_692 = arith.constant 3 : i32
      %add3A_693 = vector.broadcast %add3A_692 : i32 to vector<16xi32>
      %add3A_694 = arith.addi %broadcast_in_dim3A_685, %add3A_693 : vector<16xi32>
      %add3A_695 = arith.constant 4 : i32
      %add3A_696 = vector.broadcast %add3A_695 : i32 to vector<16xi32>
      %add3A_697 = arith.addi %broadcast_in_dim3A_685, %add3A_696 : vector<16xi32>
      %add3A_698 = arith.constant 5 : i32
      %add3A_699 = vector.broadcast %add3A_698 : i32 to vector<16xi32>
      %add3A_700 = arith.addi %broadcast_in_dim3A_685, %add3A_699 : vector<16xi32>
      %add3A_701 = arith.constant 6 : i32
      %add3A_702 = vector.broadcast %add3A_701 : i32 to vector<16xi32>
      %add3A_703 = arith.addi %broadcast_in_dim3A_685, %add3A_702 : vector<16xi32>
      %add3A_704 = arith.constant 7 : i32
      %add3A_705 = vector.broadcast %add3A_704 : i32 to vector<16xi32>
      %add3A_706 = arith.addi %broadcast_in_dim3A_685, %add3A_705 : vector<16xi32>
      %gather3A_707 = arith.constant 0 : i32
      %gather3A_708 = arith.constant 0 : i32
      %gather3A_709 = tpu.memref_slice %arg6[%scan3A_222, %gather3A_707, %gather3A_708] : memref<2x32x1025xf32, #tpu.memory_space<vmem>> -> memref<1x32x1025xf32, #tpu.memory_space<vmem>>
      %gather3A_710 = tpu.memref_squeeze %gather3A_709 : memref<1x32x1025xf32, #tpu.memory_space<vmem>> -> memref<32x1025xf32, #tpu.memory_space<vmem>>
      %gather3A_711 = tpu.vector_load_idx %gather3A_710[%add3A_221, %broadcast_in_dim3A_685] : memref<32x1025xf32, #tpu.memory_space<vmem>>[vector<16xi32>, vector<16xi32>], vector<16xf32>,
      %gather3A_712 = arith.constant 0 : i32
      %gather3A_713 = arith.constant 0 : i32
      %gather3A_714 = tpu.memref_slice %arg6[%scan3A_222, %gather3A_712, %gather3A_713] : memref<2x32x1025xf32, #tpu.memory_space<vmem>> -> memref<1x32x1025xf32, #tpu.memory_space<vmem>>
      %gather3A_715 = tpu.memref_squeeze %gather3A_714 : memref<1x32x1025xf32, #tpu.memory_space<vmem>> -> memref<32x1025xf32, #tpu.memory_space<vmem>>
      %gather3A_716 = tpu.vector_load_idx %gather3A_715[%add3A_221, %add3A_688] : memref<32x1025xf32, #tpu.memory_space<vmem>>[vector<16xi32>, vector<16xi32>], vector<16xf32>,
      %gather3A_717 = arith.constant 0 : i32
      %gather3A_718 = arith.constant 0 : i32
      %gather3A_719 = tpu.memref_slice %arg6[%scan3A_222, %gather3A_717, %gather3A_718] : memref<2x32x1025xf32, #tpu.memory_space<vmem>> -> memref<1x32x1025xf32, #tpu.memory_space<vmem>>
      %gather3A_720 = tpu.memref_squeeze %gather3A_719 : memref<1x32x1025xf32, #tpu.memory_space<vmem>> -> memref<32x1025xf32, #tpu.memory_space<vmem>>
      %gather3A_721 = tpu.vector_load_idx %gather3A_720[%add3A_221, %add3A_691] : memref<32x1025xf32, #tpu.memory_space<vmem>>[vector<16xi32>, vector<16xi32>], vector<16xf32>,
      %gather3A_722 = arith.constant 0 : i32
      %gather3A_723 = arith.constant 0 : i32
      %gather3A_724 = tpu.memref_slice %arg6[%scan3A_222, %gather3A_722, %gather3A_723] : memref<2x32x1025xf32, #tpu.memory_space<vmem>> -> memref<1x32x1025xf32, #tpu.memory_space<vmem>>
      %gather3A_725 = tpu.memref_squeeze %gather3A_724 : memref<1x32x1025xf32, #tpu.memory_space<vmem>> -> memref<32x1025xf32, #tpu.memory_space<vmem>>
      %gather3A_726 = tpu.vector_load_idx %gather3A_725[%add3A_221, %add3A_694] : memref<32x1025xf32, #tpu.memory_space<vmem>>[vector<16xi32>, vector<16xi32>], vector<16xf32>,
      %gather3A_727 = arith.constant 0 : i32
      %gather3A_728 = arith.constant 0 : i32
      %gather3A_729 = tpu.memref_slice %arg6[%scan3A_222, %gather3A_727, %gather3A_728] : memref<2x32x1025xf32, #tpu.memory_space<vmem>> -> memref<1x32x1025xf32, #tpu.memory_space<vmem>>
      %gather3A_730 = tpu.memref_squeeze %gather3A_729 : memref<1x32x1025xf32, #tpu.memory_space<vmem>> -> memref<32x1025xf32, #tpu.memory_space<vmem>>
      %gather3A_731 = tpu.vector_load_idx %gather3A_730[%add3A_221, %add3A_697] : memref<32x1025xf32, #tpu.memory_space<vmem>>[vector<16xi32>, vector<16xi32>], vector<16xf32>,
      %gather3A_732 = arith.constant 0 : i32
      %gather3A_733 = arith.constant 0 : i32
      %gather3A_734 = tpu.memref_slice %arg6[%scan3A_222, %gather3A_732, %gather3A_733] : memref<2x32x1025xf32, #tpu.memory_space<vmem>> -> memref<1x32x1025xf32, #tpu.memory_space<vmem>>
      %gather3A_735 = tpu.memref_squeeze %gather3A_734 : memref<1x32x1025xf32, #tpu.memory_space<vmem>> -> memref<32x1025xf32, #tpu.memory_space<vmem>>
      %gather3A_736 = tpu.vector_load_idx %gather3A_735[%add3A_221, %add3A_700] : memref<32x1025xf32, #tpu.memory_space<vmem>>[vector<16xi32>, vector<16xi32>], vector<16xf32>,
      %gather3A_737 = arith.constant 0 : i32
      %gather3A_738 = arith.constant 0 : i32
      %gather3A_739 = tpu.memref_slice %arg6[%scan3A_222, %gather3A_737, %gather3A_738] : memref<2x32x1025xf32, #tpu.memory_space<vmem>> -> memref<1x32x1025xf32, #tpu.memory_space<vmem>>
      %gather3A_740 = tpu.memref_squeeze %gather3A_739 : memref<1x32x1025xf32, #tpu.memory_space<vmem>> -> memref<32x1025xf32, #tpu.memory_space<vmem>>
      %gather3A_741 = tpu.vector_load_idx %gather3A_740[%add3A_221, %add3A_703] : memref<32x1025xf32, #tpu.memory_space<vmem>>[vector<16xi32>, vector<16xi32>], vector<16xf32>,
      %gather3A_742 = arith.constant 0 : i32
      %gather3A_743 = arith.constant 0 : i32
      %gather3A_744 = tpu.memref_slice %arg6[%scan3A_222, %gather3A_742, %gather3A_743] : memref<2x32x1025xf32, #tpu.memory_space<vmem>> -> memref<1x32x1025xf32, #tpu.memory_space<vmem>>
      %gather3A_745 = tpu.memref_squeeze %gather3A_744 : memref<1x32x1025xf32, #tpu.memory_space<vmem>> -> memref<32x1025xf32, #tpu.memory_space<vmem>>
      %gather3A_746 = tpu.vector_load_idx %gather3A_745[%add3A_221, %add3A_706] : memref<32x1025xf32, #tpu.memory_space<vmem>>[vector<16xi32>, vector<16xi32>], vector<16xf32>,
      %ge3A = arith.cmpf oge, %gather3A_711, %gather3A_716 : vector<16xf32>
      %max3A_747 = arith.maximumf %gather3A_711, %gather3A_716 : vector<16xf32>
      %select_n3A_748 = arith.select %ge3A, %broadcast_in_dim3A_685, %add3A_688 : vector<16xi1>, vector<16xi32>
      %ge3A_749 = arith.cmpf oge, %gather3A_721, %gather3A_726 : vector<16xf32>
      %max3A_750 = arith.maximumf %gather3A_721, %gather3A_726 : vector<16xf32>
      %select_n3A_751 = arith.select %ge3A_749, %add3A_691, %add3A_694 : vector<16xi1>, vector<16xi32>
      %ge3A_752 = arith.cmpf oge, %gather3A_731, %gather3A_736 : vector<16xf32>
      %max3A_753 = arith.maximumf %gather3A_731, %gather3A_736 : vector<16xf32>
      %select_n3A_754 = arith.select %ge3A_752, %add3A_697, %add3A_700 : vector<16xi1>, vector<16xi32>
      %ge3A_755 = arith.cmpf oge, %gather3A_741, %gather3A_746 : vector<16xf32>
      %max3A_756 = arith.maximumf %gather3A_741, %gather3A_746 : vector<16xf32>
      %select_n3A_757 = arith.select %ge3A_755, %add3A_703, %add3A_706 : vector<16xi1>, vector<16xi32>
      %ge3A_758 = arith.cmpf oge, %max3A_747, %max3A_750 : vector<16xf32>
      %max3A_759 = arith.maximumf %max3A_747, %max3A_750 : vector<16xf32>
      %select_n3A_760 = arith.select %ge3A_758, %select_n3A_748, %select_n3A_751 : vector<16xi1>, vector<16xi32>
      %ge3A_761 = arith.cmpf oge, %max3A_753, %max3A_756 : vector<16xf32>
      %max3A_762 = arith.maximumf %max3A_753, %max3A_756 : vector<16xf32>
      %select_n3A_763 = arith.select %ge3A_761, %select_n3A_754, %select_n3A_757 : vector<16xi1>, vector<16xi32>
      %ge3A_764 = arith.cmpf oge, %max3A_759, %max3A_762 : vector<16xf32>
      %max3A_765 = arith.maximumf %max3A_759, %max3A_762 : vector<16xf32>
      %select_n3A_766 = arith.select %ge3A_764, %select_n3A_760, %select_n3A_763 : vector<16xi1>, vector<16xi32>
      %gt3A_767 = arith.cmpf ogt, %max3A_765, %scan3A_681 : vector<16xf32>
      %select_n3A_768 = arith.select %gt3A_767, %max3A_765, %scan3A_681 : vector<16xi1>, vector<16xf32>
      %select_n3A_769 = arith.select %gt3A_767, %select_n3A_766, %scan3A_682 : vector<16xi1>, vector<16xi32>
      scf.yield %select_n3A_768, %select_n3A_769 : vector<16xf32>, vector<16xi32>
    }
    %scan3A_228 = arith.constant 128 : i32
    %swap3A_229 = arith.constant 16 : index
    %swap3A_230 = tpu.vector_load %arg7[%swap3A_229] {strides = array<i32>} : memref<192xi32, #tpu.memory_space<vmem>>, vector<16xi32>,
    tpu.vector_store %arg7[%swap3A_229], %scan3A_227#1 {strides = array<i32>} : memref<192xi32, #tpu.memory_space<vmem>>, vector<16xi32>,
    %swap3A_231 = arith.constant 16 : index
    %swap3A_232 = tpu.vector_load %arg8[%swap3A_231] {strides = array<i32>} : memref<192xf32, #tpu.memory_space<vmem>>, vector<16xf32>,
    tpu.vector_store %arg8[%swap3A_231], %scan3A_227#0 {strides = array<i32>} : memref<192xf32, #tpu.memory_space<vmem>>, vector<16xf32>,
    %add3A_233 = arith.constant 64 : i32
    %add3A_234 = arith.addi %mul3A_2, %add3A_233 : i32
    %dma_start3A_235 = arith.constant 0 : i32
    %dma_start3A_236 = arith.constant 0 : i32
    %dma_start3A_237 = arith.constant 0 : i32
    %dma_start3A_238 = tpu.memref_slice %arg6[%dma_start3A_235, %dma_start3A_236, %dma_start3A_237] : memref<2x32x1025xf32, #tpu.memory_space<vmem>> -> memref<1x32x1024xf32, #tpu.memory_space<vmem>>
    %dma_start3A_239 = tpu.memref_squeeze %dma_start3A_238 : memref<1x32x1024xf32, #tpu.memory_space<vmem>> -> memref<32x1024xf32, #tpu.memory_space<vmem>>
    %dma_start3A_240 = arith.constant 0 : i32
    %dma_start3A_241 = tpu.memref_slice %arg2[%add3A_234, %dma_start3A_240] : memref<6144x1024xf32, #tpu.memory_space<hbm>> -> memref<32x1024xf32, #tpu.memory_space<hbm>>
    %dma_start3A_242 = arith.constant 0 : i32
    %dma_start3A_243 = arith.constant 0 : i32
    %dma_start3A_244 = tpu.memref_slice %arg6[%dma_start3A_235, %dma_start3A_242, %dma_start3A_243] : memref<2x32x1025xf32, #tpu.memory_space<vmem>> -> memref<1x32x1024xf32, #tpu.memory_space<vmem>>
    %dma_start3A_245 = tpu.memref_squeeze %dma_start3A_244 : memref<1x32x1024xf32, #tpu.memory_space<vmem>> -> memref<32x1024xf32, #tpu.memory_space<vmem>>
    %dma_start3A_246 = arith.constant 0 : i32
    %dma_start3A_247 = tpu.memref_slice %arg2[%add3A_234, %dma_start3A_246] : memref<6144x1024xf32, #tpu.memory_space<hbm>> -> memref<32x1024xf32, #tpu.memory_space<hbm>>
    tpu.enqueue_dma source(%dma_start3A_247 : memref<32x1024xf32, #tpu.memory_space<hbm>>) target(%dma_start3A_245 : memref<32x1024xf32, #tpu.memory_space<vmem>>) target_semaphore(%arg13 : memref<!tpu.dma_semaphore, #tpu.memory_space<semaphore_mem>>)
    %add3A_248 = arith.constant 32 : i32
    %add3A_249 = arith.addi %mul3A_2, %add3A_248 : i32
    %dma_wait3A_250 = arith.constant 1 : i32
    %dma_wait3A_251 = arith.constant 0 : i32
    %dma_wait3A_252 = arith.constant 0 : i32
    %dma_wait3A_253 = tpu.memref_slice %arg6[%dma_wait3A_250, %dma_wait3A_251, %dma_wait3A_252] : memref<2x32x1025xf32, #tpu.memory_space<vmem>> -> memref<1x32x1024xf32, #tpu.memory_space<vmem>>
    %dma_wait3A_254 = tpu.memref_squeeze %dma_wait3A_253 : memref<1x32x1024xf32, #tpu.memory_space<vmem>> -> memref<32x1024xf32, #tpu.memory_space<vmem>>
    %dma_wait3A_255 = arith.constant 0 : i32
    %dma_wait3A_256 = tpu.memref_slice %arg2[%add3A_249, %dma_wait3A_255] : memref<6144x1024xf32, #tpu.memory_space<hbm>> -> memref<32x1024xf32, #tpu.memory_space<hbm>>
    %dma_wait3A_257 = arith.constant 0 : i32
    %dma_wait3A_258 = arith.constant 0 : i32
    %dma_wait3A_259 = tpu.memref_slice %arg6[%dma_wait3A_250, %dma_wait3A_257, %dma_wait3A_258] : memref<2x32x1025xf32, #tpu.memory_space<vmem>> -> memref<1x32x1024xf32, #tpu.memory_space<vmem>>
    %dma_wait3A_260 = tpu.memref_squeeze %dma_wait3A_259 : memref<1x32x1024xf32, #tpu.memory_space<vmem>> -> memref<32x1024xf32, #tpu.memory_space<vmem>>
    %dma_wait3A_261 = arith.constant 0 : i32
    %dma_wait3A_262 = tpu.memref_slice %arg2[%add3A_249, %dma_wait3A_261] : memref<6144x1024xf32, #tpu.memory_space<hbm>> -> memref<32x1024xf32, #tpu.memory_space<hbm>>
    tpu.wait_dma2 semaphore(%arg14 : memref<!tpu.dma_semaphore, #tpu.memory_space<semaphore_mem>>) src(%dma_wait3A_262 : memref<32x1024xf32, #tpu.memory_space<hbm>>) dst(%dma_wait3A_260 : memref<32x1024xf32, #tpu.memory_space<vmem>>)
    %add3A_263 = arith.constant 0 : i32
    %add3A_264 = vector.broadcast %add3A_263 : i32 to vector<16xi32>
    %add3A_265 = arith.addi %iota3A, %add3A_264 : vector<16xi32>
    %scan3A_266 = arith.constant 1 : i32
    %scan3A_267 = arith.constant 0 : i32
    %scan3A_268 = arith.constant 128 : i32
    %scan3A_269 = arith.addi %scan3A_267, %scan3A_268 : i32
    %scan3A_270 = arith.constant 1 : i32
    %scan3A_271:2 = scf.for %scan3A_680 = %scan3A_267 to %scan3A_269 step %scan3A_270 iter_args(%scan3A_681 = %broadcast_in_dim3A_174, %scan3A_682 = %broadcast_in_dim3A_176) -> (vector<16xf32>, vector<16xi32>)  : i32 {
      %mul3A_683 = arith.constant 8 : i32
      %mul3A_684 = arith.muli %mul3A_683, %scan3A_680 : i32
      %broadcast_in_dim3A_685 = vector.broadcast %mul3A_684 : i32 to vector<16xi32>
      %add3A_686 = arith.constant 1 : i32
      %add3A_687 = vector.broadcast %add3A_686 : i32 to vector<16xi32>
      %add3A_688 = arith.addi %broadcast_in_dim3A_685, %add3A_687 : vector<16xi32>
      %add3A_689 = arith.constant 2 : i32
      %add3A_690 = vector.broadcast %add3A_689 : i32 to vector<16xi32>
      %add3A_691 = arith.addi %broadcast_in_dim3A_685, %add3A_690 : vector<16xi32>
      %add3A_692 = arith.constant 3 : i32
      %add3A_693 = vector.broadcast %add3A_692 : i32 to vector<16xi32>
      %add3A_694 = arith.addi %broadcast_in_dim3A_685, %add3A_693 : vector<16xi32>
      %add3A_695 = arith.constant 4 : i32
      %add3A_696 = vector.broadcast %add3A_695 : i32 to vector<16xi32>
      %add3A_697 = arith.addi %broadcast_in_dim3A_685, %add3A_696 : vector<16xi32>
      %add3A_698 = arith.constant 5 : i32
      %add3A_699 = vector.broadcast %add3A_698 : i32 to vector<16xi32>
      %add3A_700 = arith.addi %broadcast_in_dim3A_685, %add3A_699 : vector<16xi32>
      %add3A_701 = arith.constant 6 : i32
      %add3A_702 = vector.broadcast %add3A_701 : i32 to vector<16xi32>
      %add3A_703 = arith.addi %broadcast_in_dim3A_685, %add3A_702 : vector<16xi32>
      %add3A_704 = arith.constant 7 : i32
      %add3A_705 = vector.broadcast %add3A_704 : i32 to vector<16xi32>
      %add3A_706 = arith.addi %broadcast_in_dim3A_685, %add3A_705 : vector<16xi32>
      %gather3A_707 = arith.constant 0 : i32
      %gather3A_708 = arith.constant 0 : i32
      %gather3A_709 = tpu.memref_slice %arg6[%scan3A_266, %gather3A_707, %gather3A_708] : memref<2x32x1025xf32, #tpu.memory_space<vmem>> -> memref<1x32x1025xf32, #tpu.memory_space<vmem>>
      %gather3A_710 = tpu.memref_squeeze %gather3A_709 : memref<1x32x1025xf32, #tpu.memory_space<vmem>> -> memref<32x1025xf32, #tpu.memory_space<vmem>>
      %gather3A_711 = tpu.vector_load_idx %gather3A_710[%add3A_265, %broadcast_in_dim3A_685] : memref<32x1025xf32, #tpu.memory_space<vmem>>[vector<16xi32>, vector<16xi32>], vector<16xf32>,
      %gather3A_712 = arith.constant 0 : i32
      %gather3A_713 = arith.constant 0 : i32
      %gather3A_714 = tpu.memref_slice %arg6[%scan3A_266, %gather3A_712, %gather3A_713] : memref<2x32x1025xf32, #tpu.memory_space<vmem>> -> memref<1x32x1025xf32, #tpu.memory_space<vmem>>
      %gather3A_715 = tpu.memref_squeeze %gather3A_714 : memref<1x32x1025xf32, #tpu.memory_space<vmem>> -> memref<32x1025xf32, #tpu.memory_space<vmem>>
      %gather3A_716 = tpu.vector_load_idx %gather3A_715[%add3A_265, %add3A_688] : memref<32x1025xf32, #tpu.memory_space<vmem>>[vector<16xi32>, vector<16xi32>], vector<16xf32>,
      %gather3A_717 = arith.constant 0 : i32
      %gather3A_718 = arith.constant 0 : i32
      %gather3A_719 = tpu.memref_slice %arg6[%scan3A_266, %gather3A_717, %gather3A_718] : memref<2x32x1025xf32, #tpu.memory_space<vmem>> -> memref<1x32x1025xf32, #tpu.memory_space<vmem>>
      %gather3A_720 = tpu.memref_squeeze %gather3A_719 : memref<1x32x1025xf32, #tpu.memory_space<vmem>> -> memref<32x1025xf32, #tpu.memory_space<vmem>>
      %gather3A_721 = tpu.vector_load_idx %gather3A_720[%add3A_265, %add3A_691] : memref<32x1025xf32, #tpu.memory_space<vmem>>[vector<16xi32>, vector<16xi32>], vector<16xf32>,
      %gather3A_722 = arith.constant 0 : i32
      %gather3A_723 = arith.constant 0 : i32
      %gather3A_724 = tpu.memref_slice %arg6[%scan3A_266, %gather3A_722, %gather3A_723] : memref<2x32x1025xf32, #tpu.memory_space<vmem>> -> memref<1x32x1025xf32, #tpu.memory_space<vmem>>
      %gather3A_725 = tpu.memref_squeeze %gather3A_724 : memref<1x32x1025xf32, #tpu.memory_space<vmem>> -> memref<32x1025xf32, #tpu.memory_space<vmem>>
      %gather3A_726 = tpu.vector_load_idx %gather3A_725[%add3A_265, %add3A_694] : memref<32x1025xf32, #tpu.memory_space<vmem>>[vector<16xi32>, vector<16xi32>], vector<16xf32>,
      %gather3A_727 = arith.constant 0 : i32
      %gather3A_728 = arith.constant 0 : i32
      %gather3A_729 = tpu.memref_slice %arg6[%scan3A_266, %gather3A_727, %gather3A_728] : memref<2x32x1025xf32, #tpu.memory_space<vmem>> -> memref<1x32x1025xf32, #tpu.memory_space<vmem>>
      %gather3A_730 = tpu.memref_squeeze %gather3A_729 : memref<1x32x1025xf32, #tpu.memory_space<vmem>> -> memref<32x1025xf32, #tpu.memory_space<vmem>>
      %gather3A_731 = tpu.vector_load_idx %gather3A_730[%add3A_265, %add3A_697] : memref<32x1025xf32, #tpu.memory_space<vmem>>[vector<16xi32>, vector<16xi32>], vector<16xf32>,
      %gather3A_732 = arith.constant 0 : i32
      %gather3A_733 = arith.constant 0 : i32
      %gather3A_734 = tpu.memref_slice %arg6[%scan3A_266, %gather3A_732, %gather3A_733] : memref<2x32x1025xf32, #tpu.memory_space<vmem>> -> memref<1x32x1025xf32, #tpu.memory_space<vmem>>
      %gather3A_735 = tpu.memref_squeeze %gather3A_734 : memref<1x32x1025xf32, #tpu.memory_space<vmem>> -> memref<32x1025xf32, #tpu.memory_space<vmem>>
      %gather3A_736 = tpu.vector_load_idx %gather3A_735[%add3A_265, %add3A_700] : memref<32x1025xf32, #tpu.memory_space<vmem>>[vector<16xi32>, vector<16xi32>], vector<16xf32>,
      %gather3A_737 = arith.constant 0 : i32
      %gather3A_738 = arith.constant 0 : i32
      %gather3A_739 = tpu.memref_slice %arg6[%scan3A_266, %gather3A_737, %gather3A_738] : memref<2x32x1025xf32, #tpu.memory_space<vmem>> -> memref<1x32x1025xf32, #tpu.memory_space<vmem>>
      %gather3A_740 = tpu.memref_squeeze %gather3A_739 : memref<1x32x1025xf32, #tpu.memory_space<vmem>> -> memref<32x1025xf32, #tpu.memory_space<vmem>>
      %gather3A_741 = tpu.vector_load_idx %gather3A_740[%add3A_265, %add3A_703] : memref<32x1025xf32, #tpu.memory_space<vmem>>[vector<16xi32>, vector<16xi32>], vector<16xf32>,
      %gather3A_742 = arith.constant 0 : i32
      %gather3A_743 = arith.constant 0 : i32
      %gather3A_744 = tpu.memref_slice %arg6[%scan3A_266, %gather3A_742, %gather3A_743] : memref<2x32x1025xf32, #tpu.memory_space<vmem>> -> memref<1x32x1025xf32, #tpu.memory_space<vmem>>
      %gather3A_745 = tpu.memref_squeeze %gather3A_744 : memref<1x32x1025xf32, #tpu.memory_space<vmem>> -> memref<32x1025xf32, #tpu.memory_space<vmem>>
      %gather3A_746 = tpu.vector_load_idx %gather3A_745[%add3A_265, %add3A_706] : memref<32x1025xf32, #tpu.memory_space<vmem>>[vector<16xi32>, vector<16xi32>], vector<16xf32>,
      %ge3A = arith.cmpf oge, %gather3A_711, %gather3A_716 : vector<16xf32>
      %max3A_747 = arith.maximumf %gather3A_711, %gather3A_716 : vector<16xf32>
      %select_n3A_748 = arith.select %ge3A, %broadcast_in_dim3A_685, %add3A_688 : vector<16xi1>, vector<16xi32>
      %ge3A_749 = arith.cmpf oge, %gather3A_721, %gather3A_726 : vector<16xf32>
      %max3A_750 = arith.maximumf %gather3A_721, %gather3A_726 : vector<16xf32>
      %select_n3A_751 = arith.select %ge3A_749, %add3A_691, %add3A_694 : vector<16xi1>, vector<16xi32>
      %ge3A_752 = arith.cmpf oge, %gather3A_731, %gather3A_736 : vector<16xf32>
      %max3A_753 = arith.maximumf %gather3A_731, %gather3A_736 : vector<16xf32>
      %select_n3A_754 = arith.select %ge3A_752, %add3A_697, %add3A_700 : vector<16xi1>, vector<16xi32>
      %ge3A_755 = arith.cmpf oge, %gather3A_741, %gather3A_746 : vector<16xf32>
      %max3A_756 = arith.maximumf %gather3A_741, %gather3A_746 : vector<16xf32>
      %select_n3A_757 = arith.select %ge3A_755, %add3A_703, %add3A_706 : vector<16xi1>, vector<16xi32>
      %ge3A_758 = arith.cmpf oge, %max3A_747, %max3A_750 : vector<16xf32>
      %max3A_759 = arith.maximumf %max3A_747, %max3A_750 : vector<16xf32>
      %select_n3A_760 = arith.select %ge3A_758, %select_n3A_748, %select_n3A_751 : vector<16xi1>, vector<16xi32>
      %ge3A_761 = arith.cmpf oge, %max3A_753, %max3A_756 : vector<16xf32>
      %max3A_762 = arith.maximumf %max3A_753, %max3A_756 : vector<16xf32>
      %select_n3A_763 = arith.select %ge3A_761, %select_n3A_754, %select_n3A_757 : vector<16xi1>, vector<16xi32>
      %ge3A_764 = arith.cmpf oge, %max3A_759, %max3A_762 : vector<16xf32>
      %max3A_765 = arith.maximumf %max3A_759, %max3A_762 : vector<16xf32>
      %select_n3A_766 = arith.select %ge3A_764, %select_n3A_760, %select_n3A_763 : vector<16xi1>, vector<16xi32>
      %gt3A_767 = arith.cmpf ogt, %max3A_765, %scan3A_681 : vector<16xf32>
      %select_n3A_768 = arith.select %gt3A_767, %max3A_765, %scan3A_681 : vector<16xi1>, vector<16xf32>
      %select_n3A_769 = arith.select %gt3A_767, %select_n3A_766, %scan3A_682 : vector<16xi1>, vector<16xi32>
      scf.yield %select_n3A_768, %select_n3A_769 : vector<16xf32>, vector<16xi32>
    }
    %scan3A_272 = arith.constant 128 : i32
    %swap3A_273 = arith.constant 32 : index
    %swap3A_274 = tpu.vector_load %arg7[%swap3A_273] {strides = array<i32>} : memref<192xi32, #tpu.memory_space<vmem>>, vector<16xi32>,
    tpu.vector_store %arg7[%swap3A_273], %scan3A_271#1 {strides = array<i32>} : memref<192xi32, #tpu.memory_space<vmem>>, vector<16xi32>,
    %swap3A_275 = arith.constant 32 : index
    %swap3A_276 = tpu.vector_load %arg8[%swap3A_275] {strides = array<i32>} : memref<192xf32, #tpu.memory_space<vmem>>, vector<16xf32>,
    tpu.vector_store %arg8[%swap3A_275], %scan3A_271#0 {strides = array<i32>} : memref<192xf32, #tpu.memory_space<vmem>>, vector<16xf32>,
    %add3A_277 = arith.constant 16 : i32
    %add3A_278 = vector.broadcast %add3A_277 : i32 to vector<16xi32>
    %add3A_279 = arith.addi %iota3A, %add3A_278 : vector<16xi32>
    %scan3A_280 = arith.constant 1 : i32
    %scan3A_281 = arith.constant 0 : i32
    %scan3A_282 = arith.constant 128 : i32
    %scan3A_283 = arith.addi %scan3A_281, %scan3A_282 : i32
    %scan3A_284 = arith.constant 1 : i32
    %scan3A_285:2 = scf.for %scan3A_680 = %scan3A_281 to %scan3A_283 step %scan3A_284 iter_args(%scan3A_681 = %broadcast_in_dim3A_174, %scan3A_682 = %broadcast_in_dim3A_176) -> (vector<16xf32>, vector<16xi32>)  : i32 {
      %mul3A_683 = arith.constant 8 : i32
      %mul3A_684 = arith.muli %mul3A_683, %scan3A_680 : i32
      %broadcast_in_dim3A_685 = vector.broadcast %mul3A_684 : i32 to vector<16xi32>
      %add3A_686 = arith.constant 1 : i32
      %add3A_687 = vector.broadcast %add3A_686 : i32 to vector<16xi32>
      %add3A_688 = arith.addi %broadcast_in_dim3A_685, %add3A_687 : vector<16xi32>
      %add3A_689 = arith.constant 2 : i32
      %add3A_690 = vector.broadcast %add3A_689 : i32 to vector<16xi32>
      %add3A_691 = arith.addi %broadcast_in_dim3A_685, %add3A_690 : vector<16xi32>
      %add3A_692 = arith.constant 3 : i32
      %add3A_693 = vector.broadcast %add3A_692 : i32 to vector<16xi32>
      %add3A_694 = arith.addi %broadcast_in_dim3A_685, %add3A_693 : vector<16xi32>
      %add3A_695 = arith.constant 4 : i32
      %add3A_696 = vector.broadcast %add3A_695 : i32 to vector<16xi32>
      %add3A_697 = arith.addi %broadcast_in_dim3A_685, %add3A_696 : vector<16xi32>
      %add3A_698 = arith.constant 5 : i32
      %add3A_699 = vector.broadcast %add3A_698 : i32 to vector<16xi32>
      %add3A_700 = arith.addi %broadcast_in_dim3A_685, %add3A_699 : vector<16xi32>
      %add3A_701 = arith.constant 6 : i32
      %add3A_702 = vector.broadcast %add3A_701 : i32 to vector<16xi32>
      %add3A_703 = arith.addi %broadcast_in_dim3A_685, %add3A_702 : vector<16xi32>
      %add3A_704 = arith.constant 7 : i32
      %add3A_705 = vector.broadcast %add3A_704 : i32 to vector<16xi32>
      %add3A_706 = arith.addi %broadcast_in_dim3A_685, %add3A_705 : vector<16xi32>
      %gather3A_707 = arith.constant 0 : i32
      %gather3A_708 = arith.constant 0 : i32
      %gather3A_709 = tpu.memref_slice %arg6[%scan3A_280, %gather3A_707, %gather3A_708] : memref<2x32x1025xf32, #tpu.memory_space<vmem>> -> memref<1x32x1025xf32, #tpu.memory_space<vmem>>
      %gather3A_710 = tpu.memref_squeeze %gather3A_709 : memref<1x32x1025xf32, #tpu.memory_space<vmem>> -> memref<32x1025xf32, #tpu.memory_space<vmem>>
      %gather3A_711 = tpu.vector_load_idx %gather3A_710[%add3A_279, %broadcast_in_dim3A_685] : memref<32x1025xf32, #tpu.memory_space<vmem>>[vector<16xi32>, vector<16xi32>], vector<16xf32>,
      %gather3A_712 = arith.constant 0 : i32
      %gather3A_713 = arith.constant 0 : i32
      %gather3A_714 = tpu.memref_slice %arg6[%scan3A_280, %gather3A_712, %gather3A_713] : memref<2x32x1025xf32, #tpu.memory_space<vmem>> -> memref<1x32x1025xf32, #tpu.memory_space<vmem>>
      %gather3A_715 = tpu.memref_squeeze %gather3A_714 : memref<1x32x1025xf32, #tpu.memory_space<vmem>> -> memref<32x1025xf32, #tpu.memory_space<vmem>>
      %gather3A_716 = tpu.vector_load_idx %gather3A_715[%add3A_279, %add3A_688] : memref<32x1025xf32, #tpu.memory_space<vmem>>[vector<16xi32>, vector<16xi32>], vector<16xf32>,
      %gather3A_717 = arith.constant 0 : i32
      %gather3A_718 = arith.constant 0 : i32
      %gather3A_719 = tpu.memref_slice %arg6[%scan3A_280, %gather3A_717, %gather3A_718] : memref<2x32x1025xf32, #tpu.memory_space<vmem>> -> memref<1x32x1025xf32, #tpu.memory_space<vmem>>
      %gather3A_720 = tpu.memref_squeeze %gather3A_719 : memref<1x32x1025xf32, #tpu.memory_space<vmem>> -> memref<32x1025xf32, #tpu.memory_space<vmem>>
      %gather3A_721 = tpu.vector_load_idx %gather3A_720[%add3A_279, %add3A_691] : memref<32x1025xf32, #tpu.memory_space<vmem>>[vector<16xi32>, vector<16xi32>], vector<16xf32>,
      %gather3A_722 = arith.constant 0 : i32
      %gather3A_723 = arith.constant 0 : i32
      %gather3A_724 = tpu.memref_slice %arg6[%scan3A_280, %gather3A_722, %gather3A_723] : memref<2x32x1025xf32, #tpu.memory_space<vmem>> -> memref<1x32x1025xf32, #tpu.memory_space<vmem>>
      %gather3A_725 = tpu.memref_squeeze %gather3A_724 : memref<1x32x1025xf32, #tpu.memory_space<vmem>> -> memref<32x1025xf32, #tpu.memory_space<vmem>>
      %gather3A_726 = tpu.vector_load_idx %gather3A_725[%add3A_279, %add3A_694] : memref<32x1025xf32, #tpu.memory_space<vmem>>[vector<16xi32>, vector<16xi32>], vector<16xf32>,
      %gather3A_727 = arith.constant 0 : i32
      %gather3A_728 = arith.constant 0 : i32
      %gather3A_729 = tpu.memref_slice %arg6[%scan3A_280, %gather3A_727, %gather3A_728] : memref<2x32x1025xf32, #tpu.memory_space<vmem>> -> memref<1x32x1025xf32, #tpu.memory_space<vmem>>
      %gather3A_730 = tpu.memref_squeeze %gather3A_729 : memref<1x32x1025xf32, #tpu.memory_space<vmem>> -> memref<32x1025xf32, #tpu.memory_space<vmem>>
      %gather3A_731 = tpu.vector_load_idx %gather3A_730[%add3A_279, %add3A_697] : memref<32x1025xf32, #tpu.memory_space<vmem>>[vector<16xi32>, vector<16xi32>], vector<16xf32>,
      %gather3A_732 = arith.constant 0 : i32
      %gather3A_733 = arith.constant 0 : i32
      %gather3A_734 = tpu.memref_slice %arg6[%scan3A_280, %gather3A_732, %gather3A_733] : memref<2x32x1025xf32, #tpu.memory_space<vmem>> -> memref<1x32x1025xf32, #tpu.memory_space<vmem>>
      %gather3A_735 = tpu.memref_squeeze %gather3A_734 : memref<1x32x1025xf32, #tpu.memory_space<vmem>> -> memref<32x1025xf32, #tpu.memory_space<vmem>>
      %gather3A_736 = tpu.vector_load_idx %gather3A_735[%add3A_279, %add3A_700] : memref<32x1025xf32, #tpu.memory_space<vmem>>[vector<16xi32>, vector<16xi32>], vector<16xf32>,
      %gather3A_737 = arith.constant 0 : i32
      %gather3A_738 = arith.constant 0 : i32
      %gather3A_739 = tpu.memref_slice %arg6[%scan3A_280, %gather3A_737, %gather3A_738] : memref<2x32x1025xf32, #tpu.memory_space<vmem>> -> memref<1x32x1025xf32, #tpu.memory_space<vmem>>
      %gather3A_740 = tpu.memref_squeeze %gather3A_739 : memref<1x32x1025xf32, #tpu.memory_space<vmem>> -> memref<32x1025xf32, #tpu.memory_space<vmem>>
      %gather3A_741 = tpu.vector_load_idx %gather3A_740[%add3A_279, %add3A_703] : memref<32x1025xf32, #tpu.memory_space<vmem>>[vector<16xi32>, vector<16xi32>], vector<16xf32>,
      %gather3A_742 = arith.constant 0 : i32
      %gather3A_743 = arith.constant 0 : i32
      %gather3A_744 = tpu.memref_slice %arg6[%scan3A_280, %gather3A_742, %gather3A_743] : memref<2x32x1025xf32, #tpu.memory_space<vmem>> -> memref<1x32x1025xf32, #tpu.memory_space<vmem>>
      %gather3A_745 = tpu.memref_squeeze %gather3A_744 : memref<1x32x1025xf32, #tpu.memory_space<vmem>> -> memref<32x1025xf32, #tpu.memory_space<vmem>>
      %gather3A_746 = tpu.vector_load_idx %gather3A_745[%add3A_279, %add3A_706] : memref<32x1025xf32, #tpu.memory_space<vmem>>[vector<16xi32>, vector<16xi32>], vector<16xf32>,
      %ge3A = arith.cmpf oge, %gather3A_711, %gather3A_716 : vector<16xf32>
      %max3A_747 = arith.maximumf %gather3A_711, %gather3A_716 : vector<16xf32>
      %select_n3A_748 = arith.select %ge3A, %broadcast_in_dim3A_685, %add3A_688 : vector<16xi1>, vector<16xi32>
      %ge3A_749 = arith.cmpf oge, %gather3A_721, %gather3A_726 : vector<16xf32>
      %max3A_750 = arith.maximumf %gather3A_721, %gather3A_726 : vector<16xf32>
      %select_n3A_751 = arith.select %ge3A_749, %add3A_691, %add3A_694 : vector<16xi1>, vector<16xi32>
      %ge3A_752 = arith.cmpf oge, %gather3A_731, %gather3A_736 : vector<16xf32>
      %max3A_753 = arith.maximumf %gather3A_731, %gather3A_736 : vector<16xf32>
      %select_n3A_754 = arith.select %ge3A_752, %add3A_697, %add3A_700 : vector<16xi1>, vector<16xi32>
      %ge3A_755 = arith.cmpf oge, %gather3A_741, %gather3A_746 : vector<16xf32>
      %max3A_756 = arith.maximumf %gather3A_741, %gather3A_746 : vector<16xf32>
      %select_n3A_757 = arith.select %ge3A_755, %add3A_703, %add3A_706 : vector<16xi1>, vector<16xi32>
      %ge3A_758 = arith.cmpf oge, %max3A_747, %max3A_750 : vector<16xf32>
      %max3A_759 = arith.maximumf %max3A_747, %max3A_750 : vector<16xf32>
      %select_n3A_760 = arith.select %ge3A_758, %select_n3A_748, %select_n3A_751 : vector<16xi1>, vector<16xi32>
      %ge3A_761 = arith.cmpf oge, %max3A_753, %max3A_756 : vector<16xf32>
      %max3A_762 = arith.maximumf %max3A_753, %max3A_756 : vector<16xf32>
      %select_n3A_763 = arith.select %ge3A_761, %select_n3A_754, %select_n3A_757 : vector<16xi1>, vector<16xi32>
      %ge3A_764 = arith.cmpf oge, %max3A_759, %max3A_762 : vector<16xf32>
      %max3A_765 = arith.maximumf %max3A_759, %max3A_762 : vector<16xf32>
      %select_n3A_766 = arith.select %ge3A_764, %select_n3A_760, %select_n3A_763 : vector<16xi1>, vector<16xi32>
      %gt3A_767 = arith.cmpf ogt, %max3A_765, %scan3A_681 : vector<16xf32>
      %select_n3A_768 = arith.select %gt3A_767, %max3A_765, %scan3A_681 : vector<16xi1>, vector<16xf32>
      %select_n3A_769 = arith.select %gt3A_767, %select_n3A_766, %scan3A_682 : vector<16xi1>, vector<16xi32>
      scf.yield %select_n3A_768, %select_n3A_769 : vector<16xf32>, vector<16xi32>
    }
    %scan3A_286 = arith.constant 128 : i32
    %swap3A_287 = arith.constant 48 : index
    %swap3A_288 = tpu.vector_load %arg7[%swap3A_287] {strides = array<i32>} : memref<192xi32, #tpu.memory_space<vmem>>, vector<16xi32>,
    tpu.vector_store %arg7[%swap3A_287], %scan3A_285#1 {strides = array<i32>} : memref<192xi32, #tpu.memory_space<vmem>>, vector<16xi32>,
    %swap3A_289 = arith.constant 48 : index
    %swap3A_290 = tpu.vector_load %arg8[%swap3A_289] {strides = array<i32>} : memref<192xf32, #tpu.memory_space<vmem>>, vector<16xf32>,
    tpu.vector_store %arg8[%swap3A_289], %scan3A_285#0 {strides = array<i32>} : memref<192xf32, #tpu.memory_space<vmem>>, vector<16xf32>,
    %add3A_291 = arith.constant 96 : i32
    %add3A_292 = arith.addi %mul3A_2, %add3A_291 : i32
    %dma_start3A_293 = arith.constant 1 : i32
    %dma_start3A_294 = arith.constant 0 : i32
    %dma_start3A_295 = arith.constant 0 : i32
    %dma_start3A_296 = tpu.memref_slice %arg6[%dma_start3A_293, %dma_start3A_294, %dma_start3A_295] : memref<2x32x1025xf32, #tpu.memory_space<vmem>> -> memref<1x32x1024xf32, #tpu.memory_space<vmem>>
    %dma_start3A_297 = tpu.memref_squeeze %dma_start3A_296 : memref<1x32x1024xf32, #tpu.memory_space<vmem>> -> memref<32x1024xf32, #tpu.memory_space<vmem>>
    %dma_start3A_298 = arith.constant 0 : i32
    %dma_start3A_299 = tpu.memref_slice %arg2[%add3A_292, %dma_start3A_298] : memref<6144x1024xf32, #tpu.memory_space<hbm>> -> memref<32x1024xf32, #tpu.memory_space<hbm>>
    %dma_start3A_300 = arith.constant 0 : i32
    %dma_start3A_301 = arith.constant 0 : i32
    %dma_start3A_302 = tpu.memref_slice %arg6[%dma_start3A_293, %dma_start3A_300, %dma_start3A_301] : memref<2x32x1025xf32, #tpu.memory_space<vmem>> -> memref<1x32x1024xf32, #tpu.memory_space<vmem>>
    %dma_start3A_303 = tpu.memref_squeeze %dma_start3A_302 : memref<1x32x1024xf32, #tpu.memory_space<vmem>> -> memref<32x1024xf32, #tpu.memory_space<vmem>>
    %dma_start3A_304 = arith.constant 0 : i32
    %dma_start3A_305 = tpu.memref_slice %arg2[%add3A_292, %dma_start3A_304] : memref<6144x1024xf32, #tpu.memory_space<hbm>> -> memref<32x1024xf32, #tpu.memory_space<hbm>>
    tpu.enqueue_dma source(%dma_start3A_305 : memref<32x1024xf32, #tpu.memory_space<hbm>>) target(%dma_start3A_303 : memref<32x1024xf32, #tpu.memory_space<vmem>>) target_semaphore(%arg14 : memref<!tpu.dma_semaphore, #tpu.memory_space<semaphore_mem>>)
    %add3A_306 = arith.constant 64 : i32
    %add3A_307 = arith.addi %mul3A_2, %add3A_306 : i32
    %dma_wait3A_308 = arith.constant 0 : i32
    %dma_wait3A_309 = arith.constant 0 : i32
    %dma_wait3A_310 = arith.constant 0 : i32
    %dma_wait3A_311 = tpu.memref_slice %arg6[%dma_wait3A_308, %dma_wait3A_309, %dma_wait3A_310] : memref<2x32x1025xf32, #tpu.memory_space<vmem>> -> memref<1x32x1024xf32, #tpu.memory_space<vmem>>
    %dma_wait3A_312 = tpu.memref_squeeze %dma_wait3A_311 : memref<1x32x1024xf32, #tpu.memory_space<vmem>> -> memref<32x1024xf32, #tpu.memory_space<vmem>>
    %dma_wait3A_313 = arith.constant 0 : i32
    %dma_wait3A_314 = tpu.memref_slice %arg2[%add3A_307, %dma_wait3A_313] : memref<6144x1024xf32, #tpu.memory_space<hbm>> -> memref<32x1024xf32, #tpu.memory_space<hbm>>
    %dma_wait3A_315 = arith.constant 0 : i32
    %dma_wait3A_316 = arith.constant 0 : i32
    %dma_wait3A_317 = tpu.memref_slice %arg6[%dma_wait3A_308, %dma_wait3A_315, %dma_wait3A_316] : memref<2x32x1025xf32, #tpu.memory_space<vmem>> -> memref<1x32x1024xf32, #tpu.memory_space<vmem>>
    %dma_wait3A_318 = tpu.memref_squeeze %dma_wait3A_317 : memref<1x32x1024xf32, #tpu.memory_space<vmem>> -> memref<32x1024xf32, #tpu.memory_space<vmem>>
    %dma_wait3A_319 = arith.constant 0 : i32
    %dma_wait3A_320 = tpu.memref_slice %arg2[%add3A_307, %dma_wait3A_319] : memref<6144x1024xf32, #tpu.memory_space<hbm>> -> memref<32x1024xf32, #tpu.memory_space<hbm>>
    tpu.wait_dma2 semaphore(%arg13 : memref<!tpu.dma_semaphore, #tpu.memory_space<semaphore_mem>>) src(%dma_wait3A_320 : memref<32x1024xf32, #tpu.memory_space<hbm>>) dst(%dma_wait3A_318 : memref<32x1024xf32, #tpu.memory_space<vmem>>)
    %add3A_321 = arith.constant 0 : i32
    %add3A_322 = vector.broadcast %add3A_321 : i32 to vector<16xi32>
    %add3A_323 = arith.addi %iota3A, %add3A_322 : vector<16xi32>
    %scan3A_324 = arith.constant 0 : i32
    %scan3A_325 = arith.constant 0 : i32
    %scan3A_326 = arith.constant 128 : i32
    %scan3A_327 = arith.addi %scan3A_325, %scan3A_326 : i32
    %scan3A_328 = arith.constant 1 : i32
    %scan3A_329:2 = scf.for %scan3A_680 = %scan3A_325 to %scan3A_327 step %scan3A_328 iter_args(%scan3A_681 = %broadcast_in_dim3A_174, %scan3A_682 = %broadcast_in_dim3A_176) -> (vector<16xf32>, vector<16xi32>)  : i32 {
      %mul3A_683 = arith.constant 8 : i32
      %mul3A_684 = arith.muli %mul3A_683, %scan3A_680 : i32
      %broadcast_in_dim3A_685 = vector.broadcast %mul3A_684 : i32 to vector<16xi32>
      %add3A_686 = arith.constant 1 : i32
      %add3A_687 = vector.broadcast %add3A_686 : i32 to vector<16xi32>
      %add3A_688 = arith.addi %broadcast_in_dim3A_685, %add3A_687 : vector<16xi32>
      %add3A_689 = arith.constant 2 : i32
      %add3A_690 = vector.broadcast %add3A_689 : i32 to vector<16xi32>
      %add3A_691 = arith.addi %broadcast_in_dim3A_685, %add3A_690 : vector<16xi32>
      %add3A_692 = arith.constant 3 : i32
      %add3A_693 = vector.broadcast %add3A_692 : i32 to vector<16xi32>
      %add3A_694 = arith.addi %broadcast_in_dim3A_685, %add3A_693 : vector<16xi32>
      %add3A_695 = arith.constant 4 : i32
      %add3A_696 = vector.broadcast %add3A_695 : i32 to vector<16xi32>
      %add3A_697 = arith.addi %broadcast_in_dim3A_685, %add3A_696 : vector<16xi32>
      %add3A_698 = arith.constant 5 : i32
      %add3A_699 = vector.broadcast %add3A_698 : i32 to vector<16xi32>
      %add3A_700 = arith.addi %broadcast_in_dim3A_685, %add3A_699 : vector<16xi32>
      %add3A_701 = arith.constant 6 : i32
      %add3A_702 = vector.broadcast %add3A_701 : i32 to vector<16xi32>
      %add3A_703 = arith.addi %broadcast_in_dim3A_685, %add3A_702 : vector<16xi32>
      %add3A_704 = arith.constant 7 : i32
      %add3A_705 = vector.broadcast %add3A_704 : i32 to vector<16xi32>
      %add3A_706 = arith.addi %broadcast_in_dim3A_685, %add3A_705 : vector<16xi32>
      %gather3A_707 = arith.constant 0 : i32
      %gather3A_708 = arith.constant 0 : i32
      %gather3A_709 = tpu.memref_slice %arg6[%scan3A_324, %gather3A_707, %gather3A_708] : memref<2x32x1025xf32, #tpu.memory_space<vmem>> -> memref<1x32x1025xf32, #tpu.memory_space<vmem>>
      %gather3A_710 = tpu.memref_squeeze %gather3A_709 : memref<1x32x1025xf32, #tpu.memory_space<vmem>> -> memref<32x1025xf32, #tpu.memory_space<vmem>>
      %gather3A_711 = tpu.vector_load_idx %gather3A_710[%add3A_323, %broadcast_in_dim3A_685] : memref<32x1025xf32, #tpu.memory_space<vmem>>[vector<16xi32>, vector<16xi32>], vector<16xf32>,
      %gather3A_712 = arith.constant 0 : i32
      %gather3A_713 = arith.constant 0 : i32
      %gather3A_714 = tpu.memref_slice %arg6[%scan3A_324, %gather3A_712, %gather3A_713] : memref<2x32x1025xf32, #tpu.memory_space<vmem>> -> memref<1x32x1025xf32, #tpu.memory_space<vmem>>
      %gather3A_715 = tpu.memref_squeeze %gather3A_714 : memref<1x32x1025xf32, #tpu.memory_space<vmem>> -> memref<32x1025xf32, #tpu.memory_space<vmem>>
      %gather3A_716 = tpu.vector_load_idx %gather3A_715[%add3A_323, %add3A_688] : memref<32x1025xf32, #tpu.memory_space<vmem>>[vector<16xi32>, vector<16xi32>], vector<16xf32>,
      %gather3A_717 = arith.constant 0 : i32
      %gather3A_718 = arith.constant 0 : i32
      %gather3A_719 = tpu.memref_slice %arg6[%scan3A_324, %gather3A_717, %gather3A_718] : memref<2x32x1025xf32, #tpu.memory_space<vmem>> -> memref<1x32x1025xf32, #tpu.memory_space<vmem>>
      %gather3A_720 = tpu.memref_squeeze %gather3A_719 : memref<1x32x1025xf32, #tpu.memory_space<vmem>> -> memref<32x1025xf32, #tpu.memory_space<vmem>>
      %gather3A_721 = tpu.vector_load_idx %gather3A_720[%add3A_323, %add3A_691] : memref<32x1025xf32, #tpu.memory_space<vmem>>[vector<16xi32>, vector<16xi32>], vector<16xf32>,
      %gather3A_722 = arith.constant 0 : i32
      %gather3A_723 = arith.constant 0 : i32
      %gather3A_724 = tpu.memref_slice %arg6[%scan3A_324, %gather3A_722, %gather3A_723] : memref<2x32x1025xf32, #tpu.memory_space<vmem>> -> memref<1x32x1025xf32, #tpu.memory_space<vmem>>
      %gather3A_725 = tpu.memref_squeeze %gather3A_724 : memref<1x32x1025xf32, #tpu.memory_space<vmem>> -> memref<32x1025xf32, #tpu.memory_space<vmem>>
      %gather3A_726 = tpu.vector_load_idx %gather3A_725[%add3A_323, %add3A_694] : memref<32x1025xf32, #tpu.memory_space<vmem>>[vector<16xi32>, vector<16xi32>], vector<16xf32>,
      %gather3A_727 = arith.constant 0 : i32
      %gather3A_728 = arith.constant 0 : i32
      %gather3A_729 = tpu.memref_slice %arg6[%scan3A_324, %gather3A_727, %gather3A_728] : memref<2x32x1025xf32, #tpu.memory_space<vmem>> -> memref<1x32x1025xf32, #tpu.memory_space<vmem>>
      %gather3A_730 = tpu.memref_squeeze %gather3A_729 : memref<1x32x1025xf32, #tpu.memory_space<vmem>> -> memref<32x1025xf32, #tpu.memory_space<vmem>>
      %gather3A_731 = tpu.vector_load_idx %gather3A_730[%add3A_323, %add3A_697] : memref<32x1025xf32, #tpu.memory_space<vmem>>[vector<16xi32>, vector<16xi32>], vector<16xf32>,
      %gather3A_732 = arith.constant 0 : i32
      %gather3A_733 = arith.constant 0 : i32
      %gather3A_734 = tpu.memref_slice %arg6[%scan3A_324, %gather3A_732, %gather3A_733] : memref<2x32x1025xf32, #tpu.memory_space<vmem>> -> memref<1x32x1025xf32, #tpu.memory_space<vmem>>
      %gather3A_735 = tpu.memref_squeeze %gather3A_734 : memref<1x32x1025xf32, #tpu.memory_space<vmem>> -> memref<32x1025xf32, #tpu.memory_space<vmem>>
      %gather3A_736 = tpu.vector_load_idx %gather3A_735[%add3A_323, %add3A_700] : memref<32x1025xf32, #tpu.memory_space<vmem>>[vector<16xi32>, vector<16xi32>], vector<16xf32>,
      %gather3A_737 = arith.constant 0 : i32
      %gather3A_738 = arith.constant 0 : i32
      %gather3A_739 = tpu.memref_slice %arg6[%scan3A_324, %gather3A_737, %gather3A_738] : memref<2x32x1025xf32, #tpu.memory_space<vmem>> -> memref<1x32x1025xf32, #tpu.memory_space<vmem>>
      %gather3A_740 = tpu.memref_squeeze %gather3A_739 : memref<1x32x1025xf32, #tpu.memory_space<vmem>> -> memref<32x1025xf32, #tpu.memory_space<vmem>>
      %gather3A_741 = tpu.vector_load_idx %gather3A_740[%add3A_323, %add3A_703] : memref<32x1025xf32, #tpu.memory_space<vmem>>[vector<16xi32>, vector<16xi32>], vector<16xf32>,
      %gather3A_742 = arith.constant 0 : i32
      %gather3A_743 = arith.constant 0 : i32
      %gather3A_744 = tpu.memref_slice %arg6[%scan3A_324, %gather3A_742, %gather3A_743] : memref<2x32x1025xf32, #tpu.memory_space<vmem>> -> memref<1x32x1025xf32, #tpu.memory_space<vmem>>
      %gather3A_745 = tpu.memref_squeeze %gather3A_744 : memref<1x32x1025xf32, #tpu.memory_space<vmem>> -> memref<32x1025xf32, #tpu.memory_space<vmem>>
      %gather3A_746 = tpu.vector_load_idx %gather3A_745[%add3A_323, %add3A_706] : memref<32x1025xf32, #tpu.memory_space<vmem>>[vector<16xi32>, vector<16xi32>], vector<16xf32>,
      %ge3A = arith.cmpf oge, %gather3A_711, %gather3A_716 : vector<16xf32>
      %max3A_747 = arith.maximumf %gather3A_711, %gather3A_716 : vector<16xf32>
      %select_n3A_748 = arith.select %ge3A, %broadcast_in_dim3A_685, %add3A_688 : vector<16xi1>, vector<16xi32>
      %ge3A_749 = arith.cmpf oge, %gather3A_721, %gather3A_726 : vector<16xf32>
      %max3A_750 = arith.maximumf %gather3A_721, %gather3A_726 : vector<16xf32>
      %select_n3A_751 = arith.select %ge3A_749, %add3A_691, %add3A_694 : vector<16xi1>, vector<16xi32>
      %ge3A_752 = arith.cmpf oge, %gather3A_731, %gather3A_736 : vector<16xf32>
      %max3A_753 = arith.maximumf %gather3A_731, %gather3A_736 : vector<16xf32>
      %select_n3A_754 = arith.select %ge3A_752, %add3A_697, %add3A_700 : vector<16xi1>, vector<16xi32>
      %ge3A_755 = arith.cmpf oge, %gather3A_741, %gather3A_746 : vector<16xf32>
      %max3A_756 = arith.maximumf %gather3A_741, %gather3A_746 : vector<16xf32>
      %select_n3A_757 = arith.select %ge3A_755, %add3A_703, %add3A_706 : vector<16xi1>, vector<16xi32>
      %ge3A_758 = arith.cmpf oge, %max3A_747, %max3A_750 : vector<16xf32>
      %max3A_759 = arith.maximumf %max3A_747, %max3A_750 : vector<16xf32>
      %select_n3A_760 = arith.select %ge3A_758, %select_n3A_748, %select_n3A_751 : vector<16xi1>, vector<16xi32>
      %ge3A_761 = arith.cmpf oge, %max3A_753, %max3A_756 : vector<16xf32>
      %max3A_762 = arith.maximumf %max3A_753, %max3A_756 : vector<16xf32>
      %select_n3A_763 = arith.select %ge3A_761, %select_n3A_754, %select_n3A_757 : vector<16xi1>, vector<16xi32>
      %ge3A_764 = arith.cmpf oge, %max3A_759, %max3A_762 : vector<16xf32>
      %max3A_765 = arith.maximumf %max3A_759, %max3A_762 : vector<16xf32>
      %select_n3A_766 = arith.select %ge3A_764, %select_n3A_760, %select_n3A_763 : vector<16xi1>, vector<16xi32>
      %gt3A_767 = arith.cmpf ogt, %max3A_765, %scan3A_681 : vector<16xf32>
      %select_n3A_768 = arith.select %gt3A_767, %max3A_765, %scan3A_681 : vector<16xi1>, vector<16xf32>
      %select_n3A_769 = arith.select %gt3A_767, %select_n3A_766, %scan3A_682 : vector<16xi1>, vector<16xi32>
      scf.yield %select_n3A_768, %select_n3A_769 : vector<16xf32>, vector<16xi32>
    }
    %scan3A_330 = arith.constant 128 : i32
    %swap3A_331 = arith.constant 64 : index
    %swap3A_332 = tpu.vector_load %arg7[%swap3A_331] {strides = array<i32>} : memref<192xi32, #tpu.memory_space<vmem>>, vector<16xi32>,
    tpu.vector_store %arg7[%swap3A_331], %scan3A_329#1 {strides = array<i32>} : memref<192xi32, #tpu.memory_space<vmem>>, vector<16xi32>,
    %swap3A_333 = arith.constant 64 : index
    %swap3A_334 = tpu.vector_load %arg8[%swap3A_333] {strides = array<i32>} : memref<192xf32, #tpu.memory_space<vmem>>, vector<16xf32>,
    tpu.vector_store %arg8[%swap3A_333], %scan3A_329#0 {strides = array<i32>} : memref<192xf32, #tpu.memory_space<vmem>>, vector<16xf32>,
    %add3A_335 = arith.constant 16 : i32
    %add3A_336 = vector.broadcast %add3A_335 : i32 to vector<16xi32>
    %add3A_337 = arith.addi %iota3A, %add3A_336 : vector<16xi32>
    %scan3A_338 = arith.constant 0 : i32
    %scan3A_339 = arith.constant 0 : i32
    %scan3A_340 = arith.constant 128 : i32
    %scan3A_341 = arith.addi %scan3A_339, %scan3A_340 : i32
    %scan3A_342 = arith.constant 1 : i32
    %scan3A_343:2 = scf.for %scan3A_680 = %scan3A_339 to %scan3A_341 step %scan3A_342 iter_args(%scan3A_681 = %broadcast_in_dim3A_174, %scan3A_682 = %broadcast_in_dim3A_176) -> (vector<16xf32>, vector<16xi32>)  : i32 {
      %mul3A_683 = arith.constant 8 : i32
      %mul3A_684 = arith.muli %mul3A_683, %scan3A_680 : i32
      %broadcast_in_dim3A_685 = vector.broadcast %mul3A_684 : i32 to vector<16xi32>
      %add3A_686 = arith.constant 1 : i32
      %add3A_687 = vector.broadcast %add3A_686 : i32 to vector<16xi32>
      %add3A_688 = arith.addi %broadcast_in_dim3A_685, %add3A_687 : vector<16xi32>
      %add3A_689 = arith.constant 2 : i32
      %add3A_690 = vector.broadcast %add3A_689 : i32 to vector<16xi32>
      %add3A_691 = arith.addi %broadcast_in_dim3A_685, %add3A_690 : vector<16xi32>
      %add3A_692 = arith.constant 3 : i32
      %add3A_693 = vector.broadcast %add3A_692 : i32 to vector<16xi32>
      %add3A_694 = arith.addi %broadcast_in_dim3A_685, %add3A_693 : vector<16xi32>
      %add3A_695 = arith.constant 4 : i32
      %add3A_696 = vector.broadcast %add3A_695 : i32 to vector<16xi32>
      %add3A_697 = arith.addi %broadcast_in_dim3A_685, %add3A_696 : vector<16xi32>
      %add3A_698 = arith.constant 5 : i32
      %add3A_699 = vector.broadcast %add3A_698 : i32 to vector<16xi32>
      %add3A_700 = arith.addi %broadcast_in_dim3A_685, %add3A_699 : vector<16xi32>
      %add3A_701 = arith.constant 6 : i32
      %add3A_702 = vector.broadcast %add3A_701 : i32 to vector<16xi32>
      %add3A_703 = arith.addi %broadcast_in_dim3A_685, %add3A_702 : vector<16xi32>
      %add3A_704 = arith.constant 7 : i32
      %add3A_705 = vector.broadcast %add3A_704 : i32 to vector<16xi32>
      %add3A_706 = arith.addi %broadcast_in_dim3A_685, %add3A_705 : vector<16xi32>
      %gather3A_707 = arith.constant 0 : i32
      %gather3A_708 = arith.constant 0 : i32
      %gather3A_709 = tpu.memref_slice %arg6[%scan3A_338, %gather3A_707, %gather3A_708] : memref<2x32x1025xf32, #tpu.memory_space<vmem>> -> memref<1x32x1025xf32, #tpu.memory_space<vmem>>
      %gather3A_710 = tpu.memref_squeeze %gather3A_709 : memref<1x32x1025xf32, #tpu.memory_space<vmem>> -> memref<32x1025xf32, #tpu.memory_space<vmem>>
      %gather3A_711 = tpu.vector_load_idx %gather3A_710[%add3A_337, %broadcast_in_dim3A_685] : memref<32x1025xf32, #tpu.memory_space<vmem>>[vector<16xi32>, vector<16xi32>], vector<16xf32>,
      %gather3A_712 = arith.constant 0 : i32
      %gather3A_713 = arith.constant 0 : i32
      %gather3A_714 = tpu.memref_slice %arg6[%scan3A_338, %gather3A_712, %gather3A_713] : memref<2x32x1025xf32, #tpu.memory_space<vmem>> -> memref<1x32x1025xf32, #tpu.memory_space<vmem>>
      %gather3A_715 = tpu.memref_squeeze %gather3A_714 : memref<1x32x1025xf32, #tpu.memory_space<vmem>> -> memref<32x1025xf32, #tpu.memory_space<vmem>>
      %gather3A_716 = tpu.vector_load_idx %gather3A_715[%add3A_337, %add3A_688] : memref<32x1025xf32, #tpu.memory_space<vmem>>[vector<16xi32>, vector<16xi32>], vector<16xf32>,
      %gather3A_717 = arith.constant 0 : i32
      %gather3A_718 = arith.constant 0 : i32
      %gather3A_719 = tpu.memref_slice %arg6[%scan3A_338, %gather3A_717, %gather3A_718] : memref<2x32x1025xf32, #tpu.memory_space<vmem>> -> memref<1x32x1025xf32, #tpu.memory_space<vmem>>
      %gather3A_720 = tpu.memref_squeeze %gather3A_719 : memref<1x32x1025xf32, #tpu.memory_space<vmem>> -> memref<32x1025xf32, #tpu.memory_space<vmem>>
      %gather3A_721 = tpu.vector_load_idx %gather3A_720[%add3A_337, %add3A_691] : memref<32x1025xf32, #tpu.memory_space<vmem>>[vector<16xi32>, vector<16xi32>], vector<16xf32>,
      %gather3A_722 = arith.constant 0 : i32
      %gather3A_723 = arith.constant 0 : i32
      %gather3A_724 = tpu.memref_slice %arg6[%scan3A_338, %gather3A_722, %gather3A_723] : memref<2x32x1025xf32, #tpu.memory_space<vmem>> -> memref<1x32x1025xf32, #tpu.memory_space<vmem>>
      %gather3A_725 = tpu.memref_squeeze %gather3A_724 : memref<1x32x1025xf32, #tpu.memory_space<vmem>> -> memref<32x1025xf32, #tpu.memory_space<vmem>>
      %gather3A_726 = tpu.vector_load_idx %gather3A_725[%add3A_337, %add3A_694] : memref<32x1025xf32, #tpu.memory_space<vmem>>[vector<16xi32>, vector<16xi32>], vector<16xf32>,
      %gather3A_727 = arith.constant 0 : i32
      %gather3A_728 = arith.constant 0 : i32
      %gather3A_729 = tpu.memref_slice %arg6[%scan3A_338, %gather3A_727, %gather3A_728] : memref<2x32x1025xf32, #tpu.memory_space<vmem>> -> memref<1x32x1025xf32, #tpu.memory_space<vmem>>
      %gather3A_730 = tpu.memref_squeeze %gather3A_729 : memref<1x32x1025xf32, #tpu.memory_space<vmem>> -> memref<32x1025xf32, #tpu.memory_space<vmem>>
      %gather3A_731 = tpu.vector_load_idx %gather3A_730[%add3A_337, %add3A_697] : memref<32x1025xf32, #tpu.memory_space<vmem>>[vector<16xi32>, vector<16xi32>], vector<16xf32>,
      %gather3A_732 = arith.constant 0 : i32
      %gather3A_733 = arith.constant 0 : i32
      %gather3A_734 = tpu.memref_slice %arg6[%scan3A_338, %gather3A_732, %gather3A_733] : memref<2x32x1025xf32, #tpu.memory_space<vmem>> -> memref<1x32x1025xf32, #tpu.memory_space<vmem>>
      %gather3A_735 = tpu.memref_squeeze %gather3A_734 : memref<1x32x1025xf32, #tpu.memory_space<vmem>> -> memref<32x1025xf32, #tpu.memory_space<vmem>>
      %gather3A_736 = tpu.vector_load_idx %gather3A_735[%add3A_337, %add3A_700] : memref<32x1025xf32, #tpu.memory_space<vmem>>[vector<16xi32>, vector<16xi32>], vector<16xf32>,
      %gather3A_737 = arith.constant 0 : i32
      %gather3A_738 = arith.constant 0 : i32
      %gather3A_739 = tpu.memref_slice %arg6[%scan3A_338, %gather3A_737, %gather3A_738] : memref<2x32x1025xf32, #tpu.memory_space<vmem>> -> memref<1x32x1025xf32, #tpu.memory_space<vmem>>
      %gather3A_740 = tpu.memref_squeeze %gather3A_739 : memref<1x32x1025xf32, #tpu.memory_space<vmem>> -> memref<32x1025xf32, #tpu.memory_space<vmem>>
      %gather3A_741 = tpu.vector_load_idx %gather3A_740[%add3A_337, %add3A_703] : memref<32x1025xf32, #tpu.memory_space<vmem>>[vector<16xi32>, vector<16xi32>], vector<16xf32>,
      %gather3A_742 = arith.constant 0 : i32
      %gather3A_743 = arith.constant 0 : i32
      %gather3A_744 = tpu.memref_slice %arg6[%scan3A_338, %gather3A_742, %gather3A_743] : memref<2x32x1025xf32, #tpu.memory_space<vmem>> -> memref<1x32x1025xf32, #tpu.memory_space<vmem>>
      %gather3A_745 = tpu.memref_squeeze %gather3A_744 : memref<1x32x1025xf32, #tpu.memory_space<vmem>> -> memref<32x1025xf32, #tpu.memory_space<vmem>>
      %gather3A_746 = tpu.vector_load_idx %gather3A_745[%add3A_337, %add3A_706] : memref<32x1025xf32, #tpu.memory_space<vmem>>[vector<16xi32>, vector<16xi32>], vector<16xf32>,
      %ge3A = arith.cmpf oge, %gather3A_711, %gather3A_716 : vector<16xf32>
      %max3A_747 = arith.maximumf %gather3A_711, %gather3A_716 : vector<16xf32>
      %select_n3A_748 = arith.select %ge3A, %broadcast_in_dim3A_685, %add3A_688 : vector<16xi1>, vector<16xi32>
      %ge3A_749 = arith.cmpf oge, %gather3A_721, %gather3A_726 : vector<16xf32>
      %max3A_750 = arith.maximumf %gather3A_721, %gather3A_726 : vector<16xf32>
      %select_n3A_751 = arith.select %ge3A_749, %add3A_691, %add3A_694 : vector<16xi1>, vector<16xi32>
      %ge3A_752 = arith.cmpf oge, %gather3A_731, %gather3A_736 : vector<16xf32>
      %max3A_753 = arith.maximumf %gather3A_731, %gather3A_736 : vector<16xf32>
      %select_n3A_754 = arith.select %ge3A_752, %add3A_697, %add3A_700 : vector<16xi1>, vector<16xi32>
      %ge3A_755 = arith.cmpf oge, %gather3A_741, %gather3A_746 : vector<16xf32>
      %max3A_756 = arith.maximumf %gather3A_741, %gather3A_746 : vector<16xf32>
      %select_n3A_757 = arith.select %ge3A_755, %add3A_703, %add3A_706 : vector<16xi1>, vector<16xi32>
      %ge3A_758 = arith.cmpf oge, %max3A_747, %max3A_750 : vector<16xf32>
      %max3A_759 = arith.maximumf %max3A_747, %max3A_750 : vector<16xf32>
      %select_n3A_760 = arith.select %ge3A_758, %select_n3A_748, %select_n3A_751 : vector<16xi1>, vector<16xi32>
      %ge3A_761 = arith.cmpf oge, %max3A_753, %max3A_756 : vector<16xf32>
      %max3A_762 = arith.maximumf %max3A_753, %max3A_756 : vector<16xf32>
      %select_n3A_763 = arith.select %ge3A_761, %select_n3A_754, %select_n3A_757 : vector<16xi1>, vector<16xi32>
      %ge3A_764 = arith.cmpf oge, %max3A_759, %max3A_762 : vector<16xf32>
      %max3A_765 = arith.maximumf %max3A_759, %max3A_762 : vector<16xf32>
      %select_n3A_766 = arith.select %ge3A_764, %select_n3A_760, %select_n3A_763 : vector<16xi1>, vector<16xi32>
      %gt3A_767 = arith.cmpf ogt, %max3A_765, %scan3A_681 : vector<16xf32>
      %select_n3A_768 = arith.select %gt3A_767, %max3A_765, %scan3A_681 : vector<16xi1>, vector<16xf32>
      %select_n3A_769 = arith.select %gt3A_767, %select_n3A_766, %scan3A_682 : vector<16xi1>, vector<16xi32>
      scf.yield %select_n3A_768, %select_n3A_769 : vector<16xf32>, vector<16xi32>
    }
    %scan3A_344 = arith.constant 128 : i32
    %swap3A_345 = arith.constant 80 : index
    %swap3A_346 = tpu.vector_load %arg7[%swap3A_345] {strides = array<i32>} : memref<192xi32, #tpu.memory_space<vmem>>, vector<16xi32>,
    tpu.vector_store %arg7[%swap3A_345], %scan3A_343#1 {strides = array<i32>} : memref<192xi32, #tpu.memory_space<vmem>>, vector<16xi32>,
    %swap3A_347 = arith.constant 80 : index
    %swap3A_348 = tpu.vector_load %arg8[%swap3A_347] {strides = array<i32>} : memref<192xf32, #tpu.memory_space<vmem>>, vector<16xf32>,
    tpu.vector_store %arg8[%swap3A_347], %scan3A_343#0 {strides = array<i32>} : memref<192xf32, #tpu.memory_space<vmem>>, vector<16xf32>,
    %add3A_349 = arith.constant 128 : i32
    %add3A_350 = arith.addi %mul3A_2, %add3A_349 : i32
    %dma_start3A_351 = arith.constant 0 : i32
    %dma_start3A_352 = arith.constant 0 : i32
    %dma_start3A_353 = arith.constant 0 : i32
    %dma_start3A_354 = tpu.memref_slice %arg6[%dma_start3A_351, %dma_start3A_352, %dma_start3A_353] : memref<2x32x1025xf32, #tpu.memory_space<vmem>> -> memref<1x32x1024xf32, #tpu.memory_space<vmem>>
    %dma_start3A_355 = tpu.memref_squeeze %dma_start3A_354 : memref<1x32x1024xf32, #tpu.memory_space<vmem>> -> memref<32x1024xf32, #tpu.memory_space<vmem>>
    %dma_start3A_356 = arith.constant 0 : i32
    %dma_start3A_357 = tpu.memref_slice %arg2[%add3A_350, %dma_start3A_356] : memref<6144x1024xf32, #tpu.memory_space<hbm>> -> memref<32x1024xf32, #tpu.memory_space<hbm>>
    %dma_start3A_358 = arith.constant 0 : i32
    %dma_start3A_359 = arith.constant 0 : i32
    %dma_start3A_360 = tpu.memref_slice %arg6[%dma_start3A_351, %dma_start3A_358, %dma_start3A_359] : memref<2x32x1025xf32, #tpu.memory_space<vmem>> -> memref<1x32x1024xf32, #tpu.memory_space<vmem>>
    %dma_start3A_361 = tpu.memref_squeeze %dma_start3A_360 : memref<1x32x1024xf32, #tpu.memory_space<vmem>> -> memref<32x1024xf32, #tpu.memory_space<vmem>>
    %dma_start3A_362 = arith.constant 0 : i32
    %dma_start3A_363 = tpu.memref_slice %arg2[%add3A_350, %dma_start3A_362] : memref<6144x1024xf32, #tpu.memory_space<hbm>> -> memref<32x1024xf32, #tpu.memory_space<hbm>>
    tpu.enqueue_dma source(%dma_start3A_363 : memref<32x1024xf32, #tpu.memory_space<hbm>>) target(%dma_start3A_361 : memref<32x1024xf32, #tpu.memory_space<vmem>>) target_semaphore(%arg13 : memref<!tpu.dma_semaphore, #tpu.memory_space<semaphore_mem>>)
    %add3A_364 = arith.constant 96 : i32
    %add3A_365 = arith.addi %mul3A_2, %add3A_364 : i32
    %dma_wait3A_366 = arith.constant 1 : i32
    %dma_wait3A_367 = arith.constant 0 : i32
    %dma_wait3A_368 = arith.constant 0 : i32
    %dma_wait3A_369 = tpu.memref_slice %arg6[%dma_wait3A_366, %dma_wait3A_367, %dma_wait3A_368] : memref<2x32x1025xf32, #tpu.memory_space<vmem>> -> memref<1x32x1024xf32, #tpu.memory_space<vmem>>
    %dma_wait3A_370 = tpu.memref_squeeze %dma_wait3A_369 : memref<1x32x1024xf32, #tpu.memory_space<vmem>> -> memref<32x1024xf32, #tpu.memory_space<vmem>>
    %dma_wait3A_371 = arith.constant 0 : i32
    %dma_wait3A_372 = tpu.memref_slice %arg2[%add3A_365, %dma_wait3A_371] : memref<6144x1024xf32, #tpu.memory_space<hbm>> -> memref<32x1024xf32, #tpu.memory_space<hbm>>
    %dma_wait3A_373 = arith.constant 0 : i32
    %dma_wait3A_374 = arith.constant 0 : i32
    %dma_wait3A_375 = tpu.memref_slice %arg6[%dma_wait3A_366, %dma_wait3A_373, %dma_wait3A_374] : memref<2x32x1025xf32, #tpu.memory_space<vmem>> -> memref<1x32x1024xf32, #tpu.memory_space<vmem>>
    %dma_wait3A_376 = tpu.memref_squeeze %dma_wait3A_375 : memref<1x32x1024xf32, #tpu.memory_space<vmem>> -> memref<32x1024xf32, #tpu.memory_space<vmem>>
    %dma_wait3A_377 = arith.constant 0 : i32
    %dma_wait3A_378 = tpu.memref_slice %arg2[%add3A_365, %dma_wait3A_377] : memref<6144x1024xf32, #tpu.memory_space<hbm>> -> memref<32x1024xf32, #tpu.memory_space<hbm>>
    tpu.wait_dma2 semaphore(%arg14 : memref<!tpu.dma_semaphore, #tpu.memory_space<semaphore_mem>>) src(%dma_wait3A_378 : memref<32x1024xf32, #tpu.memory_space<hbm>>) dst(%dma_wait3A_376 : memref<32x1024xf32, #tpu.memory_space<vmem>>)
    %add3A_379 = arith.constant 0 : i32
    %add3A_380 = vector.broadcast %add3A_379 : i32 to vector<16xi32>
    %add3A_381 = arith.addi %iota3A, %add3A_380 : vector<16xi32>
    %scan3A_382 = arith.constant 1 : i32
    %scan3A_383 = arith.constant 0 : i32
    %scan3A_384 = arith.constant 128 : i32
    %scan3A_385 = arith.addi %scan3A_383, %scan3A_384 : i32
    %scan3A_386 = arith.constant 1 : i32
    %scan3A_387:2 = scf.for %scan3A_680 = %scan3A_383 to %scan3A_385 step %scan3A_386 iter_args(%scan3A_681 = %broadcast_in_dim3A_174, %scan3A_682 = %broadcast_in_dim3A_176) -> (vector<16xf32>, vector<16xi32>)  : i32 {
      %mul3A_683 = arith.constant 8 : i32
      %mul3A_684 = arith.muli %mul3A_683, %scan3A_680 : i32
      %broadcast_in_dim3A_685 = vector.broadcast %mul3A_684 : i32 to vector<16xi32>
      %add3A_686 = arith.constant 1 : i32
      %add3A_687 = vector.broadcast %add3A_686 : i32 to vector<16xi32>
      %add3A_688 = arith.addi %broadcast_in_dim3A_685, %add3A_687 : vector<16xi32>
      %add3A_689 = arith.constant 2 : i32
      %add3A_690 = vector.broadcast %add3A_689 : i32 to vector<16xi32>
      %add3A_691 = arith.addi %broadcast_in_dim3A_685, %add3A_690 : vector<16xi32>
      %add3A_692 = arith.constant 3 : i32
      %add3A_693 = vector.broadcast %add3A_692 : i32 to vector<16xi32>
      %add3A_694 = arith.addi %broadcast_in_dim3A_685, %add3A_693 : vector<16xi32>
      %add3A_695 = arith.constant 4 : i32
      %add3A_696 = vector.broadcast %add3A_695 : i32 to vector<16xi32>
      %add3A_697 = arith.addi %broadcast_in_dim3A_685, %add3A_696 : vector<16xi32>
      %add3A_698 = arith.constant 5 : i32
      %add3A_699 = vector.broadcast %add3A_698 : i32 to vector<16xi32>
      %add3A_700 = arith.addi %broadcast_in_dim3A_685, %add3A_699 : vector<16xi32>
      %add3A_701 = arith.constant 6 : i32
      %add3A_702 = vector.broadcast %add3A_701 : i32 to vector<16xi32>
      %add3A_703 = arith.addi %broadcast_in_dim3A_685, %add3A_702 : vector<16xi32>
      %add3A_704 = arith.constant 7 : i32
      %add3A_705 = vector.broadcast %add3A_704 : i32 to vector<16xi32>
      %add3A_706 = arith.addi %broadcast_in_dim3A_685, %add3A_705 : vector<16xi32>
      %gather3A_707 = arith.constant 0 : i32
      %gather3A_708 = arith.constant 0 : i32
      %gather3A_709 = tpu.memref_slice %arg6[%scan3A_382, %gather3A_707, %gather3A_708] : memref<2x32x1025xf32, #tpu.memory_space<vmem>> -> memref<1x32x1025xf32, #tpu.memory_space<vmem>>
      %gather3A_710 = tpu.memref_squeeze %gather3A_709 : memref<1x32x1025xf32, #tpu.memory_space<vmem>> -> memref<32x1025xf32, #tpu.memory_space<vmem>>
      %gather3A_711 = tpu.vector_load_idx %gather3A_710[%add3A_381, %broadcast_in_dim3A_685] : memref<32x1025xf32, #tpu.memory_space<vmem>>[vector<16xi32>, vector<16xi32>], vector<16xf32>,
      %gather3A_712 = arith.constant 0 : i32
      %gather3A_713 = arith.constant 0 : i32
      %gather3A_714 = tpu.memref_slice %arg6[%scan3A_382, %gather3A_712, %gather3A_713] : memref<2x32x1025xf32, #tpu.memory_space<vmem>> -> memref<1x32x1025xf32, #tpu.memory_space<vmem>>
      %gather3A_715 = tpu.memref_squeeze %gather3A_714 : memref<1x32x1025xf32, #tpu.memory_space<vmem>> -> memref<32x1025xf32, #tpu.memory_space<vmem>>
      %gather3A_716 = tpu.vector_load_idx %gather3A_715[%add3A_381, %add3A_688] : memref<32x1025xf32, #tpu.memory_space<vmem>>[vector<16xi32>, vector<16xi32>], vector<16xf32>,
      %gather3A_717 = arith.constant 0 : i32
      %gather3A_718 = arith.constant 0 : i32
      %gather3A_719 = tpu.memref_slice %arg6[%scan3A_382, %gather3A_717, %gather3A_718] : memref<2x32x1025xf32, #tpu.memory_space<vmem>> -> memref<1x32x1025xf32, #tpu.memory_space<vmem>>
      %gather3A_720 = tpu.memref_squeeze %gather3A_719 : memref<1x32x1025xf32, #tpu.memory_space<vmem>> -> memref<32x1025xf32, #tpu.memory_space<vmem>>
      %gather3A_721 = tpu.vector_load_idx %gather3A_720[%add3A_381, %add3A_691] : memref<32x1025xf32, #tpu.memory_space<vmem>>[vector<16xi32>, vector<16xi32>], vector<16xf32>,
      %gather3A_722 = arith.constant 0 : i32
      %gather3A_723 = arith.constant 0 : i32
      %gather3A_724 = tpu.memref_slice %arg6[%scan3A_382, %gather3A_722, %gather3A_723] : memref<2x32x1025xf32, #tpu.memory_space<vmem>> -> memref<1x32x1025xf32, #tpu.memory_space<vmem>>
      %gather3A_725 = tpu.memref_squeeze %gather3A_724 : memref<1x32x1025xf32, #tpu.memory_space<vmem>> -> memref<32x1025xf32, #tpu.memory_space<vmem>>
      %gather3A_726 = tpu.vector_load_idx %gather3A_725[%add3A_381, %add3A_694] : memref<32x1025xf32, #tpu.memory_space<vmem>>[vector<16xi32>, vector<16xi32>], vector<16xf32>,
      %gather3A_727 = arith.constant 0 : i32
      %gather3A_728 = arith.constant 0 : i32
      %gather3A_729 = tpu.memref_slice %arg6[%scan3A_382, %gather3A_727, %gather3A_728] : memref<2x32x1025xf32, #tpu.memory_space<vmem>> -> memref<1x32x1025xf32, #tpu.memory_space<vmem>>
      %gather3A_730 = tpu.memref_squeeze %gather3A_729 : memref<1x32x1025xf32, #tpu.memory_space<vmem>> -> memref<32x1025xf32, #tpu.memory_space<vmem>>
      %gather3A_731 = tpu.vector_load_idx %gather3A_730[%add3A_381, %add3A_697] : memref<32x1025xf32, #tpu.memory_space<vmem>>[vector<16xi32>, vector<16xi32>], vector<16xf32>,
      %gather3A_732 = arith.constant 0 : i32
      %gather3A_733 = arith.constant 0 : i32
      %gather3A_734 = tpu.memref_slice %arg6[%scan3A_382, %gather3A_732, %gather3A_733] : memref<2x32x1025xf32, #tpu.memory_space<vmem>> -> memref<1x32x1025xf32, #tpu.memory_space<vmem>>
      %gather3A_735 = tpu.memref_squeeze %gather3A_734 : memref<1x32x1025xf32, #tpu.memory_space<vmem>> -> memref<32x1025xf32, #tpu.memory_space<vmem>>
      %gather3A_736 = tpu.vector_load_idx %gather3A_735[%add3A_381, %add3A_700] : memref<32x1025xf32, #tpu.memory_space<vmem>>[vector<16xi32>, vector<16xi32>], vector<16xf32>,
      %gather3A_737 = arith.constant 0 : i32
      %gather3A_738 = arith.constant 0 : i32
      %gather3A_739 = tpu.memref_slice %arg6[%scan3A_382, %gather3A_737, %gather3A_738] : memref<2x32x1025xf32, #tpu.memory_space<vmem>> -> memref<1x32x1025xf32, #tpu.memory_space<vmem>>
      %gather3A_740 = tpu.memref_squeeze %gather3A_739 : memref<1x32x1025xf32, #tpu.memory_space<vmem>> -> memref<32x1025xf32, #tpu.memory_space<vmem>>
      %gather3A_741 = tpu.vector_load_idx %gather3A_740[%add3A_381, %add3A_703] : memref<32x1025xf32, #tpu.memory_space<vmem>>[vector<16xi32>, vector<16xi32>], vector<16xf32>,
      %gather3A_742 = arith.constant 0 : i32
      %gather3A_743 = arith.constant 0 : i32
      %gather3A_744 = tpu.memref_slice %arg6[%scan3A_382, %gather3A_742, %gather3A_743] : memref<2x32x1025xf32, #tpu.memory_space<vmem>> -> memref<1x32x1025xf32, #tpu.memory_space<vmem>>
      %gather3A_745 = tpu.memref_squeeze %gather3A_744 : memref<1x32x1025xf32, #tpu.memory_space<vmem>> -> memref<32x1025xf32, #tpu.memory_space<vmem>>
      %gather3A_746 = tpu.vector_load_idx %gather3A_745[%add3A_381, %add3A_706] : memref<32x1025xf32, #tpu.memory_space<vmem>>[vector<16xi32>, vector<16xi32>], vector<16xf32>,
      %ge3A = arith.cmpf oge, %gather3A_711, %gather3A_716 : vector<16xf32>
      %max3A_747 = arith.maximumf %gather3A_711, %gather3A_716 : vector<16xf32>
      %select_n3A_748 = arith.select %ge3A, %broadcast_in_dim3A_685, %add3A_688 : vector<16xi1>, vector<16xi32>
      %ge3A_749 = arith.cmpf oge, %gather3A_721, %gather3A_726 : vector<16xf32>
      %max3A_750 = arith.maximumf %gather3A_721, %gather3A_726 : vector<16xf32>
      %select_n3A_751 = arith.select %ge3A_749, %add3A_691, %add3A_694 : vector<16xi1>, vector<16xi32>
      %ge3A_752 = arith.cmpf oge, %gather3A_731, %gather3A_736 : vector<16xf32>
      %max3A_753 = arith.maximumf %gather3A_731, %gather3A_736 : vector<16xf32>
      %select_n3A_754 = arith.select %ge3A_752, %add3A_697, %add3A_700 : vector<16xi1>, vector<16xi32>
      %ge3A_755 = arith.cmpf oge, %gather3A_741, %gather3A_746 : vector<16xf32>
      %max3A_756 = arith.maximumf %gather3A_741, %gather3A_746 : vector<16xf32>
      %select_n3A_757 = arith.select %ge3A_755, %add3A_703, %add3A_706 : vector<16xi1>, vector<16xi32>
      %ge3A_758 = arith.cmpf oge, %max3A_747, %max3A_750 : vector<16xf32>
      %max3A_759 = arith.maximumf %max3A_747, %max3A_750 : vector<16xf32>
      %select_n3A_760 = arith.select %ge3A_758, %select_n3A_748, %select_n3A_751 : vector<16xi1>, vector<16xi32>
      %ge3A_761 = arith.cmpf oge, %max3A_753, %max3A_756 : vector<16xf32>
      %max3A_762 = arith.maximumf %max3A_753, %max3A_756 : vector<16xf32>
      %select_n3A_763 = arith.select %ge3A_761, %select_n3A_754, %select_n3A_757 : vector<16xi1>, vector<16xi32>
      %ge3A_764 = arith.cmpf oge, %max3A_759, %max3A_762 : vector<16xf32>
      %max3A_765 = arith.maximumf %max3A_759, %max3A_762 : vector<16xf32>
      %select_n3A_766 = arith.select %ge3A_764, %select_n3A_760, %select_n3A_763 : vector<16xi1>, vector<16xi32>
      %gt3A_767 = arith.cmpf ogt, %max3A_765, %scan3A_681 : vector<16xf32>
      %select_n3A_768 = arith.select %gt3A_767, %max3A_765, %scan3A_681 : vector<16xi1>, vector<16xf32>
      %select_n3A_769 = arith.select %gt3A_767, %select_n3A_766, %scan3A_682 : vector<16xi1>, vector<16xi32>
      scf.yield %select_n3A_768, %select_n3A_769 : vector<16xf32>, vector<16xi32>
    }
    %scan3A_388 = arith.constant 128 : i32
    %swap3A_389 = arith.constant 96 : index
    %swap3A_390 = tpu.vector_load %arg7[%swap3A_389] {strides = array<i32>} : memref<192xi32, #tpu.memory_space<vmem>>, vector<16xi32>,
    tpu.vector_store %arg7[%swap3A_389], %scan3A_387#1 {strides = array<i32>} : memref<192xi32, #tpu.memory_space<vmem>>, vector<16xi32>,
    %swap3A_391 = arith.constant 96 : index
    %swap3A_392 = tpu.vector_load %arg8[%swap3A_391] {strides = array<i32>} : memref<192xf32, #tpu.memory_space<vmem>>, vector<16xf32>,
    tpu.vector_store %arg8[%swap3A_391], %scan3A_387#0 {strides = array<i32>} : memref<192xf32, #tpu.memory_space<vmem>>, vector<16xf32>,
    %add3A_393 = arith.constant 16 : i32
    %add3A_394 = vector.broadcast %add3A_393 : i32 to vector<16xi32>
    %add3A_395 = arith.addi %iota3A, %add3A_394 : vector<16xi32>
    %scan3A_396 = arith.constant 1 : i32
    %scan3A_397 = arith.constant 0 : i32
    %scan3A_398 = arith.constant 128 : i32
    %scan3A_399 = arith.addi %scan3A_397, %scan3A_398 : i32
    %scan3A_400 = arith.constant 1 : i32
    %scan3A_401:2 = scf.for %scan3A_680 = %scan3A_397 to %scan3A_399 step %scan3A_400 iter_args(%scan3A_681 = %broadcast_in_dim3A_174, %scan3A_682 = %broadcast_in_dim3A_176) -> (vector<16xf32>, vector<16xi32>)  : i32 {
      %mul3A_683 = arith.constant 8 : i32
      %mul3A_684 = arith.muli %mul3A_683, %scan3A_680 : i32
      %broadcast_in_dim3A_685 = vector.broadcast %mul3A_684 : i32 to vector<16xi32>
      %add3A_686 = arith.constant 1 : i32
      %add3A_687 = vector.broadcast %add3A_686 : i32 to vector<16xi32>
      %add3A_688 = arith.addi %broadcast_in_dim3A_685, %add3A_687 : vector<16xi32>
      %add3A_689 = arith.constant 2 : i32
      %add3A_690 = vector.broadcast %add3A_689 : i32 to vector<16xi32>
      %add3A_691 = arith.addi %broadcast_in_dim3A_685, %add3A_690 : vector<16xi32>
      %add3A_692 = arith.constant 3 : i32
      %add3A_693 = vector.broadcast %add3A_692 : i32 to vector<16xi32>
      %add3A_694 = arith.addi %broadcast_in_dim3A_685, %add3A_693 : vector<16xi32>
      %add3A_695 = arith.constant 4 : i32
      %add3A_696 = vector.broadcast %add3A_695 : i32 to vector<16xi32>
      %add3A_697 = arith.addi %broadcast_in_dim3A_685, %add3A_696 : vector<16xi32>
      %add3A_698 = arith.constant 5 : i32
      %add3A_699 = vector.broadcast %add3A_698 : i32 to vector<16xi32>
      %add3A_700 = arith.addi %broadcast_in_dim3A_685, %add3A_699 : vector<16xi32>
      %add3A_701 = arith.constant 6 : i32
      %add3A_702 = vector.broadcast %add3A_701 : i32 to vector<16xi32>
      %add3A_703 = arith.addi %broadcast_in_dim3A_685, %add3A_702 : vector<16xi32>
      %add3A_704 = arith.constant 7 : i32
      %add3A_705 = vector.broadcast %add3A_704 : i32 to vector<16xi32>
      %add3A_706 = arith.addi %broadcast_in_dim3A_685, %add3A_705 : vector<16xi32>
      %gather3A_707 = arith.constant 0 : i32
      %gather3A_708 = arith.constant 0 : i32
      %gather3A_709 = tpu.memref_slice %arg6[%scan3A_396, %gather3A_707, %gather3A_708] : memref<2x32x1025xf32, #tpu.memory_space<vmem>> -> memref<1x32x1025xf32, #tpu.memory_space<vmem>>
      %gather3A_710 = tpu.memref_squeeze %gather3A_709 : memref<1x32x1025xf32, #tpu.memory_space<vmem>> -> memref<32x1025xf32, #tpu.memory_space<vmem>>
      %gather3A_711 = tpu.vector_load_idx %gather3A_710[%add3A_395, %broadcast_in_dim3A_685] : memref<32x1025xf32, #tpu.memory_space<vmem>>[vector<16xi32>, vector<16xi32>], vector<16xf32>,
      %gather3A_712 = arith.constant 0 : i32
      %gather3A_713 = arith.constant 0 : i32
      %gather3A_714 = tpu.memref_slice %arg6[%scan3A_396, %gather3A_712, %gather3A_713] : memref<2x32x1025xf32, #tpu.memory_space<vmem>> -> memref<1x32x1025xf32, #tpu.memory_space<vmem>>
      %gather3A_715 = tpu.memref_squeeze %gather3A_714 : memref<1x32x1025xf32, #tpu.memory_space<vmem>> -> memref<32x1025xf32, #tpu.memory_space<vmem>>
      %gather3A_716 = tpu.vector_load_idx %gather3A_715[%add3A_395, %add3A_688] : memref<32x1025xf32, #tpu.memory_space<vmem>>[vector<16xi32>, vector<16xi32>], vector<16xf32>,
      %gather3A_717 = arith.constant 0 : i32
      %gather3A_718 = arith.constant 0 : i32
      %gather3A_719 = tpu.memref_slice %arg6[%scan3A_396, %gather3A_717, %gather3A_718] : memref<2x32x1025xf32, #tpu.memory_space<vmem>> -> memref<1x32x1025xf32, #tpu.memory_space<vmem>>
      %gather3A_720 = tpu.memref_squeeze %gather3A_719 : memref<1x32x1025xf32, #tpu.memory_space<vmem>> -> memref<32x1025xf32, #tpu.memory_space<vmem>>
      %gather3A_721 = tpu.vector_load_idx %gather3A_720[%add3A_395, %add3A_691] : memref<32x1025xf32, #tpu.memory_space<vmem>>[vector<16xi32>, vector<16xi32>], vector<16xf32>,
      %gather3A_722 = arith.constant 0 : i32
      %gather3A_723 = arith.constant 0 : i32
      %gather3A_724 = tpu.memref_slice %arg6[%scan3A_396, %gather3A_722, %gather3A_723] : memref<2x32x1025xf32, #tpu.memory_space<vmem>> -> memref<1x32x1025xf32, #tpu.memory_space<vmem>>
      %gather3A_725 = tpu.memref_squeeze %gather3A_724 : memref<1x32x1025xf32, #tpu.memory_space<vmem>> -> memref<32x1025xf32, #tpu.memory_space<vmem>>
      %gather3A_726 = tpu.vector_load_idx %gather3A_725[%add3A_395, %add3A_694] : memref<32x1025xf32, #tpu.memory_space<vmem>>[vector<16xi32>, vector<16xi32>], vector<16xf32>,
      %gather3A_727 = arith.constant 0 : i32
      %gather3A_728 = arith.constant 0 : i32
      %gather3A_729 = tpu.memref_slice %arg6[%scan3A_396, %gather3A_727, %gather3A_728] : memref<2x32x1025xf32, #tpu.memory_space<vmem>> -> memref<1x32x1025xf32, #tpu.memory_space<vmem>>
      %gather3A_730 = tpu.memref_squeeze %gather3A_729 : memref<1x32x1025xf32, #tpu.memory_space<vmem>> -> memref<32x1025xf32, #tpu.memory_space<vmem>>
      %gather3A_731 = tpu.vector_load_idx %gather3A_730[%add3A_395, %add3A_697] : memref<32x1025xf32, #tpu.memory_space<vmem>>[vector<16xi32>, vector<16xi32>], vector<16xf32>,
      %gather3A_732 = arith.constant 0 : i32
      %gather3A_733 = arith.constant 0 : i32
      %gather3A_734 = tpu.memref_slice %arg6[%scan3A_396, %gather3A_732, %gather3A_733] : memref<2x32x1025xf32, #tpu.memory_space<vmem>> -> memref<1x32x1025xf32, #tpu.memory_space<vmem>>
      %gather3A_735 = tpu.memref_squeeze %gather3A_734 : memref<1x32x1025xf32, #tpu.memory_space<vmem>> -> memref<32x1025xf32, #tpu.memory_space<vmem>>
      %gather3A_736 = tpu.vector_load_idx %gather3A_735[%add3A_395, %add3A_700] : memref<32x1025xf32, #tpu.memory_space<vmem>>[vector<16xi32>, vector<16xi32>], vector<16xf32>,
      %gather3A_737 = arith.constant 0 : i32
      %gather3A_738 = arith.constant 0 : i32
      %gather3A_739 = tpu.memref_slice %arg6[%scan3A_396, %gather3A_737, %gather3A_738] : memref<2x32x1025xf32, #tpu.memory_space<vmem>> -> memref<1x32x1025xf32, #tpu.memory_space<vmem>>
      %gather3A_740 = tpu.memref_squeeze %gather3A_739 : memref<1x32x1025xf32, #tpu.memory_space<vmem>> -> memref<32x1025xf32, #tpu.memory_space<vmem>>
      %gather3A_741 = tpu.vector_load_idx %gather3A_740[%add3A_395, %add3A_703] : memref<32x1025xf32, #tpu.memory_space<vmem>>[vector<16xi32>, vector<16xi32>], vector<16xf32>,
      %gather3A_742 = arith.constant 0 : i32
      %gather3A_743 = arith.constant 0 : i32
      %gather3A_744 = tpu.memref_slice %arg6[%scan3A_396, %gather3A_742, %gather3A_743] : memref<2x32x1025xf32, #tpu.memory_space<vmem>> -> memref<1x32x1025xf32, #tpu.memory_space<vmem>>
      %gather3A_745 = tpu.memref_squeeze %gather3A_744 : memref<1x32x1025xf32, #tpu.memory_space<vmem>> -> memref<32x1025xf32, #tpu.memory_space<vmem>>
      %gather3A_746 = tpu.vector_load_idx %gather3A_745[%add3A_395, %add3A_706] : memref<32x1025xf32, #tpu.memory_space<vmem>>[vector<16xi32>, vector<16xi32>], vector<16xf32>,
      %ge3A = arith.cmpf oge, %gather3A_711, %gather3A_716 : vector<16xf32>
      %max3A_747 = arith.maximumf %gather3A_711, %gather3A_716 : vector<16xf32>
      %select_n3A_748 = arith.select %ge3A, %broadcast_in_dim3A_685, %add3A_688 : vector<16xi1>, vector<16xi32>
      %ge3A_749 = arith.cmpf oge, %gather3A_721, %gather3A_726 : vector<16xf32>
      %max3A_750 = arith.maximumf %gather3A_721, %gather3A_726 : vector<16xf32>
      %select_n3A_751 = arith.select %ge3A_749, %add3A_691, %add3A_694 : vector<16xi1>, vector<16xi32>
      %ge3A_752 = arith.cmpf oge, %gather3A_731, %gather3A_736 : vector<16xf32>
      %max3A_753 = arith.maximumf %gather3A_731, %gather3A_736 : vector<16xf32>
      %select_n3A_754 = arith.select %ge3A_752, %add3A_697, %add3A_700 : vector<16xi1>, vector<16xi32>
      %ge3A_755 = arith.cmpf oge, %gather3A_741, %gather3A_746 : vector<16xf32>
      %max3A_756 = arith.maximumf %gather3A_741, %gather3A_746 : vector<16xf32>
      %select_n3A_757 = arith.select %ge3A_755, %add3A_703, %add3A_706 : vector<16xi1>, vector<16xi32>
      %ge3A_758 = arith.cmpf oge, %max3A_747, %max3A_750 : vector<16xf32>
      %max3A_759 = arith.maximumf %max3A_747, %max3A_750 : vector<16xf32>
      %select_n3A_760 = arith.select %ge3A_758, %select_n3A_748, %select_n3A_751 : vector<16xi1>, vector<16xi32>
      %ge3A_761 = arith.cmpf oge, %max3A_753, %max3A_756 : vector<16xf32>
      %max3A_762 = arith.maximumf %max3A_753, %max3A_756 : vector<16xf32>
      %select_n3A_763 = arith.select %ge3A_761, %select_n3A_754, %select_n3A_757 : vector<16xi1>, vector<16xi32>
      %ge3A_764 = arith.cmpf oge, %max3A_759, %max3A_762 : vector<16xf32>
      %max3A_765 = arith.maximumf %max3A_759, %max3A_762 : vector<16xf32>
      %select_n3A_766 = arith.select %ge3A_764, %select_n3A_760, %select_n3A_763 : vector<16xi1>, vector<16xi32>
      %gt3A_767 = arith.cmpf ogt, %max3A_765, %scan3A_681 : vector<16xf32>
      %select_n3A_768 = arith.select %gt3A_767, %max3A_765, %scan3A_681 : vector<16xi1>, vector<16xf32>
      %select_n3A_769 = arith.select %gt3A_767, %select_n3A_766, %scan3A_682 : vector<16xi1>, vector<16xi32>
      scf.yield %select_n3A_768, %select_n3A_769 : vector<16xf32>, vector<16xi32>
    }
    %scan3A_402 = arith.constant 128 : i32
    %swap3A_403 = arith.constant 112 : index
    %swap3A_404 = tpu.vector_load %arg7[%swap3A_403] {strides = array<i32>} : memref<192xi32, #tpu.memory_space<vmem>>, vector<16xi32>,
    tpu.vector_store %arg7[%swap3A_403], %scan3A_401#1 {strides = array<i32>} : memref<192xi32, #tpu.memory_space<vmem>>, vector<16xi32>,
    %swap3A_405 = arith.constant 112 : index
    %swap3A_406 = tpu.vector_load %arg8[%swap3A_405] {strides = array<i32>} : memref<192xf32, #tpu.memory_space<vmem>>, vector<16xf32>,
    tpu.vector_store %arg8[%swap3A_405], %scan3A_401#0 {strides = array<i32>} : memref<192xf32, #tpu.memory_space<vmem>>, vector<16xf32>,
    %add3A_407 = arith.constant 160 : i32
    %add3A_408 = arith.addi %mul3A_2, %add3A_407 : i32
    %dma_start3A_409 = arith.constant 1 : i32
    %dma_start3A_410 = arith.constant 0 : i32
    %dma_start3A_411 = arith.constant 0 : i32
    %dma_start3A_412 = tpu.memref_slice %arg6[%dma_start3A_409, %dma_start3A_410, %dma_start3A_411] : memref<2x32x1025xf32, #tpu.memory_space<vmem>> -> memref<1x32x1024xf32, #tpu.memory_space<vmem>>
    %dma_start3A_413 = tpu.memref_squeeze %dma_start3A_412 : memref<1x32x1024xf32, #tpu.memory_space<vmem>> -> memref<32x1024xf32, #tpu.memory_space<vmem>>
    %dma_start3A_414 = arith.constant 0 : i32
    %dma_start3A_415 = tpu.memref_slice %arg2[%add3A_408, %dma_start3A_414] : memref<6144x1024xf32, #tpu.memory_space<hbm>> -> memref<32x1024xf32, #tpu.memory_space<hbm>>
    %dma_start3A_416 = arith.constant 0 : i32
    %dma_start3A_417 = arith.constant 0 : i32
    %dma_start3A_418 = tpu.memref_slice %arg6[%dma_start3A_409, %dma_start3A_416, %dma_start3A_417] : memref<2x32x1025xf32, #tpu.memory_space<vmem>> -> memref<1x32x1024xf32, #tpu.memory_space<vmem>>
    %dma_start3A_419 = tpu.memref_squeeze %dma_start3A_418 : memref<1x32x1024xf32, #tpu.memory_space<vmem>> -> memref<32x1024xf32, #tpu.memory_space<vmem>>
    %dma_start3A_420 = arith.constant 0 : i32
    %dma_start3A_421 = tpu.memref_slice %arg2[%add3A_408, %dma_start3A_420] : memref<6144x1024xf32, #tpu.memory_space<hbm>> -> memref<32x1024xf32, #tpu.memory_space<hbm>>
    tpu.enqueue_dma source(%dma_start3A_421 : memref<32x1024xf32, #tpu.memory_space<hbm>>) target(%dma_start3A_419 : memref<32x1024xf32, #tpu.memory_space<vmem>>) target_semaphore(%arg14 : memref<!tpu.dma_semaphore, #tpu.memory_space<semaphore_mem>>)
    %add3A_422 = arith.constant 128 : i32
    %add3A_423 = arith.addi %mul3A_2, %add3A_422 : i32
    %dma_wait3A_424 = arith.constant 0 : i32
    %dma_wait3A_425 = arith.constant 0 : i32
    %dma_wait3A_426 = arith.constant 0 : i32
    %dma_wait3A_427 = tpu.memref_slice %arg6[%dma_wait3A_424, %dma_wait3A_425, %dma_wait3A_426] : memref<2x32x1025xf32, #tpu.memory_space<vmem>> -> memref<1x32x1024xf32, #tpu.memory_space<vmem>>
    %dma_wait3A_428 = tpu.memref_squeeze %dma_wait3A_427 : memref<1x32x1024xf32, #tpu.memory_space<vmem>> -> memref<32x1024xf32, #tpu.memory_space<vmem>>
    %dma_wait3A_429 = arith.constant 0 : i32
    %dma_wait3A_430 = tpu.memref_slice %arg2[%add3A_423, %dma_wait3A_429] : memref<6144x1024xf32, #tpu.memory_space<hbm>> -> memref<32x1024xf32, #tpu.memory_space<hbm>>
    %dma_wait3A_431 = arith.constant 0 : i32
    %dma_wait3A_432 = arith.constant 0 : i32
    %dma_wait3A_433 = tpu.memref_slice %arg6[%dma_wait3A_424, %dma_wait3A_431, %dma_wait3A_432] : memref<2x32x1025xf32, #tpu.memory_space<vmem>> -> memref<1x32x1024xf32, #tpu.memory_space<vmem>>
    %dma_wait3A_434 = tpu.memref_squeeze %dma_wait3A_433 : memref<1x32x1024xf32, #tpu.memory_space<vmem>> -> memref<32x1024xf32, #tpu.memory_space<vmem>>
    %dma_wait3A_435 = arith.constant 0 : i32
    %dma_wait3A_436 = tpu.memref_slice %arg2[%add3A_423, %dma_wait3A_435] : memref<6144x1024xf32, #tpu.memory_space<hbm>> -> memref<32x1024xf32, #tpu.memory_space<hbm>>
    tpu.wait_dma2 semaphore(%arg13 : memref<!tpu.dma_semaphore, #tpu.memory_space<semaphore_mem>>) src(%dma_wait3A_436 : memref<32x1024xf32, #tpu.memory_space<hbm>>) dst(%dma_wait3A_434 : memref<32x1024xf32, #tpu.memory_space<vmem>>)
    %add3A_437 = arith.constant 0 : i32
    %add3A_438 = vector.broadcast %add3A_437 : i32 to vector<16xi32>
    %add3A_439 = arith.addi %iota3A, %add3A_438 : vector<16xi32>
    %scan3A_440 = arith.constant 0 : i32
    %scan3A_441 = arith.constant 0 : i32
    %scan3A_442 = arith.constant 128 : i32
    %scan3A_443 = arith.addi %scan3A_441, %scan3A_442 : i32
    %scan3A_444 = arith.constant 1 : i32
    %scan3A_445:2 = scf.for %scan3A_680 = %scan3A_441 to %scan3A_443 step %scan3A_444 iter_args(%scan3A_681 = %broadcast_in_dim3A_174, %scan3A_682 = %broadcast_in_dim3A_176) -> (vector<16xf32>, vector<16xi32>)  : i32 {
      %mul3A_683 = arith.constant 8 : i32
      %mul3A_684 = arith.muli %mul3A_683, %scan3A_680 : i32
      %broadcast_in_dim3A_685 = vector.broadcast %mul3A_684 : i32 to vector<16xi32>
      %add3A_686 = arith.constant 1 : i32
      %add3A_687 = vector.broadcast %add3A_686 : i32 to vector<16xi32>
      %add3A_688 = arith.addi %broadcast_in_dim3A_685, %add3A_687 : vector<16xi32>
      %add3A_689 = arith.constant 2 : i32
      %add3A_690 = vector.broadcast %add3A_689 : i32 to vector<16xi32>
      %add3A_691 = arith.addi %broadcast_in_dim3A_685, %add3A_690 : vector<16xi32>
      %add3A_692 = arith.constant 3 : i32
      %add3A_693 = vector.broadcast %add3A_692 : i32 to vector<16xi32>
      %add3A_694 = arith.addi %broadcast_in_dim3A_685, %add3A_693 : vector<16xi32>
      %add3A_695 = arith.constant 4 : i32
      %add3A_696 = vector.broadcast %add3A_695 : i32 to vector<16xi32>
      %add3A_697 = arith.addi %broadcast_in_dim3A_685, %add3A_696 : vector<16xi32>
      %add3A_698 = arith.constant 5 : i32
      %add3A_699 = vector.broadcast %add3A_698 : i32 to vector<16xi32>
      %add3A_700 = arith.addi %broadcast_in_dim3A_685, %add3A_699 : vector<16xi32>
      %add3A_701 = arith.constant 6 : i32
      %add3A_702 = vector.broadcast %add3A_701 : i32 to vector<16xi32>
      %add3A_703 = arith.addi %broadcast_in_dim3A_685, %add3A_702 : vector<16xi32>
      %add3A_704 = arith.constant 7 : i32
      %add3A_705 = vector.broadcast %add3A_704 : i32 to vector<16xi32>
      %add3A_706 = arith.addi %broadcast_in_dim3A_685, %add3A_705 : vector<16xi32>
      %gather3A_707 = arith.constant 0 : i32
      %gather3A_708 = arith.constant 0 : i32
      %gather3A_709 = tpu.memref_slice %arg6[%scan3A_440, %gather3A_707, %gather3A_708] : memref<2x32x1025xf32, #tpu.memory_space<vmem>> -> memref<1x32x1025xf32, #tpu.memory_space<vmem>>
      %gather3A_710 = tpu.memref_squeeze %gather3A_709 : memref<1x32x1025xf32, #tpu.memory_space<vmem>> -> memref<32x1025xf32, #tpu.memory_space<vmem>>
      %gather3A_711 = tpu.vector_load_idx %gather3A_710[%add3A_439, %broadcast_in_dim3A_685] : memref<32x1025xf32, #tpu.memory_space<vmem>>[vector<16xi32>, vector<16xi32>], vector<16xf32>,
      %gather3A_712 = arith.constant 0 : i32
      %gather3A_713 = arith.constant 0 : i32
      %gather3A_714 = tpu.memref_slice %arg6[%scan3A_440, %gather3A_712, %gather3A_713] : memref<2x32x1025xf32, #tpu.memory_space<vmem>> -> memref<1x32x1025xf32, #tpu.memory_space<vmem>>
      %gather3A_715 = tpu.memref_squeeze %gather3A_714 : memref<1x32x1025xf32, #tpu.memory_space<vmem>> -> memref<32x1025xf32, #tpu.memory_space<vmem>>
      %gather3A_716 = tpu.vector_load_idx %gather3A_715[%add3A_439, %add3A_688] : memref<32x1025xf32, #tpu.memory_space<vmem>>[vector<16xi32>, vector<16xi32>], vector<16xf32>,
      %gather3A_717 = arith.constant 0 : i32
      %gather3A_718 = arith.constant 0 : i32
      %gather3A_719 = tpu.memref_slice %arg6[%scan3A_440, %gather3A_717, %gather3A_718] : memref<2x32x1025xf32, #tpu.memory_space<vmem>> -> memref<1x32x1025xf32, #tpu.memory_space<vmem>>
      %gather3A_720 = tpu.memref_squeeze %gather3A_719 : memref<1x32x1025xf32, #tpu.memory_space<vmem>> -> memref<32x1025xf32, #tpu.memory_space<vmem>>
      %gather3A_721 = tpu.vector_load_idx %gather3A_720[%add3A_439, %add3A_691] : memref<32x1025xf32, #tpu.memory_space<vmem>>[vector<16xi32>, vector<16xi32>], vector<16xf32>,
      %gather3A_722 = arith.constant 0 : i32
      %gather3A_723 = arith.constant 0 : i32
      %gather3A_724 = tpu.memref_slice %arg6[%scan3A_440, %gather3A_722, %gather3A_723] : memref<2x32x1025xf32, #tpu.memory_space<vmem>> -> memref<1x32x1025xf32, #tpu.memory_space<vmem>>
      %gather3A_725 = tpu.memref_squeeze %gather3A_724 : memref<1x32x1025xf32, #tpu.memory_space<vmem>> -> memref<32x1025xf32, #tpu.memory_space<vmem>>
      %gather3A_726 = tpu.vector_load_idx %gather3A_725[%add3A_439, %add3A_694] : memref<32x1025xf32, #tpu.memory_space<vmem>>[vector<16xi32>, vector<16xi32>], vector<16xf32>,
      %gather3A_727 = arith.constant 0 : i32
      %gather3A_728 = arith.constant 0 : i32
      %gather3A_729 = tpu.memref_slice %arg6[%scan3A_440, %gather3A_727, %gather3A_728] : memref<2x32x1025xf32, #tpu.memory_space<vmem>> -> memref<1x32x1025xf32, #tpu.memory_space<vmem>>
      %gather3A_730 = tpu.memref_squeeze %gather3A_729 : memref<1x32x1025xf32, #tpu.memory_space<vmem>> -> memref<32x1025xf32, #tpu.memory_space<vmem>>
      %gather3A_731 = tpu.vector_load_idx %gather3A_730[%add3A_439, %add3A_697] : memref<32x1025xf32, #tpu.memory_space<vmem>>[vector<16xi32>, vector<16xi32>], vector<16xf32>,
      %gather3A_732 = arith.constant 0 : i32
      %gather3A_733 = arith.constant 0 : i32
      %gather3A_734 = tpu.memref_slice %arg6[%scan3A_440, %gather3A_732, %gather3A_733] : memref<2x32x1025xf32, #tpu.memory_space<vmem>> -> memref<1x32x1025xf32, #tpu.memory_space<vmem>>
      %gather3A_735 = tpu.memref_squeeze %gather3A_734 : memref<1x32x1025xf32, #tpu.memory_space<vmem>> -> memref<32x1025xf32, #tpu.memory_space<vmem>>
      %gather3A_736 = tpu.vector_load_idx %gather3A_735[%add3A_439, %add3A_700] : memref<32x1025xf32, #tpu.memory_space<vmem>>[vector<16xi32>, vector<16xi32>], vector<16xf32>,
      %gather3A_737 = arith.constant 0 : i32
      %gather3A_738 = arith.constant 0 : i32
      %gather3A_739 = tpu.memref_slice %arg6[%scan3A_440, %gather3A_737, %gather3A_738] : memref<2x32x1025xf32, #tpu.memory_space<vmem>> -> memref<1x32x1025xf32, #tpu.memory_space<vmem>>
      %gather3A_740 = tpu.memref_squeeze %gather3A_739 : memref<1x32x1025xf32, #tpu.memory_space<vmem>> -> memref<32x1025xf32, #tpu.memory_space<vmem>>
      %gather3A_741 = tpu.vector_load_idx %gather3A_740[%add3A_439, %add3A_703] : memref<32x1025xf32, #tpu.memory_space<vmem>>[vector<16xi32>, vector<16xi32>], vector<16xf32>,
      %gather3A_742 = arith.constant 0 : i32
      %gather3A_743 = arith.constant 0 : i32
      %gather3A_744 = tpu.memref_slice %arg6[%scan3A_440, %gather3A_742, %gather3A_743] : memref<2x32x1025xf32, #tpu.memory_space<vmem>> -> memref<1x32x1025xf32, #tpu.memory_space<vmem>>
      %gather3A_745 = tpu.memref_squeeze %gather3A_744 : memref<1x32x1025xf32, #tpu.memory_space<vmem>> -> memref<32x1025xf32, #tpu.memory_space<vmem>>
      %gather3A_746 = tpu.vector_load_idx %gather3A_745[%add3A_439, %add3A_706] : memref<32x1025xf32, #tpu.memory_space<vmem>>[vector<16xi32>, vector<16xi32>], vector<16xf32>,
      %ge3A = arith.cmpf oge, %gather3A_711, %gather3A_716 : vector<16xf32>
      %max3A_747 = arith.maximumf %gather3A_711, %gather3A_716 : vector<16xf32>
      %select_n3A_748 = arith.select %ge3A, %broadcast_in_dim3A_685, %add3A_688 : vector<16xi1>, vector<16xi32>
      %ge3A_749 = arith.cmpf oge, %gather3A_721, %gather3A_726 : vector<16xf32>
      %max3A_750 = arith.maximumf %gather3A_721, %gather3A_726 : vector<16xf32>
      %select_n3A_751 = arith.select %ge3A_749, %add3A_691, %add3A_694 : vector<16xi1>, vector<16xi32>
      %ge3A_752 = arith.cmpf oge, %gather3A_731, %gather3A_736 : vector<16xf32>
      %max3A_753 = arith.maximumf %gather3A_731, %gather3A_736 : vector<16xf32>
      %select_n3A_754 = arith.select %ge3A_752, %add3A_697, %add3A_700 : vector<16xi1>, vector<16xi32>
      %ge3A_755 = arith.cmpf oge, %gather3A_741, %gather3A_746 : vector<16xf32>
      %max3A_756 = arith.maximumf %gather3A_741, %gather3A_746 : vector<16xf32>
      %select_n3A_757 = arith.select %ge3A_755, %add3A_703, %add3A_706 : vector<16xi1>, vector<16xi32>
      %ge3A_758 = arith.cmpf oge, %max3A_747, %max3A_750 : vector<16xf32>
      %max3A_759 = arith.maximumf %max3A_747, %max3A_750 : vector<16xf32>
      %select_n3A_760 = arith.select %ge3A_758, %select_n3A_748, %select_n3A_751 : vector<16xi1>, vector<16xi32>
      %ge3A_761 = arith.cmpf oge, %max3A_753, %max3A_756 : vector<16xf32>
      %max3A_762 = arith.maximumf %max3A_753, %max3A_756 : vector<16xf32>
      %select_n3A_763 = arith.select %ge3A_761, %select_n3A_754, %select_n3A_757 : vector<16xi1>, vector<16xi32>
      %ge3A_764 = arith.cmpf oge, %max3A_759, %max3A_762 : vector<16xf32>
      %max3A_765 = arith.maximumf %max3A_759, %max3A_762 : vector<16xf32>
      %select_n3A_766 = arith.select %ge3A_764, %select_n3A_760, %select_n3A_763 : vector<16xi1>, vector<16xi32>
      %gt3A_767 = arith.cmpf ogt, %max3A_765, %scan3A_681 : vector<16xf32>
      %select_n3A_768 = arith.select %gt3A_767, %max3A_765, %scan3A_681 : vector<16xi1>, vector<16xf32>
      %select_n3A_769 = arith.select %gt3A_767, %select_n3A_766, %scan3A_682 : vector<16xi1>, vector<16xi32>
      scf.yield %select_n3A_768, %select_n3A_769 : vector<16xf32>, vector<16xi32>
    }
    %scan3A_446 = arith.constant 128 : i32
    %swap3A_447 = arith.constant 128 : index
    %swap3A_448 = tpu.vector_load %arg7[%swap3A_447] {strides = array<i32>} : memref<192xi32, #tpu.memory_space<vmem>>, vector<16xi32>,
    tpu.vector_store %arg7[%swap3A_447], %scan3A_445#1 {strides = array<i32>} : memref<192xi32, #tpu.memory_space<vmem>>, vector<16xi32>,
    %swap3A_449 = arith.constant 128 : index
    %swap3A_450 = tpu.vector_load %arg8[%swap3A_449] {strides = array<i32>} : memref<192xf32, #tpu.memory_space<vmem>>, vector<16xf32>,
    tpu.vector_store %arg8[%swap3A_449], %scan3A_445#0 {strides = array<i32>} : memref<192xf32, #tpu.memory_space<vmem>>, vector<16xf32>,
    %add3A_451 = arith.constant 16 : i32
    %add3A_452 = vector.broadcast %add3A_451 : i32 to vector<16xi32>
    %add3A_453 = arith.addi %iota3A, %add3A_452 : vector<16xi32>
    %scan3A_454 = arith.constant 0 : i32
    %scan3A_455 = arith.constant 0 : i32
    %scan3A_456 = arith.constant 128 : i32
    %scan3A_457 = arith.addi %scan3A_455, %scan3A_456 : i32
    %scan3A_458 = arith.constant 1 : i32
    %scan3A_459:2 = scf.for %scan3A_680 = %scan3A_455 to %scan3A_457 step %scan3A_458 iter_args(%scan3A_681 = %broadcast_in_dim3A_174, %scan3A_682 = %broadcast_in_dim3A_176) -> (vector<16xf32>, vector<16xi32>)  : i32 {
      %mul3A_683 = arith.constant 8 : i32
      %mul3A_684 = arith.muli %mul3A_683, %scan3A_680 : i32
      %broadcast_in_dim3A_685 = vector.broadcast %mul3A_684 : i32 to vector<16xi32>
      %add3A_686 = arith.constant 1 : i32
      %add3A_687 = vector.broadcast %add3A_686 : i32 to vector<16xi32>
      %add3A_688 = arith.addi %broadcast_in_dim3A_685, %add3A_687 : vector<16xi32>
      %add3A_689 = arith.constant 2 : i32
      %add3A_690 = vector.broadcast %add3A_689 : i32 to vector<16xi32>
      %add3A_691 = arith.addi %broadcast_in_dim3A_685, %add3A_690 : vector<16xi32>
      %add3A_692 = arith.constant 3 : i32
      %add3A_693 = vector.broadcast %add3A_692 : i32 to vector<16xi32>
      %add3A_694 = arith.addi %broadcast_in_dim3A_685, %add3A_693 : vector<16xi32>
      %add3A_695 = arith.constant 4 : i32
      %add3A_696 = vector.broadcast %add3A_695 : i32 to vector<16xi32>
      %add3A_697 = arith.addi %broadcast_in_dim3A_685, %add3A_696 : vector<16xi32>
      %add3A_698 = arith.constant 5 : i32
      %add3A_699 = vector.broadcast %add3A_698 : i32 to vector<16xi32>
      %add3A_700 = arith.addi %broadcast_in_dim3A_685, %add3A_699 : vector<16xi32>
      %add3A_701 = arith.constant 6 : i32
      %add3A_702 = vector.broadcast %add3A_701 : i32 to vector<16xi32>
      %add3A_703 = arith.addi %broadcast_in_dim3A_685, %add3A_702 : vector<16xi32>
      %add3A_704 = arith.constant 7 : i32
      %add3A_705 = vector.broadcast %add3A_704 : i32 to vector<16xi32>
      %add3A_706 = arith.addi %broadcast_in_dim3A_685, %add3A_705 : vector<16xi32>
      %gather3A_707 = arith.constant 0 : i32
      %gather3A_708 = arith.constant 0 : i32
      %gather3A_709 = tpu.memref_slice %arg6[%scan3A_454, %gather3A_707, %gather3A_708] : memref<2x32x1025xf32, #tpu.memory_space<vmem>> -> memref<1x32x1025xf32, #tpu.memory_space<vmem>>
      %gather3A_710 = tpu.memref_squeeze %gather3A_709 : memref<1x32x1025xf32, #tpu.memory_space<vmem>> -> memref<32x1025xf32, #tpu.memory_space<vmem>>
      %gather3A_711 = tpu.vector_load_idx %gather3A_710[%add3A_453, %broadcast_in_dim3A_685] : memref<32x1025xf32, #tpu.memory_space<vmem>>[vector<16xi32>, vector<16xi32>], vector<16xf32>,
      %gather3A_712 = arith.constant 0 : i32
      %gather3A_713 = arith.constant 0 : i32
      %gather3A_714 = tpu.memref_slice %arg6[%scan3A_454, %gather3A_712, %gather3A_713] : memref<2x32x1025xf32, #tpu.memory_space<vmem>> -> memref<1x32x1025xf32, #tpu.memory_space<vmem>>
      %gather3A_715 = tpu.memref_squeeze %gather3A_714 : memref<1x32x1025xf32, #tpu.memory_space<vmem>> -> memref<32x1025xf32, #tpu.memory_space<vmem>>
      %gather3A_716 = tpu.vector_load_idx %gather3A_715[%add3A_453, %add3A_688] : memref<32x1025xf32, #tpu.memory_space<vmem>>[vector<16xi32>, vector<16xi32>], vector<16xf32>,
      %gather3A_717 = arith.constant 0 : i32
      %gather3A_718 = arith.constant 0 : i32
      %gather3A_719 = tpu.memref_slice %arg6[%scan3A_454, %gather3A_717, %gather3A_718] : memref<2x32x1025xf32, #tpu.memory_space<vmem>> -> memref<1x32x1025xf32, #tpu.memory_space<vmem>>
      %gather3A_720 = tpu.memref_squeeze %gather3A_719 : memref<1x32x1025xf32, #tpu.memory_space<vmem>> -> memref<32x1025xf32, #tpu.memory_space<vmem>>
      %gather3A_721 = tpu.vector_load_idx %gather3A_720[%add3A_453, %add3A_691] : memref<32x1025xf32, #tpu.memory_space<vmem>>[vector<16xi32>, vector<16xi32>], vector<16xf32>,
      %gather3A_722 = arith.constant 0 : i32
      %gather3A_723 = arith.constant 0 : i32
      %gather3A_724 = tpu.memref_slice %arg6[%scan3A_454, %gather3A_722, %gather3A_723] : memref<2x32x1025xf32, #tpu.memory_space<vmem>> -> memref<1x32x1025xf32, #tpu.memory_space<vmem>>
      %gather3A_725 = tpu.memref_squeeze %gather3A_724 : memref<1x32x1025xf32, #tpu.memory_space<vmem>> -> memref<32x1025xf32, #tpu.memory_space<vmem>>
      %gather3A_726 = tpu.vector_load_idx %gather3A_725[%add3A_453, %add3A_694] : memref<32x1025xf32, #tpu.memory_space<vmem>>[vector<16xi32>, vector<16xi32>], vector<16xf32>,
      %gather3A_727 = arith.constant 0 : i32
      %gather3A_728 = arith.constant 0 : i32
      %gather3A_729 = tpu.memref_slice %arg6[%scan3A_454, %gather3A_727, %gather3A_728] : memref<2x32x1025xf32, #tpu.memory_space<vmem>> -> memref<1x32x1025xf32, #tpu.memory_space<vmem>>
      %gather3A_730 = tpu.memref_squeeze %gather3A_729 : memref<1x32x1025xf32, #tpu.memory_space<vmem>> -> memref<32x1025xf32, #tpu.memory_space<vmem>>
      %gather3A_731 = tpu.vector_load_idx %gather3A_730[%add3A_453, %add3A_697] : memref<32x1025xf32, #tpu.memory_space<vmem>>[vector<16xi32>, vector<16xi32>], vector<16xf32>,
      %gather3A_732 = arith.constant 0 : i32
      %gather3A_733 = arith.constant 0 : i32
      %gather3A_734 = tpu.memref_slice %arg6[%scan3A_454, %gather3A_732, %gather3A_733] : memref<2x32x1025xf32, #tpu.memory_space<vmem>> -> memref<1x32x1025xf32, #tpu.memory_space<vmem>>
      %gather3A_735 = tpu.memref_squeeze %gather3A_734 : memref<1x32x1025xf32, #tpu.memory_space<vmem>> -> memref<32x1025xf32, #tpu.memory_space<vmem>>
      %gather3A_736 = tpu.vector_load_idx %gather3A_735[%add3A_453, %add3A_700] : memref<32x1025xf32, #tpu.memory_space<vmem>>[vector<16xi32>, vector<16xi32>], vector<16xf32>,
      %gather3A_737 = arith.constant 0 : i32
      %gather3A_738 = arith.constant 0 : i32
      %gather3A_739 = tpu.memref_slice %arg6[%scan3A_454, %gather3A_737, %gather3A_738] : memref<2x32x1025xf32, #tpu.memory_space<vmem>> -> memref<1x32x1025xf32, #tpu.memory_space<vmem>>
      %gather3A_740 = tpu.memref_squeeze %gather3A_739 : memref<1x32x1025xf32, #tpu.memory_space<vmem>> -> memref<32x1025xf32, #tpu.memory_space<vmem>>
      %gather3A_741 = tpu.vector_load_idx %gather3A_740[%add3A_453, %add3A_703] : memref<32x1025xf32, #tpu.memory_space<vmem>>[vector<16xi32>, vector<16xi32>], vector<16xf32>,
      %gather3A_742 = arith.constant 0 : i32
      %gather3A_743 = arith.constant 0 : i32
      %gather3A_744 = tpu.memref_slice %arg6[%scan3A_454, %gather3A_742, %gather3A_743] : memref<2x32x1025xf32, #tpu.memory_space<vmem>> -> memref<1x32x1025xf32, #tpu.memory_space<vmem>>
      %gather3A_745 = tpu.memref_squeeze %gather3A_744 : memref<1x32x1025xf32, #tpu.memory_space<vmem>> -> memref<32x1025xf32, #tpu.memory_space<vmem>>
      %gather3A_746 = tpu.vector_load_idx %gather3A_745[%add3A_453, %add3A_706] : memref<32x1025xf32, #tpu.memory_space<vmem>>[vector<16xi32>, vector<16xi32>], vector<16xf32>,
      %ge3A = arith.cmpf oge, %gather3A_711, %gather3A_716 : vector<16xf32>
      %max3A_747 = arith.maximumf %gather3A_711, %gather3A_716 : vector<16xf32>
      %select_n3A_748 = arith.select %ge3A, %broadcast_in_dim3A_685, %add3A_688 : vector<16xi1>, vector<16xi32>
      %ge3A_749 = arith.cmpf oge, %gather3A_721, %gather3A_726 : vector<16xf32>
      %max3A_750 = arith.maximumf %gather3A_721, %gather3A_726 : vector<16xf32>
      %select_n3A_751 = arith.select %ge3A_749, %add3A_691, %add3A_694 : vector<16xi1>, vector<16xi32>
      %ge3A_752 = arith.cmpf oge, %gather3A_731, %gather3A_736 : vector<16xf32>
      %max3A_753 = arith.maximumf %gather3A_731, %gather3A_736 : vector<16xf32>
      %select_n3A_754 = arith.select %ge3A_752, %add3A_697, %add3A_700 : vector<16xi1>, vector<16xi32>
      %ge3A_755 = arith.cmpf oge, %gather3A_741, %gather3A_746 : vector<16xf32>
      %max3A_756 = arith.maximumf %gather3A_741, %gather3A_746 : vector<16xf32>
      %select_n3A_757 = arith.select %ge3A_755, %add3A_703, %add3A_706 : vector<16xi1>, vector<16xi32>
      %ge3A_758 = arith.cmpf oge, %max3A_747, %max3A_750 : vector<16xf32>
      %max3A_759 = arith.maximumf %max3A_747, %max3A_750 : vector<16xf32>
      %select_n3A_760 = arith.select %ge3A_758, %select_n3A_748, %select_n3A_751 : vector<16xi1>, vector<16xi32>
      %ge3A_761 = arith.cmpf oge, %max3A_753, %max3A_756 : vector<16xf32>
      %max3A_762 = arith.maximumf %max3A_753, %max3A_756 : vector<16xf32>
      %select_n3A_763 = arith.select %ge3A_761, %select_n3A_754, %select_n3A_757 : vector<16xi1>, vector<16xi32>
      %ge3A_764 = arith.cmpf oge, %max3A_759, %max3A_762 : vector<16xf32>
      %max3A_765 = arith.maximumf %max3A_759, %max3A_762 : vector<16xf32>
      %select_n3A_766 = arith.select %ge3A_764, %select_n3A_760, %select_n3A_763 : vector<16xi1>, vector<16xi32>
      %gt3A_767 = arith.cmpf ogt, %max3A_765, %scan3A_681 : vector<16xf32>
      %select_n3A_768 = arith.select %gt3A_767, %max3A_765, %scan3A_681 : vector<16xi1>, vector<16xf32>
      %select_n3A_769 = arith.select %gt3A_767, %select_n3A_766, %scan3A_682 : vector<16xi1>, vector<16xi32>
      scf.yield %select_n3A_768, %select_n3A_769 : vector<16xf32>, vector<16xi32>
    }
    %scan3A_460 = arith.constant 128 : i32
    %swap3A_461 = arith.constant 144 : index
    %swap3A_462 = tpu.vector_load %arg7[%swap3A_461] {strides = array<i32>} : memref<192xi32, #tpu.memory_space<vmem>>, vector<16xi32>,
    tpu.vector_store %arg7[%swap3A_461], %scan3A_459#1 {strides = array<i32>} : memref<192xi32, #tpu.memory_space<vmem>>, vector<16xi32>,
    %swap3A_463 = arith.constant 144 : index
    %swap3A_464 = tpu.vector_load %arg8[%swap3A_463] {strides = array<i32>} : memref<192xf32, #tpu.memory_space<vmem>>, vector<16xf32>,
    tpu.vector_store %arg8[%swap3A_463], %scan3A_459#0 {strides = array<i32>} : memref<192xf32, #tpu.memory_space<vmem>>, vector<16xf32>,
    %add3A_465 = arith.constant 160 : i32
    %add3A_466 = arith.addi %mul3A_2, %add3A_465 : i32
    %dma_wait3A_467 = arith.constant 1 : i32
    %dma_wait3A_468 = arith.constant 0 : i32
    %dma_wait3A_469 = arith.constant 0 : i32
    %dma_wait3A_470 = tpu.memref_slice %arg6[%dma_wait3A_467, %dma_wait3A_468, %dma_wait3A_469] : memref<2x32x1025xf32, #tpu.memory_space<vmem>> -> memref<1x32x1024xf32, #tpu.memory_space<vmem>>
    %dma_wait3A_471 = tpu.memref_squeeze %dma_wait3A_470 : memref<1x32x1024xf32, #tpu.memory_space<vmem>> -> memref<32x1024xf32, #tpu.memory_space<vmem>>
    %dma_wait3A_472 = arith.constant 0 : i32
    %dma_wait3A_473 = tpu.memref_slice %arg2[%add3A_466, %dma_wait3A_472] : memref<6144x1024xf32, #tpu.memory_space<hbm>> -> memref<32x1024xf32, #tpu.memory_space<hbm>>
    %dma_wait3A_474 = arith.constant 0 : i32
    %dma_wait3A_475 = arith.constant 0 : i32
    %dma_wait3A_476 = tpu.memref_slice %arg6[%dma_wait3A_467, %dma_wait3A_474, %dma_wait3A_475] : memref<2x32x1025xf32, #tpu.memory_space<vmem>> -> memref<1x32x1024xf32, #tpu.memory_space<vmem>>
    %dma_wait3A_477 = tpu.memref_squeeze %dma_wait3A_476 : memref<1x32x1024xf32, #tpu.memory_space<vmem>> -> memref<32x1024xf32, #tpu.memory_space<vmem>>
    %dma_wait3A_478 = arith.constant 0 : i32
    %dma_wait3A_479 = tpu.memref_slice %arg2[%add3A_466, %dma_wait3A_478] : memref<6144x1024xf32, #tpu.memory_space<hbm>> -> memref<32x1024xf32, #tpu.memory_space<hbm>>
    tpu.wait_dma2 semaphore(%arg14 : memref<!tpu.dma_semaphore, #tpu.memory_space<semaphore_mem>>) src(%dma_wait3A_479 : memref<32x1024xf32, #tpu.memory_space<hbm>>) dst(%dma_wait3A_477 : memref<32x1024xf32, #tpu.memory_space<vmem>>)
    %add3A_480 = arith.constant 0 : i32
    %add3A_481 = vector.broadcast %add3A_480 : i32 to vector<16xi32>
    %add3A_482 = arith.addi %iota3A, %add3A_481 : vector<16xi32>
    %scan3A_483 = arith.constant 1 : i32
    %scan3A_484 = arith.constant 0 : i32
    %scan3A_485 = arith.constant 128 : i32
    %scan3A_486 = arith.addi %scan3A_484, %scan3A_485 : i32
    %scan3A_487 = arith.constant 1 : i32
    %scan3A_488:2 = scf.for %scan3A_680 = %scan3A_484 to %scan3A_486 step %scan3A_487 iter_args(%scan3A_681 = %broadcast_in_dim3A_174, %scan3A_682 = %broadcast_in_dim3A_176) -> (vector<16xf32>, vector<16xi32>)  : i32 {
      %mul3A_683 = arith.constant 8 : i32
      %mul3A_684 = arith.muli %mul3A_683, %scan3A_680 : i32
      %broadcast_in_dim3A_685 = vector.broadcast %mul3A_684 : i32 to vector<16xi32>
      %add3A_686 = arith.constant 1 : i32
      %add3A_687 = vector.broadcast %add3A_686 : i32 to vector<16xi32>
      %add3A_688 = arith.addi %broadcast_in_dim3A_685, %add3A_687 : vector<16xi32>
      %add3A_689 = arith.constant 2 : i32
      %add3A_690 = vector.broadcast %add3A_689 : i32 to vector<16xi32>
      %add3A_691 = arith.addi %broadcast_in_dim3A_685, %add3A_690 : vector<16xi32>
      %add3A_692 = arith.constant 3 : i32
      %add3A_693 = vector.broadcast %add3A_692 : i32 to vector<16xi32>
      %add3A_694 = arith.addi %broadcast_in_dim3A_685, %add3A_693 : vector<16xi32>
      %add3A_695 = arith.constant 4 : i32
      %add3A_696 = vector.broadcast %add3A_695 : i32 to vector<16xi32>
      %add3A_697 = arith.addi %broadcast_in_dim3A_685, %add3A_696 : vector<16xi32>
      %add3A_698 = arith.constant 5 : i32
      %add3A_699 = vector.broadcast %add3A_698 : i32 to vector<16xi32>
      %add3A_700 = arith.addi %broadcast_in_dim3A_685, %add3A_699 : vector<16xi32>
      %add3A_701 = arith.constant 6 : i32
      %add3A_702 = vector.broadcast %add3A_701 : i32 to vector<16xi32>
      %add3A_703 = arith.addi %broadcast_in_dim3A_685, %add3A_702 : vector<16xi32>
      %add3A_704 = arith.constant 7 : i32
      %add3A_705 = vector.broadcast %add3A_704 : i32 to vector<16xi32>
      %add3A_706 = arith.addi %broadcast_in_dim3A_685, %add3A_705 : vector<16xi32>
      %gather3A_707 = arith.constant 0 : i32
      %gather3A_708 = arith.constant 0 : i32
      %gather3A_709 = tpu.memref_slice %arg6[%scan3A_483, %gather3A_707, %gather3A_708] : memref<2x32x1025xf32, #tpu.memory_space<vmem>> -> memref<1x32x1025xf32, #tpu.memory_space<vmem>>
      %gather3A_710 = tpu.memref_squeeze %gather3A_709 : memref<1x32x1025xf32, #tpu.memory_space<vmem>> -> memref<32x1025xf32, #tpu.memory_space<vmem>>
      %gather3A_711 = tpu.vector_load_idx %gather3A_710[%add3A_482, %broadcast_in_dim3A_685] : memref<32x1025xf32, #tpu.memory_space<vmem>>[vector<16xi32>, vector<16xi32>], vector<16xf32>,
      %gather3A_712 = arith.constant 0 : i32
      %gather3A_713 = arith.constant 0 : i32
      %gather3A_714 = tpu.memref_slice %arg6[%scan3A_483, %gather3A_712, %gather3A_713] : memref<2x32x1025xf32, #tpu.memory_space<vmem>> -> memref<1x32x1025xf32, #tpu.memory_space<vmem>>
      %gather3A_715 = tpu.memref_squeeze %gather3A_714 : memref<1x32x1025xf32, #tpu.memory_space<vmem>> -> memref<32x1025xf32, #tpu.memory_space<vmem>>
      %gather3A_716 = tpu.vector_load_idx %gather3A_715[%add3A_482, %add3A_688] : memref<32x1025xf32, #tpu.memory_space<vmem>>[vector<16xi32>, vector<16xi32>], vector<16xf32>,
      %gather3A_717 = arith.constant 0 : i32
      %gather3A_718 = arith.constant 0 : i32
      %gather3A_719 = tpu.memref_slice %arg6[%scan3A_483, %gather3A_717, %gather3A_718] : memref<2x32x1025xf32, #tpu.memory_space<vmem>> -> memref<1x32x1025xf32, #tpu.memory_space<vmem>>
      %gather3A_720 = tpu.memref_squeeze %gather3A_719 : memref<1x32x1025xf32, #tpu.memory_space<vmem>> -> memref<32x1025xf32, #tpu.memory_space<vmem>>
      %gather3A_721 = tpu.vector_load_idx %gather3A_720[%add3A_482, %add3A_691] : memref<32x1025xf32, #tpu.memory_space<vmem>>[vector<16xi32>, vector<16xi32>], vector<16xf32>,
      %gather3A_722 = arith.constant 0 : i32
      %gather3A_723 = arith.constant 0 : i32
      %gather3A_724 = tpu.memref_slice %arg6[%scan3A_483, %gather3A_722, %gather3A_723] : memref<2x32x1025xf32, #tpu.memory_space<vmem>> -> memref<1x32x1025xf32, #tpu.memory_space<vmem>>
      %gather3A_725 = tpu.memref_squeeze %gather3A_724 : memref<1x32x1025xf32, #tpu.memory_space<vmem>> -> memref<32x1025xf32, #tpu.memory_space<vmem>>
      %gather3A_726 = tpu.vector_load_idx %gather3A_725[%add3A_482, %add3A_694] : memref<32x1025xf32, #tpu.memory_space<vmem>>[vector<16xi32>, vector<16xi32>], vector<16xf32>,
      %gather3A_727 = arith.constant 0 : i32
      %gather3A_728 = arith.constant 0 : i32
      %gather3A_729 = tpu.memref_slice %arg6[%scan3A_483, %gather3A_727, %gather3A_728] : memref<2x32x1025xf32, #tpu.memory_space<vmem>> -> memref<1x32x1025xf32, #tpu.memory_space<vmem>>
      %gather3A_730 = tpu.memref_squeeze %gather3A_729 : memref<1x32x1025xf32, #tpu.memory_space<vmem>> -> memref<32x1025xf32, #tpu.memory_space<vmem>>
      %gather3A_731 = tpu.vector_load_idx %gather3A_730[%add3A_482, %add3A_697] : memref<32x1025xf32, #tpu.memory_space<vmem>>[vector<16xi32>, vector<16xi32>], vector<16xf32>,
      %gather3A_732 = arith.constant 0 : i32
      %gather3A_733 = arith.constant 0 : i32
      %gather3A_734 = tpu.memref_slice %arg6[%scan3A_483, %gather3A_732, %gather3A_733] : memref<2x32x1025xf32, #tpu.memory_space<vmem>> -> memref<1x32x1025xf32, #tpu.memory_space<vmem>>
      %gather3A_735 = tpu.memref_squeeze %gather3A_734 : memref<1x32x1025xf32, #tpu.memory_space<vmem>> -> memref<32x1025xf32, #tpu.memory_space<vmem>>
      %gather3A_736 = tpu.vector_load_idx %gather3A_735[%add3A_482, %add3A_700] : memref<32x1025xf32, #tpu.memory_space<vmem>>[vector<16xi32>, vector<16xi32>], vector<16xf32>,
      %gather3A_737 = arith.constant 0 : i32
      %gather3A_738 = arith.constant 0 : i32
      %gather3A_739 = tpu.memref_slice %arg6[%scan3A_483, %gather3A_737, %gather3A_738] : memref<2x32x1025xf32, #tpu.memory_space<vmem>> -> memref<1x32x1025xf32, #tpu.memory_space<vmem>>
      %gather3A_740 = tpu.memref_squeeze %gather3A_739 : memref<1x32x1025xf32, #tpu.memory_space<vmem>> -> memref<32x1025xf32, #tpu.memory_space<vmem>>
      %gather3A_741 = tpu.vector_load_idx %gather3A_740[%add3A_482, %add3A_703] : memref<32x1025xf32, #tpu.memory_space<vmem>>[vector<16xi32>, vector<16xi32>], vector<16xf32>,
      %gather3A_742 = arith.constant 0 : i32
      %gather3A_743 = arith.constant 0 : i32
      %gather3A_744 = tpu.memref_slice %arg6[%scan3A_483, %gather3A_742, %gather3A_743] : memref<2x32x1025xf32, #tpu.memory_space<vmem>> -> memref<1x32x1025xf32, #tpu.memory_space<vmem>>
      %gather3A_745 = tpu.memref_squeeze %gather3A_744 : memref<1x32x1025xf32, #tpu.memory_space<vmem>> -> memref<32x1025xf32, #tpu.memory_space<vmem>>
      %gather3A_746 = tpu.vector_load_idx %gather3A_745[%add3A_482, %add3A_706] : memref<32x1025xf32, #tpu.memory_space<vmem>>[vector<16xi32>, vector<16xi32>], vector<16xf32>,
      %ge3A = arith.cmpf oge, %gather3A_711, %gather3A_716 : vector<16xf32>
      %max3A_747 = arith.maximumf %gather3A_711, %gather3A_716 : vector<16xf32>
      %select_n3A_748 = arith.select %ge3A, %broadcast_in_dim3A_685, %add3A_688 : vector<16xi1>, vector<16xi32>
      %ge3A_749 = arith.cmpf oge, %gather3A_721, %gather3A_726 : vector<16xf32>
      %max3A_750 = arith.maximumf %gather3A_721, %gather3A_726 : vector<16xf32>
      %select_n3A_751 = arith.select %ge3A_749, %add3A_691, %add3A_694 : vector<16xi1>, vector<16xi32>
      %ge3A_752 = arith.cmpf oge, %gather3A_731, %gather3A_736 : vector<16xf32>
      %max3A_753 = arith.maximumf %gather3A_731, %gather3A_736 : vector<16xf32>
      %select_n3A_754 = arith.select %ge3A_752, %add3A_697, %add3A_700 : vector<16xi1>, vector<16xi32>
      %ge3A_755 = arith.cmpf oge, %gather3A_741, %gather3A_746 : vector<16xf32>
      %max3A_756 = arith.maximumf %gather3A_741, %gather3A_746 : vector<16xf32>
      %select_n3A_757 = arith.select %ge3A_755, %add3A_703, %add3A_706 : vector<16xi1>, vector<16xi32>
      %ge3A_758 = arith.cmpf oge, %max3A_747, %max3A_750 : vector<16xf32>
      %max3A_759 = arith.maximumf %max3A_747, %max3A_750 : vector<16xf32>
      %select_n3A_760 = arith.select %ge3A_758, %select_n3A_748, %select_n3A_751 : vector<16xi1>, vector<16xi32>
      %ge3A_761 = arith.cmpf oge, %max3A_753, %max3A_756 : vector<16xf32>
      %max3A_762 = arith.maximumf %max3A_753, %max3A_756 : vector<16xf32>
      %select_n3A_763 = arith.select %ge3A_761, %select_n3A_754, %select_n3A_757 : vector<16xi1>, vector<16xi32>
      %ge3A_764 = arith.cmpf oge, %max3A_759, %max3A_762 : vector<16xf32>
      %max3A_765 = arith.maximumf %max3A_759, %max3A_762 : vector<16xf32>
      %select_n3A_766 = arith.select %ge3A_764, %select_n3A_760, %select_n3A_763 : vector<16xi1>, vector<16xi32>
      %gt3A_767 = arith.cmpf ogt, %max3A_765, %scan3A_681 : vector<16xf32>
      %select_n3A_768 = arith.select %gt3A_767, %max3A_765, %scan3A_681 : vector<16xi1>, vector<16xf32>
      %select_n3A_769 = arith.select %gt3A_767, %select_n3A_766, %scan3A_682 : vector<16xi1>, vector<16xi32>
      scf.yield %select_n3A_768, %select_n3A_769 : vector<16xf32>, vector<16xi32>
    }
    %scan3A_489 = arith.constant 128 : i32
    %swap3A_490 = arith.constant 160 : index
    %swap3A_491 = tpu.vector_load %arg7[%swap3A_490] {strides = array<i32>} : memref<192xi32, #tpu.memory_space<vmem>>, vector<16xi32>,
    tpu.vector_store %arg7[%swap3A_490], %scan3A_488#1 {strides = array<i32>} : memref<192xi32, #tpu.memory_space<vmem>>, vector<16xi32>,
    %swap3A_492 = arith.constant 160 : index
    %swap3A_493 = tpu.vector_load %arg8[%swap3A_492] {strides = array<i32>} : memref<192xf32, #tpu.memory_space<vmem>>, vector<16xf32>,
    tpu.vector_store %arg8[%swap3A_492], %scan3A_488#0 {strides = array<i32>} : memref<192xf32, #tpu.memory_space<vmem>>, vector<16xf32>,
    %add3A_494 = arith.constant 16 : i32
    %add3A_495 = vector.broadcast %add3A_494 : i32 to vector<16xi32>
    %add3A_496 = arith.addi %iota3A, %add3A_495 : vector<16xi32>
    %scan3A_497 = arith.constant 1 : i32
    %scan3A_498 = arith.constant 0 : i32
    %scan3A_499 = arith.constant 128 : i32
    %scan3A_500 = arith.addi %scan3A_498, %scan3A_499 : i32
    %scan3A_501 = arith.constant 1 : i32
    %scan3A_502:2 = scf.for %scan3A_680 = %scan3A_498 to %scan3A_500 step %scan3A_501 iter_args(%scan3A_681 = %broadcast_in_dim3A_174, %scan3A_682 = %broadcast_in_dim3A_176) -> (vector<16xf32>, vector<16xi32>)  : i32 {
      %mul3A_683 = arith.constant 8 : i32
      %mul3A_684 = arith.muli %mul3A_683, %scan3A_680 : i32
      %broadcast_in_dim3A_685 = vector.broadcast %mul3A_684 : i32 to vector<16xi32>
      %add3A_686 = arith.constant 1 : i32
      %add3A_687 = vector.broadcast %add3A_686 : i32 to vector<16xi32>
      %add3A_688 = arith.addi %broadcast_in_dim3A_685, %add3A_687 : vector<16xi32>
      %add3A_689 = arith.constant 2 : i32
      %add3A_690 = vector.broadcast %add3A_689 : i32 to vector<16xi32>
      %add3A_691 = arith.addi %broadcast_in_dim3A_685, %add3A_690 : vector<16xi32>
      %add3A_692 = arith.constant 3 : i32
      %add3A_693 = vector.broadcast %add3A_692 : i32 to vector<16xi32>
      %add3A_694 = arith.addi %broadcast_in_dim3A_685, %add3A_693 : vector<16xi32>
      %add3A_695 = arith.constant 4 : i32
      %add3A_696 = vector.broadcast %add3A_695 : i32 to vector<16xi32>
      %add3A_697 = arith.addi %broadcast_in_dim3A_685, %add3A_696 : vector<16xi32>
      %add3A_698 = arith.constant 5 : i32
      %add3A_699 = vector.broadcast %add3A_698 : i32 to vector<16xi32>
      %add3A_700 = arith.addi %broadcast_in_dim3A_685, %add3A_699 : vector<16xi32>
      %add3A_701 = arith.constant 6 : i32
      %add3A_702 = vector.broadcast %add3A_701 : i32 to vector<16xi32>
      %add3A_703 = arith.addi %broadcast_in_dim3A_685, %add3A_702 : vector<16xi32>
      %add3A_704 = arith.constant 7 : i32
      %add3A_705 = vector.broadcast %add3A_704 : i32 to vector<16xi32>
      %add3A_706 = arith.addi %broadcast_in_dim3A_685, %add3A_705 : vector<16xi32>
      %gather3A_707 = arith.constant 0 : i32
      %gather3A_708 = arith.constant 0 : i32
      %gather3A_709 = tpu.memref_slice %arg6[%scan3A_497, %gather3A_707, %gather3A_708] : memref<2x32x1025xf32, #tpu.memory_space<vmem>> -> memref<1x32x1025xf32, #tpu.memory_space<vmem>>
      %gather3A_710 = tpu.memref_squeeze %gather3A_709 : memref<1x32x1025xf32, #tpu.memory_space<vmem>> -> memref<32x1025xf32, #tpu.memory_space<vmem>>
      %gather3A_711 = tpu.vector_load_idx %gather3A_710[%add3A_496, %broadcast_in_dim3A_685] : memref<32x1025xf32, #tpu.memory_space<vmem>>[vector<16xi32>, vector<16xi32>], vector<16xf32>,
      %gather3A_712 = arith.constant 0 : i32
      %gather3A_713 = arith.constant 0 : i32
      %gather3A_714 = tpu.memref_slice %arg6[%scan3A_497, %gather3A_712, %gather3A_713] : memref<2x32x1025xf32, #tpu.memory_space<vmem>> -> memref<1x32x1025xf32, #tpu.memory_space<vmem>>
      %gather3A_715 = tpu.memref_squeeze %gather3A_714 : memref<1x32x1025xf32, #tpu.memory_space<vmem>> -> memref<32x1025xf32, #tpu.memory_space<vmem>>
      %gather3A_716 = tpu.vector_load_idx %gather3A_715[%add3A_496, %add3A_688] : memref<32x1025xf32, #tpu.memory_space<vmem>>[vector<16xi32>, vector<16xi32>], vector<16xf32>,
      %gather3A_717 = arith.constant 0 : i32
      %gather3A_718 = arith.constant 0 : i32
      %gather3A_719 = tpu.memref_slice %arg6[%scan3A_497, %gather3A_717, %gather3A_718] : memref<2x32x1025xf32, #tpu.memory_space<vmem>> -> memref<1x32x1025xf32, #tpu.memory_space<vmem>>
      %gather3A_720 = tpu.memref_squeeze %gather3A_719 : memref<1x32x1025xf32, #tpu.memory_space<vmem>> -> memref<32x1025xf32, #tpu.memory_space<vmem>>
      %gather3A_721 = tpu.vector_load_idx %gather3A_720[%add3A_496, %add3A_691] : memref<32x1025xf32, #tpu.memory_space<vmem>>[vector<16xi32>, vector<16xi32>], vector<16xf32>,
      %gather3A_722 = arith.constant 0 : i32
      %gather3A_723 = arith.constant 0 : i32
      %gather3A_724 = tpu.memref_slice %arg6[%scan3A_497, %gather3A_722, %gather3A_723] : memref<2x32x1025xf32, #tpu.memory_space<vmem>> -> memref<1x32x1025xf32, #tpu.memory_space<vmem>>
      %gather3A_725 = tpu.memref_squeeze %gather3A_724 : memref<1x32x1025xf32, #tpu.memory_space<vmem>> -> memref<32x1025xf32, #tpu.memory_space<vmem>>
      %gather3A_726 = tpu.vector_load_idx %gather3A_725[%add3A_496, %add3A_694] : memref<32x1025xf32, #tpu.memory_space<vmem>>[vector<16xi32>, vector<16xi32>], vector<16xf32>,
      %gather3A_727 = arith.constant 0 : i32
      %gather3A_728 = arith.constant 0 : i32
      %gather3A_729 = tpu.memref_slice %arg6[%scan3A_497, %gather3A_727, %gather3A_728] : memref<2x32x1025xf32, #tpu.memory_space<vmem>> -> memref<1x32x1025xf32, #tpu.memory_space<vmem>>
      %gather3A_730 = tpu.memref_squeeze %gather3A_729 : memref<1x32x1025xf32, #tpu.memory_space<vmem>> -> memref<32x1025xf32, #tpu.memory_space<vmem>>
      %gather3A_731 = tpu.vector_load_idx %gather3A_730[%add3A_496, %add3A_697] : memref<32x1025xf32, #tpu.memory_space<vmem>>[vector<16xi32>, vector<16xi32>], vector<16xf32>,
      %gather3A_732 = arith.constant 0 : i32
      %gather3A_733 = arith.constant 0 : i32
      %gather3A_734 = tpu.memref_slice %arg6[%scan3A_497, %gather3A_732, %gather3A_733] : memref<2x32x1025xf32, #tpu.memory_space<vmem>> -> memref<1x32x1025xf32, #tpu.memory_space<vmem>>
      %gather3A_735 = tpu.memref_squeeze %gather3A_734 : memref<1x32x1025xf32, #tpu.memory_space<vmem>> -> memref<32x1025xf32, #tpu.memory_space<vmem>>
      %gather3A_736 = tpu.vector_load_idx %gather3A_735[%add3A_496, %add3A_700] : memref<32x1025xf32, #tpu.memory_space<vmem>>[vector<16xi32>, vector<16xi32>], vector<16xf32>,
      %gather3A_737 = arith.constant 0 : i32
      %gather3A_738 = arith.constant 0 : i32
      %gather3A_739 = tpu.memref_slice %arg6[%scan3A_497, %gather3A_737, %gather3A_738] : memref<2x32x1025xf32, #tpu.memory_space<vmem>> -> memref<1x32x1025xf32, #tpu.memory_space<vmem>>
      %gather3A_740 = tpu.memref_squeeze %gather3A_739 : memref<1x32x1025xf32, #tpu.memory_space<vmem>> -> memref<32x1025xf32, #tpu.memory_space<vmem>>
      %gather3A_741 = tpu.vector_load_idx %gather3A_740[%add3A_496, %add3A_703] : memref<32x1025xf32, #tpu.memory_space<vmem>>[vector<16xi32>, vector<16xi32>], vector<16xf32>,
      %gather3A_742 = arith.constant 0 : i32
      %gather3A_743 = arith.constant 0 : i32
      %gather3A_744 = tpu.memref_slice %arg6[%scan3A_497, %gather3A_742, %gather3A_743] : memref<2x32x1025xf32, #tpu.memory_space<vmem>> -> memref<1x32x1025xf32, #tpu.memory_space<vmem>>
      %gather3A_745 = tpu.memref_squeeze %gather3A_744 : memref<1x32x1025xf32, #tpu.memory_space<vmem>> -> memref<32x1025xf32, #tpu.memory_space<vmem>>
      %gather3A_746 = tpu.vector_load_idx %gather3A_745[%add3A_496, %add3A_706] : memref<32x1025xf32, #tpu.memory_space<vmem>>[vector<16xi32>, vector<16xi32>], vector<16xf32>,
      %ge3A = arith.cmpf oge, %gather3A_711, %gather3A_716 : vector<16xf32>
      %max3A_747 = arith.maximumf %gather3A_711, %gather3A_716 : vector<16xf32>
      %select_n3A_748 = arith.select %ge3A, %broadcast_in_dim3A_685, %add3A_688 : vector<16xi1>, vector<16xi32>
      %ge3A_749 = arith.cmpf oge, %gather3A_721, %gather3A_726 : vector<16xf32>
      %max3A_750 = arith.maximumf %gather3A_721, %gather3A_726 : vector<16xf32>
      %select_n3A_751 = arith.select %ge3A_749, %add3A_691, %add3A_694 : vector<16xi1>, vector<16xi32>
      %ge3A_752 = arith.cmpf oge, %gather3A_731, %gather3A_736 : vector<16xf32>
      %max3A_753 = arith.maximumf %gather3A_731, %gather3A_736 : vector<16xf32>
      %select_n3A_754 = arith.select %ge3A_752, %add3A_697, %add3A_700 : vector<16xi1>, vector<16xi32>
      %ge3A_755 = arith.cmpf oge, %gather3A_741, %gather3A_746 : vector<16xf32>
      %max3A_756 = arith.maximumf %gather3A_741, %gather3A_746 : vector<16xf32>
      %select_n3A_757 = arith.select %ge3A_755, %add3A_703, %add3A_706 : vector<16xi1>, vector<16xi32>
      %ge3A_758 = arith.cmpf oge, %max3A_747, %max3A_750 : vector<16xf32>
      %max3A_759 = arith.maximumf %max3A_747, %max3A_750 : vector<16xf32>
      %select_n3A_760 = arith.select %ge3A_758, %select_n3A_748, %select_n3A_751 : vector<16xi1>, vector<16xi32>
      %ge3A_761 = arith.cmpf oge, %max3A_753, %max3A_756 : vector<16xf32>
      %max3A_762 = arith.maximumf %max3A_753, %max3A_756 : vector<16xf32>
      %select_n3A_763 = arith.select %ge3A_761, %select_n3A_754, %select_n3A_757 : vector<16xi1>, vector<16xi32>
      %ge3A_764 = arith.cmpf oge, %max3A_759, %max3A_762 : vector<16xf32>
      %max3A_765 = arith.maximumf %max3A_759, %max3A_762 : vector<16xf32>
      %select_n3A_766 = arith.select %ge3A_764, %select_n3A_760, %select_n3A_763 : vector<16xi1>, vector<16xi32>
      %gt3A_767 = arith.cmpf ogt, %max3A_765, %scan3A_681 : vector<16xf32>
      %select_n3A_768 = arith.select %gt3A_767, %max3A_765, %scan3A_681 : vector<16xi1>, vector<16xf32>
      %select_n3A_769 = arith.select %gt3A_767, %select_n3A_766, %scan3A_682 : vector<16xi1>, vector<16xi32>
      scf.yield %select_n3A_768, %select_n3A_769 : vector<16xf32>, vector<16xi32>
    }
    %scan3A_503 = arith.constant 128 : i32
    %swap3A_504 = arith.constant 176 : index
    %swap3A_505 = tpu.vector_load %arg7[%swap3A_504] {strides = array<i32>} : memref<192xi32, #tpu.memory_space<vmem>>, vector<16xi32>,
    tpu.vector_store %arg7[%swap3A_504], %scan3A_502#1 {strides = array<i32>} : memref<192xi32, #tpu.memory_space<vmem>>, vector<16xi32>,
    %swap3A_506 = arith.constant 176 : index
    %swap3A_507 = tpu.vector_load %arg8[%swap3A_506] {strides = array<i32>} : memref<192xf32, #tpu.memory_space<vmem>>, vector<16xf32>,
    tpu.vector_store %arg8[%swap3A_506], %scan3A_502#0 {strides = array<i32>} : memref<192xf32, #tpu.memory_space<vmem>>, vector<16xf32>,
    %get3A_508 = arith.constant 0 : index
    %get3A_509 = tpu.vector_load %arg7[%get3A_508] {strides = array<i32>} : memref<192xi32, #tpu.memory_space<vmem>>, vector<16xi32>,
    %sub3A = arith.constant 1 : i32
    %sub3A_510 = vector.broadcast %sub3A : i32 to vector<16xi32>
    %sub3A_511 = arith.subi %iota3A, %sub3A_510 : vector<16xi32>
    %max3A_512 = arith.constant 0 : i32
    %max3A_513 = vector.broadcast %max3A_512 : i32 to vector<16xi32>
    %max3A_514 = arith.maxsi %sub3A_511, %max3A_513 : vector<16xi32>
    %gather3A = tpu.vector_load_idx %arg7[%max3A_514] : memref<192xi32, #tpu.memory_space<vmem>>[vector<16xi32>], vector<16xi32>,
    %eq3A_515 = arith.constant 0 : i32
    %eq3A_516 = vector.broadcast %eq3A_515 : i32 to vector<16xi32>
    %eq3A_517 = arith.cmpi eq, %iota3A, %eq3A_516 : vector<16xi32>
    %broadcast_in_dim3A_518 = vector.broadcast %select_n3A_161 : i32 to vector<16xi32>
    %select_n3A_519 = arith.select %eq3A_517, %broadcast_in_dim3A_518, %gather3A : vector<16xi1>, vector<16xi32>
    %ne3A = arith.constant 1023 : i32
    %ne3A_520 = vector.broadcast %ne3A : i32 to vector<16xi32>
    %ne3A_521 = arith.cmpi ne, %get3A_509, %ne3A_520 : vector<16xi32>
    %ne3A_522 = arith.cmpi ne, %get3A_509, %select_n3A_519 : vector<16xi32>
    %and3A = arith.andi %ne3A_521, %ne3A_522 : vector<16xi1>
    %convert_element_type3A_523 = arith.extui %and3A : vector<16xi1> to vector<16xi32>
    %swap3A_524 = arith.constant 0 : index
    %swap3A_525 = tpu.vector_load %arg9[%swap3A_524] {strides = array<i32>} : memref<192xi32, #tpu.memory_space<vmem>>, vector<16xi32>,
    tpu.vector_store %arg9[%swap3A_524], %convert_element_type3A_523 {strides = array<i32>} : memref<192xi32, #tpu.memory_space<vmem>>, vector<16xi32>,
    %get3A_526 = arith.constant 16 : index
    %get3A_527 = tpu.vector_load %arg7[%get3A_526] {strides = array<i32>} : memref<192xi32, #tpu.memory_space<vmem>>, vector<16xi32>,
    %add3A_528 = arith.constant 15 : i32
    %add3A_529 = vector.broadcast %add3A_528 : i32 to vector<16xi32>
    %add3A_530 = arith.addi %add3A_529, %iota3A : vector<16xi32>
    %gather3A_531 = tpu.vector_load_idx %arg7[%add3A_530] : memref<192xi32, #tpu.memory_space<vmem>>[vector<16xi32>], vector<16xi32>,
    %ne3A_532 = arith.constant 1023 : i32
    %ne3A_533 = vector.broadcast %ne3A_532 : i32 to vector<16xi32>
    %ne3A_534 = arith.cmpi ne, %get3A_527, %ne3A_533 : vector<16xi32>
    %ne3A_535 = arith.cmpi ne, %get3A_527, %gather3A_531 : vector<16xi32>
    %and3A_536 = arith.andi %ne3A_534, %ne3A_535 : vector<16xi1>
    %convert_element_type3A_537 = arith.extui %and3A_536 : vector<16xi1> to vector<16xi32>
    %swap3A_538 = arith.constant 16 : index
    %swap3A_539 = tpu.vector_load %arg9[%swap3A_538] {strides = array<i32>} : memref<192xi32, #tpu.memory_space<vmem>>, vector<16xi32>,
    tpu.vector_store %arg9[%swap3A_538], %convert_element_type3A_537 {strides = array<i32>} : memref<192xi32, #tpu.memory_space<vmem>>, vector<16xi32>,
    %get3A_540 = arith.constant 32 : index
    %get3A_541 = tpu.vector_load %arg7[%get3A_540] {strides = array<i32>} : memref<192xi32, #tpu.memory_space<vmem>>, vector<16xi32>,
    %add3A_542 = arith.constant 31 : i32
    %add3A_543 = vector.broadcast %add3A_542 : i32 to vector<16xi32>
    %add3A_544 = arith.addi %add3A_543, %iota3A : vector<16xi32>
    %gather3A_545 = tpu.vector_load_idx %arg7[%add3A_544] : memref<192xi32, #tpu.memory_space<vmem>>[vector<16xi32>], vector<16xi32>,
    %ne3A_546 = arith.constant 1023 : i32
    %ne3A_547 = vector.broadcast %ne3A_546 : i32 to vector<16xi32>
    %ne3A_548 = arith.cmpi ne, %get3A_541, %ne3A_547 : vector<16xi32>
    %ne3A_549 = arith.cmpi ne, %get3A_541, %gather3A_545 : vector<16xi32>
    %and3A_550 = arith.andi %ne3A_548, %ne3A_549 : vector<16xi1>
    %convert_element_type3A_551 = arith.extui %and3A_550 : vector<16xi1> to vector<16xi32>
    %swap3A_552 = arith.constant 32 : index
    %swap3A_553 = tpu.vector_load %arg9[%swap3A_552] {strides = array<i32>} : memref<192xi32, #tpu.memory_space<vmem>>, vector<16xi32>,
    tpu.vector_store %arg9[%swap3A_552], %convert_element_type3A_551 {strides = array<i32>} : memref<192xi32, #tpu.memory_space<vmem>>, vector<16xi32>,
    %get3A_554 = arith.constant 48 : index
    %get3A_555 = tpu.vector_load %arg7[%get3A_554] {strides = array<i32>} : memref<192xi32, #tpu.memory_space<vmem>>, vector<16xi32>,
    %add3A_556 = arith.constant 47 : i32
    %add3A_557 = vector.broadcast %add3A_556 : i32 to vector<16xi32>
    %add3A_558 = arith.addi %add3A_557, %iota3A : vector<16xi32>
    %gather3A_559 = tpu.vector_load_idx %arg7[%add3A_558] : memref<192xi32, #tpu.memory_space<vmem>>[vector<16xi32>], vector<16xi32>,
    %ne3A_560 = arith.constant 1023 : i32
    %ne3A_561 = vector.broadcast %ne3A_560 : i32 to vector<16xi32>
    %ne3A_562 = arith.cmpi ne, %get3A_555, %ne3A_561 : vector<16xi32>
    %ne3A_563 = arith.cmpi ne, %get3A_555, %gather3A_559 : vector<16xi32>
    %and3A_564 = arith.andi %ne3A_562, %ne3A_563 : vector<16xi1>
    %convert_element_type3A_565 = arith.extui %and3A_564 : vector<16xi1> to vector<16xi32>
    %swap3A_566 = arith.constant 48 : index
    %swap3A_567 = tpu.vector_load %arg9[%swap3A_566] {strides = array<i32>} : memref<192xi32, #tpu.memory_space<vmem>>, vector<16xi32>,
    tpu.vector_store %arg9[%swap3A_566], %convert_element_type3A_565 {strides = array<i32>} : memref<192xi32, #tpu.memory_space<vmem>>, vector<16xi32>,
    %get3A_568 = arith.constant 64 : index
    %get3A_569 = tpu.vector_load %arg7[%get3A_568] {strides = array<i32>} : memref<192xi32, #tpu.memory_space<vmem>>, vector<16xi32>,
    %add3A_570 = arith.constant 63 : i32
    %add3A_571 = vector.broadcast %add3A_570 : i32 to vector<16xi32>
    %add3A_572 = arith.addi %add3A_571, %iota3A : vector<16xi32>
    %gather3A_573 = tpu.vector_load_idx %arg7[%add3A_572] : memref<192xi32, #tpu.memory_space<vmem>>[vector<16xi32>], vector<16xi32>,
    %ne3A_574 = arith.constant 1023 : i32
    %ne3A_575 = vector.broadcast %ne3A_574 : i32 to vector<16xi32>
    %ne3A_576 = arith.cmpi ne, %get3A_569, %ne3A_575 : vector<16xi32>
    %ne3A_577 = arith.cmpi ne, %get3A_569, %gather3A_573 : vector<16xi32>
    %and3A_578 = arith.andi %ne3A_576, %ne3A_577 : vector<16xi1>
    %convert_element_type3A_579 = arith.extui %and3A_578 : vector<16xi1> to vector<16xi32>
    %swap3A_580 = arith.constant 64 : index
    %swap3A_581 = tpu.vector_load %arg9[%swap3A_580] {strides = array<i32>} : memref<192xi32, #tpu.memory_space<vmem>>, vector<16xi32>,
    tpu.vector_store %arg9[%swap3A_580], %convert_element_type3A_579 {strides = array<i32>} : memref<192xi32, #tpu.memory_space<vmem>>, vector<16xi32>,
    %get3A_582 = arith.constant 80 : index
    %get3A_583 = tpu.vector_load %arg7[%get3A_582] {strides = array<i32>} : memref<192xi32, #tpu.memory_space<vmem>>, vector<16xi32>,
    %add3A_584 = arith.constant 79 : i32
    %add3A_585 = vector.broadcast %add3A_584 : i32 to vector<16xi32>
    %add3A_586 = arith.addi %add3A_585, %iota3A : vector<16xi32>
    %gather3A_587 = tpu.vector_load_idx %arg7[%add3A_586] : memref<192xi32, #tpu.memory_space<vmem>>[vector<16xi32>], vector<16xi32>,
    %ne3A_588 = arith.constant 1023 : i32
    %ne3A_589 = vector.broadcast %ne3A_588 : i32 to vector<16xi32>
    %ne3A_590 = arith.cmpi ne, %get3A_583, %ne3A_589 : vector<16xi32>
    %ne3A_591 = arith.cmpi ne, %get3A_583, %gather3A_587 : vector<16xi32>
    %and3A_592 = arith.andi %ne3A_590, %ne3A_591 : vector<16xi1>
    %convert_element_type3A_593 = arith.extui %and3A_592 : vector<16xi1> to vector<16xi32>
    %swap3A_594 = arith.constant 80 : index
    %swap3A_595 = tpu.vector_load %arg9[%swap3A_594] {strides = array<i32>} : memref<192xi32, #tpu.memory_space<vmem>>, vector<16xi32>,
    tpu.vector_store %arg9[%swap3A_594], %convert_element_type3A_593 {strides = array<i32>} : memref<192xi32, #tpu.memory_space<vmem>>, vector<16xi32>,
    %get3A_596 = arith.constant 96 : index
    %get3A_597 = tpu.vector_load %arg7[%get3A_596] {strides = array<i32>} : memref<192xi32, #tpu.memory_space<vmem>>, vector<16xi32>,
    %add3A_598 = arith.constant 95 : i32
    %add3A_599 = vector.broadcast %add3A_598 : i32 to vector<16xi32>
    %add3A_600 = arith.addi %add3A_599, %iota3A : vector<16xi32>
    %gather3A_601 = tpu.vector_load_idx %arg7[%add3A_600] : memref<192xi32, #tpu.memory_space<vmem>>[vector<16xi32>], vector<16xi32>,
    %ne3A_602 = arith.constant 1023 : i32
    %ne3A_603 = vector.broadcast %ne3A_602 : i32 to vector<16xi32>
    %ne3A_604 = arith.cmpi ne, %get3A_597, %ne3A_603 : vector<16xi32>
    %ne3A_605 = arith.cmpi ne, %get3A_597, %gather3A_601 : vector<16xi32>
    %and3A_606 = arith.andi %ne3A_604, %ne3A_605 : vector<16xi1>
    %convert_element_type3A_607 = arith.extui %and3A_606 : vector<16xi1> to vector<16xi32>
    %swap3A_608 = arith.constant 96 : index
    %swap3A_609 = tpu.vector_load %arg9[%swap3A_608] {strides = array<i32>} : memref<192xi32, #tpu.memory_space<vmem>>, vector<16xi32>,
    tpu.vector_store %arg9[%swap3A_608], %convert_element_type3A_607 {strides = array<i32>} : memref<192xi32, #tpu.memory_space<vmem>>, vector<16xi32>,
    %get3A_610 = arith.constant 112 : index
    %get3A_611 = tpu.vector_load %arg7[%get3A_610] {strides = array<i32>} : memref<192xi32, #tpu.memory_space<vmem>>, vector<16xi32>,
    %add3A_612 = arith.constant 111 : i32
    %add3A_613 = vector.broadcast %add3A_612 : i32 to vector<16xi32>
    %add3A_614 = arith.addi %add3A_613, %iota3A : vector<16xi32>
    %gather3A_615 = tpu.vector_load_idx %arg7[%add3A_614] : memref<192xi32, #tpu.memory_space<vmem>>[vector<16xi32>], vector<16xi32>,
    %ne3A_616 = arith.constant 1023 : i32
    %ne3A_617 = vector.broadcast %ne3A_616 : i32 to vector<16xi32>
    %ne3A_618 = arith.cmpi ne, %get3A_611, %ne3A_617 : vector<16xi32>
    %ne3A_619 = arith.cmpi ne, %get3A_611, %gather3A_615 : vector<16xi32>
    %and3A_620 = arith.andi %ne3A_618, %ne3A_619 : vector<16xi1>
    %convert_element_type3A_621 = arith.extui %and3A_620 : vector<16xi1> to vector<16xi32>
    %swap3A_622 = arith.constant 112 : index
    %swap3A_623 = tpu.vector_load %arg9[%swap3A_622] {strides = array<i32>} : memref<192xi32, #tpu.memory_space<vmem>>, vector<16xi32>,
    tpu.vector_store %arg9[%swap3A_622], %convert_element_type3A_621 {strides = array<i32>} : memref<192xi32, #tpu.memory_space<vmem>>, vector<16xi32>,
    %get3A_624 = arith.constant 128 : index
    %get3A_625 = tpu.vector_load %arg7[%get3A_624] {strides = array<i32>} : memref<192xi32, #tpu.memory_space<vmem>>, vector<16xi32>,
    %add3A_626 = arith.constant 127 : i32
    %add3A_627 = vector.broadcast %add3A_626 : i32 to vector<16xi32>
    %add3A_628 = arith.addi %add3A_627, %iota3A : vector<16xi32>
    %gather3A_629 = tpu.vector_load_idx %arg7[%add3A_628] : memref<192xi32, #tpu.memory_space<vmem>>[vector<16xi32>], vector<16xi32>,
    %ne3A_630 = arith.constant 1023 : i32
    %ne3A_631 = vector.broadcast %ne3A_630 : i32 to vector<16xi32>
    %ne3A_632 = arith.cmpi ne, %get3A_625, %ne3A_631 : vector<16xi32>
    %ne3A_633 = arith.cmpi ne, %get3A_625, %gather3A_629 : vector<16xi32>
    %and3A_634 = arith.andi %ne3A_632, %ne3A_633 : vector<16xi1>
    %convert_element_type3A_635 = arith.extui %and3A_634 : vector<16xi1> to vector<16xi32>
    %swap3A_636 = arith.constant 128 : index
    %swap3A_637 = tpu.vector_load %arg9[%swap3A_636] {strides = array<i32>} : memref<192xi32, #tpu.memory_space<vmem>>, vector<16xi32>,
    tpu.vector_store %arg9[%swap3A_636], %convert_element_type3A_635 {strides = array<i32>} : memref<192xi32, #tpu.memory_space<vmem>>, vector<16xi32>,
    %get3A_638 = arith.constant 144 : index
    %get3A_639 = tpu.vector_load %arg7[%get3A_638] {strides = array<i32>} : memref<192xi32, #tpu.memory_space<vmem>>, vector<16xi32>,
    %add3A_640 = arith.constant 143 : i32
    %add3A_641 = vector.broadcast %add3A_640 : i32 to vector<16xi32>
    %add3A_642 = arith.addi %add3A_641, %iota3A : vector<16xi32>
    %gather3A_643 = tpu.vector_load_idx %arg7[%add3A_642] : memref<192xi32, #tpu.memory_space<vmem>>[vector<16xi32>], vector<16xi32>,
    %ne3A_644 = arith.constant 1023 : i32
    %ne3A_645 = vector.broadcast %ne3A_644 : i32 to vector<16xi32>
    %ne3A_646 = arith.cmpi ne, %get3A_639, %ne3A_645 : vector<16xi32>
    %ne3A_647 = arith.cmpi ne, %get3A_639, %gather3A_643 : vector<16xi32>
    %and3A_648 = arith.andi %ne3A_646, %ne3A_647 : vector<16xi1>
    %convert_element_type3A_649 = arith.extui %and3A_648 : vector<16xi1> to vector<16xi32>
    %swap3A_650 = arith.constant 144 : index
    %swap3A_651 = tpu.vector_load %arg9[%swap3A_650] {strides = array<i32>} : memref<192xi32, #tpu.memory_space<vmem>>, vector<16xi32>,
    tpu.vector_store %arg9[%swap3A_650], %convert_element_type3A_649 {strides = array<i32>} : memref<192xi32, #tpu.memory_space<vmem>>, vector<16xi32>,
    %get3A_652 = arith.constant 160 : index
    %get3A_653 = tpu.vector_load %arg7[%get3A_652] {strides = array<i32>} : memref<192xi32, #tpu.memory_space<vmem>>, vector<16xi32>,
    %add3A_654 = arith.constant 159 : i32
    %add3A_655 = vector.broadcast %add3A_654 : i32 to vector<16xi32>
    %add3A_656 = arith.addi %add3A_655, %iota3A : vector<16xi32>
    %gather3A_657 = tpu.vector_load_idx %arg7[%add3A_656] : memref<192xi32, #tpu.memory_space<vmem>>[vector<16xi32>], vector<16xi32>,
    %ne3A_658 = arith.constant 1023 : i32
    %ne3A_659 = vector.broadcast %ne3A_658 : i32 to vector<16xi32>
    %ne3A_660 = arith.cmpi ne, %get3A_653, %ne3A_659 : vector<16xi32>
    %ne3A_661 = arith.cmpi ne, %get3A_653, %gather3A_657 : vector<16xi32>
    %and3A_662 = arith.andi %ne3A_660, %ne3A_661 : vector<16xi1>
    %convert_element_type3A_663 = arith.extui %and3A_662 : vector<16xi1> to vector<16xi32>
    %swap3A_664 = arith.constant 160 : index
    %swap3A_665 = tpu.vector_load %arg9[%swap3A_664] {strides = array<i32>} : memref<192xi32, #tpu.memory_space<vmem>>, vector<16xi32>,
    tpu.vector_store %arg9[%swap3A_664], %convert_element_type3A_663 {strides = array<i32>} : memref<192xi32, #tpu.memory_space<vmem>>, vector<16xi32>,
    %get3A_666 = arith.constant 176 : index
    %get3A_667 = tpu.vector_load %arg7[%get3A_666] {strides = array<i32>} : memref<192xi32, #tpu.memory_space<vmem>>, vector<16xi32>,
    %add3A_668 = arith.constant 175 : i32
    %add3A_669 = vector.broadcast %add3A_668 : i32 to vector<16xi32>
    %add3A_670 = arith.addi %add3A_669, %iota3A : vector<16xi32>
    %gather3A_671 = tpu.vector_load_idx %arg7[%add3A_670] : memref<192xi32, #tpu.memory_space<vmem>>[vector<16xi32>], vector<16xi32>,
    %ne3A_672 = arith.constant 1023 : i32
    %ne3A_673 = vector.broadcast %ne3A_672 : i32 to vector<16xi32>
    %ne3A_674 = arith.cmpi ne, %get3A_667, %ne3A_673 : vector<16xi32>
    %ne3A_675 = arith.cmpi ne, %get3A_667, %gather3A_671 : vector<16xi32>
    %and3A_676 = arith.andi %ne3A_674, %ne3A_675 : vector<16xi1>
    %convert_element_type3A_677 = arith.extui %and3A_676 : vector<16xi1> to vector<16xi32>
    %swap3A_678 = arith.constant 176 : index
    %swap3A_679 = tpu.vector_load %arg9[%swap3A_678] {strides = array<i32>} : memref<192xi32, #tpu.memory_space<vmem>>, vector<16xi32>,
    tpu.vector_store %arg9[%swap3A_678], %convert_element_type3A_677 {strides = array<i32>} : memref<192xi32, #tpu.memory_space<vmem>>, vector<16xi32>,
    "tpu.region"() ({
      %run_scoped3A = tpu.sem_alloc : memref<!tpu.dma_semaphore, #tpu.memory_space<semaphore_mem>>
      %dma_start3A_680 = tpu.memref_slice %arg3[%mul3A_2] : memref<6144xi32, #tpu.memory_space<hbm>> -> memref<192xi32, #tpu.memory_space<hbm>>
      %dma_start3A_681 = tpu.memref_slice %arg3[%mul3A_2] : memref<6144xi32, #tpu.memory_space<hbm>> -> memref<192xi32, #tpu.memory_space<hbm>>
      tpu.enqueue_dma source(%arg7 : memref<192xi32, #tpu.memory_space<vmem>>) target(%dma_start3A_681 : memref<192xi32, #tpu.memory_space<hbm>>) target_semaphore(%run_scoped3A : memref<!tpu.dma_semaphore, #tpu.memory_space<semaphore_mem>>)
      %dma_wait3A_682 = tpu.memref_slice %arg3[%mul3A_2] : memref<6144xi32, #tpu.memory_space<hbm>> -> memref<192xi32, #tpu.memory_space<hbm>>
      %dma_wait3A_683 = tpu.memref_slice %arg3[%mul3A_2] : memref<6144xi32, #tpu.memory_space<hbm>> -> memref<192xi32, #tpu.memory_space<hbm>>
      tpu.wait_dma2 semaphore(%run_scoped3A : memref<!tpu.dma_semaphore, #tpu.memory_space<semaphore_mem>>) src(%arg7 : memref<192xi32, #tpu.memory_space<vmem>>) dst(%dma_wait3A_683 : memref<192xi32, #tpu.memory_space<hbm>>)
      tpu.yield
    }) : () -> ()
    "tpu.region"() ({
      %run_scoped3A = tpu.sem_alloc : memref<!tpu.dma_semaphore, #tpu.memory_space<semaphore_mem>>
      %dma_start3A_680 = tpu.memref_slice %arg4[%mul3A_2] : memref<6144xi32, #tpu.memory_space<hbm>> -> memref<192xi32, #tpu.memory_space<hbm>>
      %dma_start3A_681 = tpu.memref_slice %arg4[%mul3A_2] : memref<6144xi32, #tpu.memory_space<hbm>> -> memref<192xi32, #tpu.memory_space<hbm>>
      tpu.enqueue_dma source(%arg9 : memref<192xi32, #tpu.memory_space<vmem>>) target(%dma_start3A_681 : memref<192xi32, #tpu.memory_space<hbm>>) target_semaphore(%run_scoped3A : memref<!tpu.dma_semaphore, #tpu.memory_space<semaphore_mem>>)
      %dma_wait3A_682 = tpu.memref_slice %arg4[%mul3A_2] : memref<6144xi32, #tpu.memory_space<hbm>> -> memref<192xi32, #tpu.memory_space<hbm>>
      %dma_wait3A_683 = tpu.memref_slice %arg4[%mul3A_2] : memref<6144xi32, #tpu.memory_space<hbm>> -> memref<192xi32, #tpu.memory_space<hbm>>
      tpu.wait_dma2 semaphore(%run_scoped3A : memref<!tpu.dma_semaphore, #tpu.memory_space<semaphore_mem>>) src(%arg9 : memref<192xi32, #tpu.memory_space<vmem>>) dst(%dma_wait3A_683 : memref<192xi32, #tpu.memory_space<hbm>>)
      tpu.yield
    }) : () -> ()
    "tpu.region"() ({
      %run_scoped3A = tpu.sem_alloc : memref<!tpu.dma_semaphore, #tpu.memory_space<semaphore_mem>>
      %dma_start3A_680 = tpu.memref_slice %arg5[%mul3A_2] : memref<6144xf32, #tpu.memory_space<hbm>> -> memref<192xf32, #tpu.memory_space<hbm>>
      %dma_start3A_681 = tpu.memref_slice %arg5[%mul3A_2] : memref<6144xf32, #tpu.memory_space<hbm>> -> memref<192xf32, #tpu.memory_space<hbm>>
      tpu.enqueue_dma source(%arg8 : memref<192xf32, #tpu.memory_space<vmem>>) target(%dma_start3A_681 : memref<192xf32, #tpu.memory_space<hbm>>) target_semaphore(%run_scoped3A : memref<!tpu.dma_semaphore, #tpu.memory_space<semaphore_mem>>)
      %dma_wait3A_682 = tpu.memref_slice %arg5[%mul3A_2] : memref<6144xf32, #tpu.memory_space<hbm>> -> memref<192xf32, #tpu.memory_space<hbm>>
      %dma_wait3A_683 = tpu.memref_slice %arg5[%mul3A_2] : memref<6144xf32, #tpu.memory_space<hbm>> -> memref<192xf32, #tpu.memory_space<hbm>>
      tpu.wait_dma2 semaphore(%run_scoped3A : memref<!tpu.dma_semaphore, #tpu.memory_space<semaphore_mem>>) src(%arg8 : memref<192xf32, #tpu.memory_space<vmem>>) dst(%dma_wait3A_683 : memref<192xf32, #tpu.memory_space<hbm>>)
      tpu.yield
    }) : () -> ()
    return
  }
}

module attributes {stable_mosaic.version = 14 : i64} {
  func.func @_tc_body(%arg0: i32, %arg1: memref<2048x1024xf32, #tpu.memory_space<vmem>>, %arg2: memref<2048xi32, #tpu.memory_space<vmem>>, %arg3: memref<2048xi32, #tpu.memory_space<vmem>>, %arg4: memref<2048xf32, #tpu.memory_space<vmem>>, %arg5: memref<1xi32, #tpu.memory_space<smem>>) attributes {dimension_semantics = [#tpu.dimension_semantics<arbitrary>], iteration_bounds = array<i64: 13>, scalar_prefetch = 0 : i64, scratch_operands = 1 : i64, tpu.core_type = #tpu.core_type<tc>, window_params = [{transform_indices = @transform_0, window_bounds = array<i64: 2048, 1024>}, {transform_indices = @transform_1, window_bounds = array<i64: 2048>}, {transform_indices = @transform_2, window_bounds = array<i64: 2048>}, {transform_indices = @transform_3, window_bounds = array<i64: 2048>}]} {
    %eq3A = arith.constant 0 : i32
    %eq3A_0 = arith.cmpi eq, %arg0, %eq3A : i32
    %convert_element_type3A = arith.extui %eq3A_0 : i1 to i32
    %cond3A = arith.constant 0 : i32
    %cond3A_1 = arith.cmpi ne, %convert_element_type3A, %cond3A : i32
    scf.if %cond3A_1 {
      %swap3A_86 = arith.constant -1 : i32
      %swap3A_87 = arith.constant 0 : index
      %swap3A_88 = memref.load %arg5[%swap3A_87] : memref<1xi32, #tpu.memory_space<smem>>
      memref.store %swap3A_86, %arg5[%swap3A_87] : memref<1xi32, #tpu.memory_space<smem>>
    } else {
    }
    %get3A = arith.constant 0 : index
    %get3A_2 = arith.constant 0 : index
    %get3A_3 = vector.load %arg1[%get3A, %get3A_2] : memref<2048x1024xf32, #tpu.memory_space<vmem>>, vector<2048x128xf32>
    %broadcast_in_dim3A = arith.constant 0 : i32
    %broadcast_in_dim3A_4 = vector.broadcast %broadcast_in_dim3A : i32 to vector<2048x128xi32>
    %get3A_5 = arith.constant 0 : index
    %get3A_6 = arith.constant 128 : index
    %get3A_7 = vector.load %arg1[%get3A_5, %get3A_6] : memref<2048x1024xf32, #tpu.memory_space<vmem>>, vector<2048x128xf32>
    %gt3A = arith.cmpf ogt, %get3A_7, %get3A_3 : vector<2048x128xf32>
    %select_n3A = arith.select %gt3A, %get3A_7, %get3A_3 : vector<2048x128xi1>, vector<2048x128xf32>
    %jit3A = arith.constant 1 : i32
    %broadcast_in_dim3A_8 = vector.broadcast %jit3A : i32 to vector<2048x128xi32>
    %select_n3A_9 = arith.select %gt3A, %broadcast_in_dim3A_8, %broadcast_in_dim3A_4 : vector<2048x128xi1>, vector<2048x128xi32>
    %get3A_10 = arith.constant 0 : index
    %get3A_11 = arith.constant 256 : index
    %get3A_12 = vector.load %arg1[%get3A_10, %get3A_11] : memref<2048x1024xf32, #tpu.memory_space<vmem>>, vector<2048x128xf32>
    %gt3A_13 = arith.cmpf ogt, %get3A_12, %select_n3A : vector<2048x128xf32>
    %select_n3A_14 = arith.select %gt3A_13, %get3A_12, %select_n3A : vector<2048x128xi1>, vector<2048x128xf32>
    %jit3A_15 = arith.constant 2 : i32
    %broadcast_in_dim3A_16 = vector.broadcast %jit3A_15 : i32 to vector<2048x128xi32>
    %select_n3A_17 = arith.select %gt3A_13, %broadcast_in_dim3A_16, %select_n3A_9 : vector<2048x128xi1>, vector<2048x128xi32>
    %get3A_18 = arith.constant 0 : index
    %get3A_19 = arith.constant 384 : index
    %get3A_20 = vector.load %arg1[%get3A_18, %get3A_19] : memref<2048x1024xf32, #tpu.memory_space<vmem>>, vector<2048x128xf32>
    %gt3A_21 = arith.cmpf ogt, %get3A_20, %select_n3A_14 : vector<2048x128xf32>
    %select_n3A_22 = arith.select %gt3A_21, %get3A_20, %select_n3A_14 : vector<2048x128xi1>, vector<2048x128xf32>
    %jit3A_23 = arith.constant 3 : i32
    %broadcast_in_dim3A_24 = vector.broadcast %jit3A_23 : i32 to vector<2048x128xi32>
    %select_n3A_25 = arith.select %gt3A_21, %broadcast_in_dim3A_24, %select_n3A_17 : vector<2048x128xi1>, vector<2048x128xi32>
    %get3A_26 = arith.constant 0 : index
    %get3A_27 = arith.constant 512 : index
    %get3A_28 = vector.load %arg1[%get3A_26, %get3A_27] : memref<2048x1024xf32, #tpu.memory_space<vmem>>, vector<2048x128xf32>
    %gt3A_29 = arith.cmpf ogt, %get3A_28, %select_n3A_22 : vector<2048x128xf32>
    %select_n3A_30 = arith.select %gt3A_29, %get3A_28, %select_n3A_22 : vector<2048x128xi1>, vector<2048x128xf32>
    %jit3A_31 = arith.constant 4 : i32
    %broadcast_in_dim3A_32 = vector.broadcast %jit3A_31 : i32 to vector<2048x128xi32>
    %select_n3A_33 = arith.select %gt3A_29, %broadcast_in_dim3A_32, %select_n3A_25 : vector<2048x128xi1>, vector<2048x128xi32>
    %get3A_34 = arith.constant 0 : index
    %get3A_35 = arith.constant 640 : index
    %get3A_36 = vector.load %arg1[%get3A_34, %get3A_35] : memref<2048x1024xf32, #tpu.memory_space<vmem>>, vector<2048x128xf32>
    %gt3A_37 = arith.cmpf ogt, %get3A_36, %select_n3A_30 : vector<2048x128xf32>
    %select_n3A_38 = arith.select %gt3A_37, %get3A_36, %select_n3A_30 : vector<2048x128xi1>, vector<2048x128xf32>
    %jit3A_39 = arith.constant 5 : i32
    %broadcast_in_dim3A_40 = vector.broadcast %jit3A_39 : i32 to vector<2048x128xi32>
    %select_n3A_41 = arith.select %gt3A_37, %broadcast_in_dim3A_40, %select_n3A_33 : vector<2048x128xi1>, vector<2048x128xi32>
    %get3A_42 = arith.constant 0 : index
    %get3A_43 = arith.constant 768 : index
    %get3A_44 = vector.load %arg1[%get3A_42, %get3A_43] : memref<2048x1024xf32, #tpu.memory_space<vmem>>, vector<2048x128xf32>
    %gt3A_45 = arith.cmpf ogt, %get3A_44, %select_n3A_38 : vector<2048x128xf32>
    %select_n3A_46 = arith.select %gt3A_45, %get3A_44, %select_n3A_38 : vector<2048x128xi1>, vector<2048x128xf32>
    %jit3A_47 = arith.constant 6 : i32
    %broadcast_in_dim3A_48 = vector.broadcast %jit3A_47 : i32 to vector<2048x128xi32>
    %select_n3A_49 = arith.select %gt3A_45, %broadcast_in_dim3A_48, %select_n3A_41 : vector<2048x128xi1>, vector<2048x128xi32>
    %get3A_50 = arith.constant 0 : index
    %get3A_51 = arith.constant 896 : index
    %get3A_52 = vector.load %arg1[%get3A_50, %get3A_51] : memref<2048x1024xf32, #tpu.memory_space<vmem>>, vector<2048x128xf32>
    %gt3A_53 = arith.cmpf ogt, %get3A_52, %select_n3A_46 : vector<2048x128xf32>
    %select_n3A_54 = arith.select %gt3A_53, %get3A_52, %select_n3A_46 : vector<2048x128xi1>, vector<2048x128xf32>
    %jit3A_55 = arith.constant 7 : i32
    %broadcast_in_dim3A_56 = vector.broadcast %jit3A_55 : i32 to vector<2048x128xi32>
    %select_n3A_57 = arith.select %gt3A_53, %broadcast_in_dim3A_56, %select_n3A_49 : vector<2048x128xi1>, vector<2048x128xi32>
    %transpose3A = tpu.transpose %select_n3A_54, [1, 0] : vector<2048x128xf32> -> vector<128x2048xf32>
    %transpose3A_58 = tpu.transpose %select_n3A_57, [1, 0] : vector<2048x128xi32> -> vector<128x2048xi32>
    %reduce_max3A = arith.constant dense<0xFF800000> : vector<2048xf32>
    %reduce_max3A_59 = vector.multi_reduction <maximumf>, %transpose3A, %reduce_max3A [0] : vector<128x2048xf32> to vector<2048xf32>
    %iota3A = tpu.iota {dimensions = array<i32: 0>} : vector<128x2048xi32>
    %mul3A = arith.constant 128 : i32
    %mul3A_60 = vector.broadcast %mul3A : i32 to vector<128x2048xi32>
    %mul3A_61 = arith.muli %transpose3A_58, %mul3A_60 : vector<128x2048xi32>
    %add3A = arith.addi %mul3A_61, %iota3A : vector<128x2048xi32>
    %broadcast_in_dim3A_62 = vector.shape_cast %reduce_max3A_59 : vector<2048xf32> to vector<1x2048xf32>
    %eq3A_63 = vector.broadcast %broadcast_in_dim3A_62 : vector<1x2048xf32> to vector<128x2048xf32>
    %eq3A_64 = arith.cmpf oeq, %transpose3A, %eq3A_63 : vector<128x2048xf32>
    %jit3A_65 = arith.constant 1024 : i32
    %broadcast_in_dim3A_66 = vector.broadcast %jit3A_65 : i32 to vector<128x2048xi32>
    %select_n3A_67 = arith.select %eq3A_64, %add3A, %broadcast_in_dim3A_66 : vector<128x2048xi1>, vector<128x2048xi32>
    %reduce_min3A = arith.constant dense<2147483647> : vector<2048xi32>
    %reduce_min3A_68 = vector.multi_reduction <minsi>, %select_n3A_67, %reduce_min3A [0] : vector<128x2048xi32> to vector<2048xi32>
    %get3A_69 = arith.constant 0 : index
    %get3A_70 = memref.load %arg5[%get3A_69] : memref<1xi32, #tpu.memory_space<smem>>
    %broadcast_in_dim3A_71 = vector.broadcast %get3A_70 : i32 to vector<1xi32>
    %slice3A = vector.extract_strided_slice %reduce_min3A_68 {offsets = [0], sizes = [2047], strides = [1]} : vector<2048xi32> to vector<2047xi32>
    %concatenate3A = tpu.concatenate %broadcast_in_dim3A_71, %slice3A in 0 : vector<1xi32>, vector<2047xi32> -> vector<2048xi32>
    %ne3A = arith.constant 1023 : i32
    %ne3A_72 = vector.broadcast %ne3A : i32 to vector<2048xi32>
    %ne3A_73 = arith.cmpi ne, %reduce_min3A_68, %ne3A_72 : vector<2048xi32>
    %ne3A_74 = arith.cmpi ne, %reduce_min3A_68, %concatenate3A : vector<2048xi32>
    %and3A = arith.andi %ne3A_73, %ne3A_74 : vector<2048xi1>
    %swap3A = arith.constant 0 : index
    %swap3A_75 = vector.load %arg2[%swap3A] : memref<2048xi32, #tpu.memory_space<vmem>>, vector<2048xi32>
    tpu.vector_store %arg2[%swap3A], %reduce_min3A_68 {strides = array<i32>} : memref<2048xi32, #tpu.memory_space<vmem>>, vector<2048xi32>,
    %swap3A_76 = arith.constant 0 : index
    %swap3A_77 = vector.load %arg3[%swap3A_76] : memref<2048xi32, #tpu.memory_space<vmem>>, vector<2048xi32>
    %swap3A_78 = arith.extui %and3A : vector<2048xi1> to vector<2048xi32>
    %swap3A_79 = arith.constant dense<0> : vector<2048xi32>
    %swap3A_80 = arith.cmpi ne, %swap3A_77, %swap3A_79 : vector<2048xi32>
    tpu.vector_store %arg3[%swap3A_76], %swap3A_78 {strides = array<i32>} : memref<2048xi32, #tpu.memory_space<vmem>>, vector<2048xi32>,
    %swap3A_81 = arith.constant 0 : index
    %swap3A_82 = vector.load %arg4[%swap3A_81] : memref<2048xf32, #tpu.memory_space<vmem>>, vector<2048xf32>
    tpu.vector_store %arg4[%swap3A_81], %reduce_max3A_59 {strides = array<i32>} : memref<2048xf32, #tpu.memory_space<vmem>>, vector<2048xf32>,
    %slice3A_83 = vector.extract_strided_slice %reduce_min3A_68 {offsets = [2047], sizes = [1], strides = [1]} : vector<2048xi32> to vector<1xi32>
    %squeeze3A = vector.extract %slice3A_83[0] : i32 from vector<1xi32>
    %swap3A_84 = arith.constant 0 : index
    %swap3A_85 = memref.load %arg5[%swap3A_84] : memref<1xi32, #tpu.memory_space<smem>>
    memref.store %squeeze3A, %arg5[%swap3A_84] : memref<1xi32, #tpu.memory_space<smem>>
    return
  }
  func.func @transform_0(%arg0: i32) -> (i32, i32) {
    %add3A = arith.constant 3 : i32
    %add3A_0 = arith.addi %arg0, %add3A : i32
    %c0_i32 = arith.constant 0 : i32
    %c0_i32_1 = arith.constant 0 : i32
    return %add3A_0, %c0_i32 : i32, i32
  }
  func.func @transform_1(%arg0: i32) -> i32 {
    %c0_i32 = arith.constant 0 : i32
    return %arg0 : i32
  }
  func.func @transform_2(%arg0: i32) -> i32 {
    %c0_i32 = arith.constant 0 : i32
    return %arg0 : i32
  }
  func.func @transform_3(%arg0: i32) -> i32 {
    %c0_i32 = arith.constant 0 : i32
    return %arg0 : i32
  }
}

</mosaic_0001>

<sc_bundles>
// kernel: kernel.4.cloned.1.call-start
scs
__scs_entry_jumppad:
0x0: {  	(pc) =	sbr.rel $0x88, $3  }
0x1: {  	(tag) =	ssettag $0x0;
	lr =	simm.s32 $0x1  }
0x2: {  	[smem:$0x3FA0] =	sst lr;
	_ =	strace $0xD0000000  }
0x3: {  	_ = 	snop  }
0x4: {  	_ = 	snop  }
0x5: {  	_ = 	snop  }
0x6: {  	_ = 	snop  }
0x7: {  	_ = 	snop  }
__scs_overlays_trampoline_lowered:
0x8: {  	[smem:$0x3FAF] =	sst s0  }
0x9: {  	[smem:$0x3FB0] =	sst s1  }
0xa: {  	[smem:$0x3FB1] =	sst s2  }
0xb: {  	[smem:$0x3FB2] =	sst s3  }
0xc: {  	[smem:$0x3FB3] =	sst s4  }
0xd: {  	[smem:$0x3FB4] =	sst s5  }
0xe: {  	[smem:$0x3FB5] =	sst s6  }
0xf: {  	[smem:$0x3FB6] =	sst s7  }
0x10: {  	[smem:$0x3FB7] =	sst s8  }
0x11: {  	[smem:$0x3FB8] =	sst s9;
	s0 =	simm.s32 @!p0 $0x0  }
0x12: {  	s1 =	sld [smem:$0x3F9E];
	s0 =	simm.s32 @p0 $0x1  }
0x13: {  	[smem:$0x3FB9] =	sst s0;
	s0 =	simm.s32 @!p1 $0x0  }
0x14: {  	s2 =	sld [smem:$0x3F9D];
	s0 =	simm.s32 @p1 $0x1  }
0x15: {  	[smem:$0x3FBA] =	sst s0;
	s0 =	simm.s32 @!p2 $0x0  }
0x16: {  	s3 =	sld [smem:$0x3FDB];
	s0 =	simm.s32 @p2 $0x1  }
0x17: {  	s4 =	simm.s32 $0x1BF5;
	[smem:$0x3FBC] =	sst s0  }
0x18: {  	s0 =	sld [smem:$0x3F9F];
	_ =	swait.ge [sflag:s4], $0x0  }
0x19: {  	s7 =	sld [smem:$0x3FA0]  }
0x1a: {  	s8 =	sadd.s32 $0xFFFFE003, lr  }
0x1b: {  	s9 =	sadd.s32 $0xFFFFFEF7, lr;
	s5 =	simm.s32 $0xFFFFFFFF;
	p2 =	slt.u32 s8, $0xFFFFF086  }
0x1c: {  	p1 =	slt.u32 s9, $0xF7A;
	s5 =	simm.s32 @!p2 $0x0  }
0x1d: {  	s5 =	simm.s32 @p1 $0x1;
	p0 =	seq.s32 s7, s2  }
0x1e: {  	s7 =	smul.u32 @!p0 $0xF7A, s2;
	p2 =	seq.s32 @!p0 s5, $0x0  }
0x1f: {  	s9 =	smul.u32 $0xF7A, s1;
	s8 =	simm.s32 @!p0 $0x1BF5;
	p2 =	por !p2, p0  }
0x20: {  	[sflag:s8] =	ssyncset.s32 @!p0 $0xFFFFF086;
	s6 =	sadd.s32 @!p0 s3, s7;
	s7 =	simm.s32 @!p0 $0x108  }
0x21: {  	s3 =	sadd.s32 s3, s9;
	s6 =	sadd.s32 @!p0 $0x88, s6;
	s7 =	simm.s32 @p2 $0x1082  }
0x22: {  	[simem:s7], [sflag:s8] =	dma.local @!p0 [hbm:s6], $0xF7A  }
0x23: {  	s9 =	sor.u32 $0xD0000000, s2;
	s6 =	simm.s32 $0x108;
	_ =	swait.ge @!p0 [sflag:s8], $0x0  }
0x24: {  	s3 =	sadd.s32 $0x88, s3;
	s6 =	simm.s32 @!p1 $0x1082;
	[sflag:s4] =	ssyncset.s32 $0xFFFFF086  }
0x25: {  	[simem:s6], [sflag:s4] =	dma.local [hbm:s3], $0xF7A  }
0x26: {  	[smem:$0x3FA0] =	sst s1;
	(tag) =	ssettag s2;
	_ =	strace s9  }
0x27: {  	s1 =	sld [smem:$0x3FB0]  }
0x28: {  	s2 =	sld [smem:$0x3FB1]  }
0x29: {  	s4 =	sld [smem:$0x3FB3]  }
0x2a: {  	p0 =	seq.s32 s5, $0x0;
	s5 =	sld [smem:$0x3FB4]  }
0x2b: {  	s6 =	sld [smem:$0x3FB5]  }
0x2c: {  	s7 =	sld [smem:$0x3FB6]  }
0x2d: {  	s3 =	simm.s32 $0x108;
	s8 =	sld [smem:$0x3FB7]  }
0x2e: {  	s3 =	simm.s32 @!p0 $0x1082;
	s9 =	sld [smem:$0x3FB8]  }
0x2f: {  	lr =	sadd.s32 s0, s3;
	s0 =	sld [smem:$0x3FAF]  }
0x30: {  	s3 =	sld [smem:$0x3FB2]  }
0x31: {  	[smem:$0x3FBB] =	sst s10  }
0x32: {  	s10 =	sld [smem:$0x3FB9];
	_ =	sdelay $0x3  }
0x33: {  	p0 =	seq.s32 s10, $0x1;
	s10 =	sld [smem:$0x3FBB];
	_ =	sdelay $0x3  }
0x34: {  	[smem:$0x3FBB] =	sst s10  }
0x35: {  	s10 =	sld [smem:$0x3FBA];
	_ =	sdelay $0x3  }
0x36: {  	p1 =	seq.s32 s10, $0x1;
	s10 =	sld [smem:$0x3FBB];
	_ =	sdelay $0x3  }
0x37: {  	[smem:$0x3FBB] =	sst s10  }
0x38: {  	s10 =	sld [smem:$0x3FBC]  }
0x39: {  	_ = 	snop;
	(pc) =	sbr.ind lr, $3  }
0x3a: {  	_ = 	snop  }
0x3b: {  	_ = 	snop  }
0x3c: {  	p2 =	seq.s32 s10, $0x1;
	s10 =	sld [smem:$0x3FBB]  }
0x3d: {  	_ =	shalt  }
0x3e: {  	_ =	shalt  }
0x3f: {  	_ =	shalt  }
0x40: {  	_ =	shalt  }
0x41: {  	_ =	shalt  }
0x42: {  	_ =	shalt  }
0x43: {  	_ =	shalt  }
0x44: {  	_ =	shalt  }
0x45: {  	_ =	shalt  }
0x46: {  	_ =	shalt  }
0x47: {  	_ =	shalt  }
0x48: {  	_ =	shalt  }
0x49: {  	_ =	shalt  }
0x4a: {  	_ =	shalt  }
0x4b: {  	_ =	shalt  }
0x4c: {  	_ =	shalt  }
0x4d: {  	_ =	shalt  }
0x4e: {  	_ =	shalt  }
0x4f: {  	_ =	shalt  }
0x50: {  	_ =	shalt  }
0x51: {  	_ =	shalt  }
0x52: {  	_ =	shalt  }
0x53: {  	_ =	shalt  }
0x54: {  	_ =	shalt  }
0x55: {  	_ =	shalt  }
0x56: {  	_ =	shalt  }
0x57: {  	_ =	shalt  }
0x58: {  	_ =	shalt  }
0x59: {  	_ =	shalt  }
0x5a: {  	_ =	shalt  }
0x5b: {  	_ =	shalt  }
0x5c: {  	_ =	shalt  }
0x5d: {  	_ =	shalt  }
0x5e: {  	_ =	shalt  }
0x5f: {  	_ =	shalt  }
0x60: {  	_ =	shalt  }
0x61: {  	_ =	shalt  }
0x62: {  	_ =	shalt  }
0x63: {  	_ =	shalt  }
0x64: {  	_ =	shalt  }
0x65: {  	_ =	shalt  }
0x66: {  	_ =	shalt  }
0x67: {  	_ =	shalt  }
0x68: {  	_ =	shalt  }
0x69: {  	_ =	shalt  }
0x6a: {  	_ =	shalt  }
0x6b: {  	_ =	shalt  }
0x6c: {  	_ =	shalt  }
0x6d: {  	_ =	shalt  }
0x6e: {  	_ =	shalt  }
0x6f: {  	_ =	shalt  }
0x70: {  	_ =	shalt  }
0x71: {  	_ =	shalt  }
0x72: {  	_ =	shalt  }
0x73: {  	_ =	shalt  }
0x74: {  	_ =	shalt  }
0x75: {  	_ =	shalt  }
0x76: {  	_ =	shalt  }
0x77: {  	_ =	shalt  }
0x78: {  	_ =	shalt  }
0x79: {  	_ =	shalt  }
0x7a: {  	_ =	shalt  }
0x7b: {  	_ =	shalt  }
0x7c: {  	_ =	shalt  }
0x7d: {  	_ =	shalt  }
0x7e: {  	_ =	shalt  }
0x7f: {  	_ =	shalt  }
0x80: {  	_ =	shalt  }
0x81: {  	_ =	shalt  }
0x82: {  	_ =	shalt  }
0x83: {  	_ =	shalt  }
0x84: {  	_ =	shalt  }
0x85: {  	_ =	shalt  }
0x86: {  	_ =	shalt  }
0x87: {  	_ =	shalt  }
.Lfunc_end0:
.L_simem_size_0:
called_computation_lowered:
.L_overlay_start_0:
0x88: {  	s2 =	sld [smem:$0x3FD9]  }
0x89: {  	s3 =	sld [smem:$0x3FFE];
	_ =	sdelay $0x1  }
0x8a: {  	s1 =	srdreg.scid  }
0x8b: {  	s0 =	sand.u32 $0x1, s1  }
0x8c: {  	s14 =	sshll.u32 s0, $0xA;
	s2 =	sadd.s32 s3, s2  }
0x8d: {  	s2 =	sadd.s32 s2, s14  }
0x8e: {  	[smem:$0x3FC7] =	sst s2  }
0x8f: {  	_ = 	snop  }
0x90: {  	s2 =	sld [smem:$0x3FD0];
	_ =	sdelay $0x2  }
0x91: {  	s15 =	simm.s32 $0xA;
	s4 =	simm.s32 $0x10  }
0x92: {  	[smem:s4], [sflag:s15] =	dma.local [hbm:s2], $0x1  }
0x93: {  	_ =	swait.eq [sflag:s15], $0x1  }
0x94: {  	[sflag:s15] =	ssyncset.done $0x0  }
0x95: {  	s16 =	sld [smem:$0x11];
	[sflag:s15] =	ssyncadd.s32 $0xFFFFFFFF  }
0x96: {  	s17 =	sld [smem:$0x12];
	(tm) =	ssettm $0x1  }
0x97: {  	s18 =	sld [smem:$0x3FFB];
	_ =	sdelay $0x3  }
0x98: {  	_ =	strace s18  }
0x99: {  	s4 =	sld [smem:$0x3FFC];
	_ =	sdelay $0x3  }
0x9a: {  	_ =	strace s4  }
0x9b: {  	s4 =	sld [smem:$0x3FFD];
	_ =	sdelay $0x3  }
0x9c: {  	_ =	strace s4  }
0x9d: {  	_ =	strace $0x8FFFFFFF  }
0x9e: {  	s19 =	sld [smem:$0x3FDB];
	_ =	sdelay $0x1  }
0x9f: {  	s5 =	simm.s32 $_scs_section_size  }
0xa0: {  	s6 =	simm.s32 $_size__tile_overlayer_lowered;
	s7 =	simm.s32 $_tile_overlayer_lowered  }
0xa1: {  	s22 =	simm.s32 $0x1BFF;
	s21 =	sshll.u32 s7, $0x1;
	s4 =	sadd.s32 s5, s19  }
0xa2: {  	s8 =	simm.s32 $0x0;
	s20 =	sshll.u32 s6, $0x1;
	s6 =	sadd.s32 s21, s4  }
0xa3: {  	[timem:s8], [sflag:s22] =	dma.local [hbm:s6], s20  }
0xa4: {  	_ =	swait.ge [sflag:s22], s20  }
0xa5: {  	s5 =	ssub.s32 $0x0, s20;
	[sflag:s22] =	ssyncset.done $0x0  }
0xa6: {  	[sflag:s22] =	ssyncadd.s32 s5;
	_ =	sdelay $0x1  }
0xa7: {  	s23 =	simm.s32 $0x1B8B  }
0xa8: {  	_ =	swait.ge [sflag:s23], $0x1  }
0xa9: {  	[sflag:s23] =	ssyncset.done $0x0  }
0xaa: {  	s25 =	simm.s32 $0x1B8E;
	s24 =	sld [smem:$0x3FFE];
	[sflag:s23] =	ssyncadd.s32 $0xFFFFFFFF  }
0xab: {  	s26 =	simm.s32 $execute0_lowered;
	[smem:$0x3FD2] =	sst s25  }
0xac: {  	s6 =	sshll.u32 s26, $0x1;
	_ =	strace $0x80000046;
	[dreg:$0x1] =	wrdreg $0xFFFFFFFF  }
0xad: {  	s28 =	simm.s32 $_size_execute0_lowered;
	s4 =	sadd.s32 s4, s6;
	[dreg:$0x0] =	wrdreg $0x0  }
0xae: {  	s6 =	sshll.u32 s28, $0x1;
	[dreg:$0x2] =	wrdreg s4  }
0xaf: {  	[dreg:$0x3] =	wrdreg s6  }
0xb0: {  	[dreg:$0x4] =	wrdreg $0xC0  }
0xb1: {  	_ =	task [dreg:s8], $0x5FFFF  }
0xb2: {  	[dreg:$0x1] =	wrdreg $0xFFFFFFFF  }
0xb3: {  	[dreg:$0x0] =	wrdreg $0x60  }
0xb4: {  	[dreg:$0x2] =	wrdreg s24  }
0xb5: {  	[dreg:$0x3] =	wrdreg s16  }
0xb6: {  	[dreg:$0x4] =	wrdreg s17  }
0xb7: {  	[dreg:$0x5] =	wrdreg $0x9  }
0xb8: {  	_ =	task.clear_ibuf [dreg:s8], $0x6FFFF;
	_ =	strace $0x90000046  }
0xb9: {  	s29 =	simm.s32 $0x9;
	_ =	strace $0x80000048  }
0xba: {  	_ =	swait.ge [sflag:s29], $0x1  }
0xbb: {  	[sflag:s29] =	ssyncadd.s32 $0xFFFFFFFF  }
0xbc: {  	_ =	strace $0x90000048  }
0xbd: {  	_ =	sfence  }
0xbe: {  	s30 =	sld [smem:$0x0];
	_ =	sdelay $0x2  }
0xbf: {  	s31 =	sshll.u32 s1, $0xD;
	s1 =	sshrl.u32 s1, $0x2  }
0xc0: {  	s3 =	sand.u32 $0x4000, s31;
	s1 =	sadd.s32 s1, s30  }
0xc1: {  	s0 =	sor.u32 s3, s0;
	s1 =	sshll.u32 s1, $0x11  }
0xc2: {  	s0 =	sor.u32 s1, s0  }
0xc3: {  	s0 =	sadd.s32 $0x8F2B, s0  }
0xc4: {  	[sflag:s0] =	ssyncadd.remote.s32 $0x1  }
0xc5: {  	_ =	sfence.sel $0xFFFF  }
0xc6: {  	[dreg:$0x0] =	wrdreg $0xFFFFFFFF;
	(pc) =	sbr.abs _section_cstart, $3  }
0xc7: {  	[dreg:$0x1] =	wrdreg $0xFFFFFFFF  }
0xc8: {  	_ =	task.clear_ibuf [dreg:s8], $0x2FFFF;
	_ =	strace $0x9FFFFFFF  }
0xc9: {  	(tm) =	ssettm $0x7FFFFFFF  }
tec
execute0_lowered:
.L_overlay_start_1:
0x0: {  	(tag) =	ssettag $0x1  }
0x1: {  	s3 =	rddreg [dreg:$0x0]  }
0x2: {  	s0 =	srdreg.scid;
	s10 =	rddreg [dreg:$0x1]  }
0x3: {  	s11 =	rddreg [dreg:$0x2];
	s1 =	stileid.u32  }
0x4: {  	s2 =	simm.s32 $0x0;
	s16 =	simm.s32 $0x8100;
	s17 =	simm.s32 $0x10200  }
0x5: {  	s18 =	simm.s32 $0x3;
	s19 =	simm.s32 $0x10380;
	s4 =	sand.u32 $0x1, s0  }
0x6: {  	s20 =	simm.s32 $0x102C0;
	s0 =	rddreg [dreg:$0x3];
	s5 =	sshll.u32 s4, $0x4  }
0x7: {  	v0 =	vlaneseq.u32;
	v9 =	vimm.s32 $0x0;
	s21 =	simm.s32 $0x0;
	[smem:$0x7FF] =	sst s2;
	s14 =	sor.u32 s1, s5  }
0x8: {  	v11 =	vimm.s32 $0xEDCBA987;
	v10 =	vimm.s32 $0x3;
	v1 =	vmul.u32 $0x408, v0;
	s6 =	sadd.s32 $0xA00, s3;
	s30 =	ssub.s32 $0x2, s4;
	s12 =	smul.u32 $0x18, s14  }
0x9: {  	v13 =	vimm.s32 $0x65432100;
	v12 =	vimm.s32 $0x7;
	v15 =	vunpack.c.l.s4.s8 v11;
	_ =	strace $0x80000047;
	s4 =	sshrl.u32 s30, $0x1;
	s5 =	smul.u32 $0x30000, s14  }
0xa: {  	v11 =	vimm.s32 $0x5;
	v17 =	vunpack.c.l.s4.s8 v13;
	v2 =	vor.u32 $0x1, v1;
	s8 =	smul.u32 $0x6000, s14;
	s15 =	ssub.s32 s30, s4;
	p0 =	seq.s32 s14, $0x0  }
0xb: {  	v3 =	vor.u32 $0x2, v1;
	v4 =	vor.u32 $0x3, v1;
	v5 =	vor.u32 $0x4, v1;
	s14 =	simm.s32 $0x1;
	s13 =	sadd.s32 s12, s3;
	s7 =	sadd.s32 $0xFFFFFC00, s5  }
0xc: {  	v6 =	vor.u32 $0x5, v1;
	v7 =	vor.u32 $0x6, v1;
	v8 =	vor.u32 $0x7, v1;
	s5 =	sshrl.u32 s5, $0x3;
	s4 =	sadd.s32 s6, s8;
	s10 =	sadd.s32 s10, s12  }
0xd: {  	v13 =	vadd.s32 $0x4080, v1;
	v14 =	vadd.s32 $0x4081, v1;
	v19 =	vunpack.c.0.s8.s32 v15;
	s11 =	sadd.s32 s11, s12;
	s31 =	sshrl.u32 s7, $0x3;
	s9 =	sadd.s32 s6, s5  }
0xe: {  	v15 =	vadd.s32 $0x4082, v1;
	v16 =	vadd.s32 $0x4083, v1;
	v21 =	vunpack.c.0.s8.s32 v17;
	s5 =	sadd.s32 $0x1000, s4;
	s12 =	sadd.s32 $0xC0A00, s13;
	s13 =	smax.u32 s15, $0x1  }
0xf: {  	v17 =	vadd.s32 $0x4084, v1;
	v18 =	vadd.s32 $0x4085, v1;
	v22 =	vand.u32 $0xF, v19;
	s15 =	simm.s32 $0x2;
	s3 =	sadd.s32 s6, s31;
	s6 =	sadd.s32 $0x2000, s9  }
0x10: {  	v20 =	vadd.s32 $0x4087, v1;
	v19 =	vadd.s32 $0x4086, v1;
	v21 =	vcombine.low v21, v22;
	s7 =	sadd.s32 $0x3000, s9;
	s8 =	sadd.s32 $0x4000, s9;
	s9 =	sadd.s32 $0x5000, s9  }
.LBB2_1:
0x11: {  	s22 =	simm.s32 @!p0 $0x0;
	s23 =	simm.s32 @!p0 $0x10440  }
0x12: {  	[tilespmem:s23], [sflag:$0x3] =	stream.linear.gather @!p0 [hbm4b:s3+s22], $0x400, $0x38;
	[tilespmem:$0x10840] =	vst v63  }
0x13: {  	s22 =	simm.s32 @!p0 $0x3  }
0x14: {  	_ =	swait.ge @!p0 [sflag:s22], $0x400  }
0x15: {  	[sflag:s22] =	ssyncset.done @!p0 $0x0  }
0x16: {  	[sflag:s22] =	ssyncadd.s32 @!p0 $0xFFFFFC00  }
0x17: {  	s30 =	simm.s32 $0x10450;
	v22 =	vld [tilespmem:$0x10440]  }
0x18: {  	v23 =	vld [tilespmem:s30+$0x0];
	_ =	sdelay $0x3  }
0x19: {  	s31 =	simm.s32 $0x10  }
0x1a: {  	v24 =	vlaneseq.u32;
	v25 =	vor.u32 s31, v0;
	s23 =	simm.s32 $0x10460;
	s22 =	simm.s32 $0x20;
	vm0 =	vgt.f32 v23, v22  }
.LBB2_2:
0x1b: {  	p1 =	sne.s32 s22, $0x3F0;
	v22 =	vsel vm0, v23, v22;
	v23 =	vld [tilespmem:s23+$0x0];
	v24 =	vsel vm0, v25, v24;
	s24 =	smov.u32 s22;
	s22 =	sadd.s32 $0x10, s22  }
.Ltmp0:
0x1c: {  	(pc) =	sbr.rel @p1 .LBB2_2-.Ltmp0, $2  }
0x1d: {  	_ =	sdelay $0x2  }
0x1e: {  	s23 =	sadd.s32 $0x10, s23;
	v25 =	vor.u32 s24, v0;
	vm0 =	vgt.f32 v23, v22  }
0x1f: {  	s22 =	simm.s32 $0x0  }
0x20: {  	v23 =	vsel vm0, v23, v22;
	v22 =	vsel vm0, v25, v24;
	s23 =	simm.s32 $0x80;
	s25 =	sadd.s32 $0x0, s4;
	s24 =	simm.s32 $0x408  }
.LBB2_4:
0x21: {  	[tilespmem:s22], [sflag:$0x1] =	stream.linear.gather [hbm4b:s25+s2], $0x400, $0x38;
	[tilespmem:$0x10840] =	vst v63  }
0x22: {  	s25 =	smov.u32 s23;
	s22 =	smov.u32 s24;
	p1 =	sne.s32 s23, $0xF80  }
.Ltmp1:
0x23: {  	s23 =	sadd.s32 $0x80, s23;
	(pc) =	sbr.rel @p1 .LBB2_4-.Ltmp1, $2  }
0x24: {  	_ =	sdelay $0x2  }
0x25: {  	s24 =	sadd.s32 $0x408, s24;
	s25 =	sadd.s32 s25, s4  }
0x26: {  	[tilespmem:s22], [sflag:$0x1] =	stream.linear.gather [hbm4b:s25+s2], $0x400, $0x38;
	[tilespmem:$0x10840] =	vst v63  }
0x27: {  	s23 =	simm.s32 $0x8100  }
0x28: {  	s22 =	simm.s32 $0x80;
	s25 =	sadd.s32 $0x0, s5;
	s24 =	simm.s32 $0x8508  }
.LBB2_6:
0x29: {  	[tilespmem:s23], [sflag:$0x2] =	stream.linear.gather [hbm4b:s25+s2], $0x400, $0x38;
	[tilespmem:$0x10840] =	vst v63  }
0x2a: {  	s25 =	smov.u32 s22;
	s23 =	smov.u32 s24;
	p1 =	sne.s32 s22, $0xF80  }
.Ltmp2:
0x2b: {  	s22 =	sadd.s32 $0x80, s22;
	(pc) =	sbr.rel @p1 .LBB2_6-.Ltmp2, $2  }
0x2c: {  	_ =	sdelay $0x2  }
0x2d: {  	s24 =	sadd.s32 $0x408, s24;
	s25 =	sadd.s32 s25, s5  }
0x2e: {  	s22 =	simm.s32 $0x0  }
0x2f: {  	v24 =	vadd.s32 s22, v3  }
0x30: {  	[tilespmem:s23], [sflag:$0x2] =	stream.linear.gather [hbm4b:s25+s2], $0x400, $0x38;
	v25 =	vadd.s32 s22, v4;
	[tilespmem:$0x10840] =	vst v63  }
0x31: {  	_ =	swait.ge [sflag:s14], $0x8000;
	v27 =	vadd.s32 s22, v5  }
0x32: {  	v28 =	vadd.s32 s22, v6;
	[sflag:s14] =	ssyncset.done $0x0  }
0x33: {  	v29 =	vadd.s32 s22, v1;
	[sflag:s14] =	ssyncadd.s32 $0xFFFF8000  }
0x34: {  	v32 =	vadd.s32 s22, v2;
	v36 =	vld.idx.msk [tilespmem:v24+s2+$0x0], $0xffff  }
0x35: {  	v33 =	vadd.s32 s22, v7;
	v26 =	vld.idx.msk [tilespmem:v25+s2+$0x0], $0xffff  }
0x36: {  	v35 =	vadd.s32 s22, v8;
	v27 =	vld.idx.msk [tilespmem:v27+s2+$0x0], $0xffff  }
0x37: {  	v31 =	vld.idx.msk [tilespmem:v28+s2+$0x0], $0xffff  }
0x38: {  	v30 =	vld.idx.msk [tilespmem:v29+s2+$0x0], $0xffff  }
0x39: {  	s23 =	simm.s32 $0x8;
	v34 =	vld.idx.msk [tilespmem:v32+s2+$0x0], $0xffff  }
0x3a: {  	v63 =	vadd.s32 s23, v3;
	v29 =	vld.idx.msk [tilespmem:v33+s2+$0x0], $0xffff  }
0x3b: {  	v41 =	vadd.s32 s23, v4;
	v35 =	vld.idx.msk [tilespmem:v35+s2+$0x0], $0xffff  }
0x3c: {  	v43 =	vadd.s32 s23, v5;
	v42 =	vadd.s32 s23, v6;
	v40 =	vadd.s32 s23, v7  }
0x3d: {  	v39 =	vadd.s32 s23, v1;
	v37 =	vadd.s32 s23, v2;
	v25 =	vimm.f32 $-Inf  }
0x3e: {  	v24 =	vimm.s32 $0x0;
	vm0 =	vge.f32 v36, v26;
	vm15 =	vge.f32 v27, v31  }
0x3f: {  	s24 =	simm.s32 $0x10;
	v32 =	vld.idx.msk [tilespmem:v63+s2+$0x0], $0xffff;
	v38 =	vmax.f32 v30, v34;
	v28 =	vsel vm0, $0x2, v10;
	v33 =	vsel vm15, $0x4, v11  }
.LBB2_8:
0x40: {  	p1 =	sne.s32 s24, $0x3F8;
	v36 =	vmax.f32 v36, v26;
	v26 =	vld.idx.msk [tilespmem:v41+s2+$0x0], $0xffff;
	v41 =	vmax.f32 v27, v31;
	v44 =	vmax.f32 v29, v35  }
0x41: {  	v27 =	vld.idx.msk [tilespmem:v43+s2+$0x0], $0xffff;
	v43 =	vadd.s32 s23, v8;
	v45 =	vmax.f32 v38, v36;
	v46 =	vmax.f32 v41, v44  }
0x42: {  	vm0 =	vge.f32 v30, v34;
	vm1 =	vge.f32 v29, v35;
	v31 =	vld.idx.msk [tilespmem:v42+s2+$0x0], $0xffff;
	v34 =	vmax.f32 v45, v46  }
0x43: {  	vm0 =	vmneg vm0;
	v29 =	vld.idx.msk [tilespmem:v40+s2+$0x0], $0xffff;
	v40 =	vsel vm1, $0x6, v12;
	vm1 =	vgt.f32 v34, v25  }
0x44: {  	v35 =	vsel vm0, $0x1, v9;
	vm0 =	vge.f32 v38, v36;
	v30 =	vld.idx.msk [tilespmem:v39+s2+$0x0], $0xffff;
	v25 =	vsel vm1, v34, v25  }
0x45: {  	vm2 =	vge.f32 v45, v46;
	v34 =	vld.idx.msk [tilespmem:v37+s2+$0x0], $0xffff;
	v37 =	vsel vm0, v35, v28;
	vm0 =	vge.f32 v41, v44  }
0x46: {  	v38 =	vadd.s32 s24, v3;
	v36 =	vmovc v32;
	vm3 =	vge.f32 v32, v26;
	v35 =	vld.idx.msk [tilespmem:v43+s2+$0x0], $0xffff;
	v33 =	vsel vm0, v33, v40  }
.Ltmp3:
0x47: {  	v41 =	vadd.s32 s24, v4;
	v28 =	vsel vm3, $0x2, v10;
	v32 =	vsel vm2, v37, v33;
	(pc) =	sbr.rel @p1 .LBB2_8-.Ltmp3, $4  }
0x48: {  	v43 =	vadd.s32 s24, v5;
	vm0 =	vge.f32 v27, v31;
	v32 =	vor.u32 s22, v32;
	s22 =	smov.u32 s23;
	s23 =	smov.u32 s24  }
0x49: {  	v42 =	vadd.s32 s24, v6;
	v33 =	vsel vm0, $0x4, v11;
	v24 =	vsel vm1, v32, v24  }
0x4a: {  	v40 =	vadd.s32 s24, v7  }
0x4b: {  	s24 =	sadd.s32 $0x8, s24;
	v39 =	vadd.s32 s23, v1;
	v37 =	vadd.s32 s23, v2;
	v32 =	vld.idx.msk [tilespmem:v38+s2+$0x0], $0xffff;
	v38 =	vmax.f32 v30, v34  }
0x4c: {  	_ =	sdelay $0x3  }
0x4d: {  	v41 =	vld.idx.msk [tilespmem:v41+s2+$0x0], $0xffff  }
0x4e: {  	v43 =	vld.idx.msk [tilespmem:v43+s2+$0x0], $0xffff;
	v44 =	vadd.s32 s23, v8;
	v26 =	vmax.f32 v36, v26;
	v27 =	vmax.f32 v27, v31  }
0x4f: {  	v31 =	vmax.f32 v29, v35;
	v52 =	vld.idx.msk [tilespmem:v42+s2+$0x0], $0xffff;
	vm0 =	vge.f32 v30, v34;
	vm1 =	vge.f32 v29, v35  }
0x50: {  	v30 =	vld.idx.msk [tilespmem:v39+s2+$0x0], $0xffff;
	v53 =	vmax.f32 v38, v26;
	v45 =	vmax.f32 v27, v31;
	vm0 =	vmneg vm0  }
0x51: {  	v55 =	vld.idx.msk [tilespmem:v37+s2+$0x0], $0xffff;
	v54 =	vsel vm1, $0x6, v12;
	vm4 =	vge.f32 v38, v26;
	vm2 =	vge.f32 v27, v31  }
0x52: {  	v29 =	vmax.f32 v53, v45;
	v56 =	vsel vm0, $0x1, v9;
	vm5 =	vge.f32 v53, v45  }
0x53: {  	v40 =	vld.idx.msk [tilespmem:v40+s2+$0x0], $0xffff;
	vm15 =	vgt.f32 v29, v25;
	v27 =	vsel vm4, v56, v28;
	v28 =	vsel vm2, v33, v54  }
0x54: {  	v25 =	vsel vm15, v29, v25;
	v27 =	vsel vm5, v27, v28;
	v26 =	vld.idx.msk [tilespmem:v44+s2+$0x0], $0xffff  }
0x55: {  	vm6 =	vge.f32 v32, v41;
	vm7 =	vge.f32 v43, v52;
	v27 =	vor.u32 s22, v27  }
0x56: {  	v31 =	vmax.f32 v32, v41;
	v57 =	vmax.f32 v43, v52;
	vm8 =	vge.f32 v30, v55  }
0x57: {  	v28 =	vsel vm6, $0x2, v10;
	v24 =	vsel vm15, v27, v24;
	v27 =	vmax.f32 v30, v55  }
0x58: {  	v29 =	vsel vm7, $0x4, v11;
	vm0 =	vmneg vm8;
	v59 =	vmax.f32 v27, v31  }
0x59: {  	v60 =	vsel vm0, $0x1, v9;
	vm10 =	vge.f32 v27, v31;
	v58 =	vmax.f32 v40, v26  }
0x5a: {  	v27 =	vsel vm10, v60, v28;
	vm9 =	vge.f32 v40, v26;
	v26 =	vmax.f32 v57, v58  }
0x5b: {  	s22 =	simm.s32 $0x0;
	v30 =	vsel vm9, $0x6, v12;
	vm11 =	vge.f32 v57, v58;
	vm12 =	vge.f32 v59, v26  }
0x5c: {  	v28 =	vsel vm11, v29, v30;
	v26 =	vmax.f32 v59, v26;
	v29 =	vadd.s32 s22, v16  }
0x5d: {  	v61 =	vadd.s32 s22, v14;
	v27 =	vsel vm12, v27, v28;
	vm13 =	vgt.f32 v26, v25  }
0x5e: {  	v28 =	vadd.s32 s22, v15;
	v27 =	vor.u32 s23, v27;
	v25 =	vsel vm13, v26, v25  }
0x5f: {  	v62 =	vadd.s32 s22, v20;
	v24 =	vsel vm13, v27, v24;
	[tilespmem:$0x102C0] =	vst v25  }
0x60: {  	v27 =	vadd.s32 s22, v17;
	[tilespmem:$0x10200] =	vst v24  }
0x61: {  	v24 =	vadd.s32 s22, v18;
	v26 =	vld.idx.msk [tilespmem:v29+s2+$0x0], $0xffff  }
0x62: {  	v25 =	vadd.s32 s22, v13;
	v33 =	vld.idx.msk [tilespmem:v61+s2+$0x0], $0xffff  }
0x63: {  	v36 =	vld.idx.msk [tilespmem:v28+s2+$0x0], $0xffff;
	v28 =	vadd.s32 s22, v19  }
0x64: {  	v35 =	vld.idx.msk [tilespmem:v62+s2+$0x0], $0xffff  }
0x65: {  	v27 =	vld.idx.msk [tilespmem:v27+s2+$0x0], $0xffff  }
0x66: {  	s23 =	simm.s32 $0x8;
	v31 =	vld.idx.msk [tilespmem:v24+s2+$0x0], $0xffff  }
0x67: {  	v63 =	vadd.s32 s23, v15;
	v30 =	vld.idx.msk [tilespmem:v25+s2+$0x0], $0xffff  }
0x68: {  	v40 =	vadd.s32 s23, v16;
	v29 =	vld.idx.msk [tilespmem:v28+s2+$0x0], $0xffff  }
0x69: {  	v42 =	vadd.s32 s23, v17;
	v43 =	vadd.s32 s23, v18;
	v41 =	vadd.s32 s23, v19  }
0x6a: {  	v39 =	vadd.s32 s23, v13;
	v37 =	vadd.s32 s23, v14;
	v25 =	vimm.f32 $-Inf  }
0x6b: {  	v24 =	vimm.s32 $0x0;
	vm14 =	vge.f32 v36, v26;
	vm15 =	vge.f32 v27, v31  }
0x6c: {  	s24 =	simm.s32 $0x10;
	v34 =	vld.idx.msk [tilespmem:v63+s2+$0x0], $0xffff;
	v28 =	vsel vm14, $0x2, v10;
	v38 =	vmax.f32 v30, v33;
	v32 =	vsel vm15, $0x4, v11  }
.LBB2_10:
0x6d: {  	p1 =	sne.s32 s24, $0x3F8;
	v36 =	vmax.f32 v36, v26;
	v26 =	vld.idx.msk [tilespmem:v40+s2+$0x0], $0xffff;
	v40 =	vmax.f32 v27, v31;
	v44 =	vmax.f32 v29, v35  }
0x6e: {  	v27 =	vld.idx.msk [tilespmem:v42+s2+$0x0], $0xffff;
	v42 =	vadd.s32 s23, v20;
	v45 =	vmax.f32 v38, v36;
	v46 =	vmax.f32 v40, v44  }
0x6f: {  	vm0 =	vge.f32 v30, v33;
	vm1 =	vge.f32 v29, v35;
	v31 =	vld.idx.msk [tilespmem:v43+s2+$0x0], $0xffff;
	v33 =	vmax.f32 v45, v46  }
0x70: {  	vm0 =	vmneg vm0;
	v29 =	vld.idx.msk [tilespmem:v41+s2+$0x0], $0xffff;
	v41 =	vsel vm1, $0x6, v12;
	vm1 =	vgt.f32 v33, v25  }
0x71: {  	v35 =	vsel vm0, $0x1, v9;
	vm0 =	vge.f32 v38, v36;
	v30 =	vld.idx.msk [tilespmem:v39+s2+$0x0], $0xffff;
	v25 =	vsel vm1, v33, v25  }
0x72: {  	vm2 =	vge.f32 v45, v46;
	v33 =	vld.idx.msk [tilespmem:v37+s2+$0x0], $0xffff;
	v37 =	vsel vm0, v35, v28;
	vm0 =	vge.f32 v40, v44  }
0x73: {  	v38 =	vadd.s32 s24, v15;
	v36 =	vmovc v34;
	vm3 =	vge.f32 v34, v26;
	v35 =	vld.idx.msk [tilespmem:v42+s2+$0x0], $0xffff;
	v32 =	vsel vm0, v32, v41  }
.Ltmp4:
0x74: {  	v40 =	vadd.s32 s24, v16;
	v28 =	vsel vm3, $0x2, v10;
	v32 =	vsel vm2, v37, v32;
	(pc) =	sbr.rel @p1 .LBB2_10-.Ltmp4, $4  }
0x75: {  	v42 =	vadd.s32 s24, v17;
	vm0 =	vge.f32 v27, v31;
	v34 =	vor.u32 s22, v32;
	s22 =	smov.u32 s23;
	s23 =	smov.u32 s24  }
0x76: {  	v43 =	vadd.s32 s24, v18;
	v32 =	vsel vm0, $0x4, v11;
	v24 =	vsel vm1, v34, v24  }
0x77: {  	v41 =	vadd.s32 s24, v19  }
0x78: {  	s24 =	sadd.s32 $0x8, s24;
	v39 =	vadd.s32 s23, v13;
	v37 =	vadd.s32 s23, v14;
	v34 =	vld.idx.msk [tilespmem:v38+s2+$0x0], $0xffff;
	v38 =	vmax.f32 v30, v33  }
0x79: {  	_ =	sdelay $0x3  }
0x7a: {  	v40 =	vld.idx.msk [tilespmem:v40+s2+$0x0], $0xffff  }
0x7b: {  	v42 =	vld.idx.msk [tilespmem:v42+s2+$0x0], $0xffff  }
0x7c: {  	v44 =	vadd.s32 s23, v20;
	v43 =	vld.idx.msk [tilespmem:v43+s2+$0x0], $0xffff;
	v26 =	vmax.f32 v36, v26;
	v27 =	vmax.f32 v27, v31  }
0x7d: {  	v61 =	vmax.f32 v29, v35;
	vm0 =	vge.f32 v30, v33;
	v47 =	vld.idx.msk [tilespmem:v39+s2+$0x0], $0xffff;
	vm1 =	vge.f32 v29, v35  }
0x7e: {  	v49 =	vld.idx.msk [tilespmem:v37+s2+$0x0], $0xffff;
	v63 =	vmax.f32 v38, v26;
	v45 =	vmax.f32 v27, v61;
	vm2 =	vmneg vm0  }
0x7f: {  	vm6 =	vge.f32 v38, v26;
	v52 =	vsel vm1, $0x6, v12;
	vm7 =	vge.f32 v27, v61  }
0x80: {  	v62 =	vld.idx.msk [tilespmem:v41+s2+$0x0], $0xffff;
	v48 =	vmax.f32 v63, v45;
	v50 =	vsel vm2, $0x1, v9;
	vm8 =	vge.f32 v63, v45  }
0x81: {  	v27 =	vsel vm7, v32, v52;
	vm15 =	vgt.f32 v48, v25;
	v28 =	vsel vm6, v50, v28;
	v51 =	vld.idx.msk [tilespmem:v44+s2+$0x0], $0xffff  }
0x82: {  	v25 =	vsel vm15, v48, v25;
	v27 =	vsel vm8, v28, v27;
	vm3 =	vge.f32 v34, v40  }
0x83: {  	vm9 =	vge.f32 v42, v43;
	v55 =	vmax.f32 v47, v49;
	v56 =	vmax.f32 v34, v40  }
0x84: {  	v57 =	vmax.f32 v42, v43;
	vm10 =	vge.f32 v47, v49;
	v27 =	vor.u32 s22, v27  }
0x85: {  	v53 =	vsel vm3, $0x2, v10;
	v54 =	vsel vm9, $0x4, v11;
	v59 =	vmax.f32 v55, v56  }
0x86: {  	vm1 =	vmneg vm10;
	vm12 =	vge.f32 v55, v56;
	v58 =	vmax.f32 v62, v51  }
0x87: {  	vm11 =	vge.f32 v62, v51;
	v62 =	vsel vm1, $0x1, v9;
	v60 =	vmax.f32 v57, v58  }
0x88: {  	v61 =	vsel vm11, $0x6, v12;
	vm13 =	vge.f32 v57, v58;
	v29 =	vsel vm12, v62, v53  }
0x89: {  	vm14 =	vge.f32 v59, v60;
	v28 =	vsel vm13, v54, v61;
	v26 =	vmax.f32 v59, v60  }
0x8a: {  	v24 =	vsel vm15, v27, v24;
	v28 =	vsel vm14, v29, v28;
	vm15 =	vgt.f32 v26, v25  }
0x8b: {  	v63 =	vor.u32 s23, v28;
	v25 =	vsel vm15, v26, v25  }
0x8c: {  	s25 =	sadd.s32 $0x0, s6;
	v24 =	vsel vm15, v63, v24;
	[tilespmem:$0x102D0] =	vst v25  }
0x8d: {  	s24 =	simm.s32 $0x408;
	s22 =	simm.s32 $0x80;
	s23 =	simm.s32 $0x0;
	[tilespmem:$0x10210] =	vst v24  }
.LBB2_12:
0x8e: {  	[tilespmem:s23], [sflag:$0x1] =	stream.linear.gather [hbm4b:s25+s2], $0x400, $0x38;
	[tilespmem:$0x10840] =	vst v63  }
0x8f: {  	s25 =	smov.u32 s22;
	s23 =	smov.u32 s24;
	p1 =	sne.s32 s22, $0xF80  }
.Ltmp5:
0x90: {  	s22 =	sadd.s32 $0x80, s22;
	(pc) =	sbr.rel @p1 .LBB2_12-.Ltmp5, $2  }
0x91: {  	_ =	sdelay $0x2  }
0x92: {  	s24 =	sadd.s32 $0x408, s24;
	s25 =	sadd.s32 s25, s6  }
0x93: {  	s22 =	simm.s32 $0x0  }
0x94: {  	v24 =	vadd.s32 s22, v3  }
0x95: {  	[tilespmem:s23], [sflag:$0x1] =	stream.linear.gather [hbm4b:s25+s2], $0x400, $0x38;
	v25 =	vadd.s32 s22, v4;
	[tilespmem:$0x10840] =	vst v63  }
0x96: {  	_ =	swait.ge [sflag:s15], $0x8000;
	v27 =	vadd.s32 s22, v5  }
0x97: {  	v28 =	vadd.s32 s22, v6;
	[sflag:s15] =	ssyncset.done $0x0  }
0x98: {  	v29 =	vadd.s32 s22, v1;
	[sflag:s15] =	ssyncadd.s32 $0xFFFF8000  }
0x99: {  	v32 =	vadd.s32 s22, v2;
	v36 =	vld.idx.msk [tilespmem:v24+s16+$0x0], $0xffff  }
0x9a: {  	v33 =	vadd.s32 s22, v7;
	v26 =	vld.idx.msk [tilespmem:v25+s16+$0x0], $0xffff  }
0x9b: {  	v35 =	vadd.s32 s22, v8;
	v27 =	vld.idx.msk [tilespmem:v27+s16+$0x0], $0xffff  }
0x9c: {  	v31 =	vld.idx.msk [tilespmem:v28+s16+$0x0], $0xffff  }
0x9d: {  	v30 =	vld.idx.msk [tilespmem:v29+s16+$0x0], $0xffff  }
0x9e: {  	s23 =	simm.s32 $0x8;
	v34 =	vld.idx.msk [tilespmem:v32+s16+$0x0], $0xffff  }
0x9f: {  	v63 =	vadd.s32 s23, v3;
	v29 =	vld.idx.msk [tilespmem:v33+s16+$0x0], $0xffff  }
0xa0: {  	v41 =	vadd.s32 s23, v4;
	v35 =	vld.idx.msk [tilespmem:v35+s16+$0x0], $0xffff  }
0xa1: {  	v43 =	vadd.s32 s23, v5;
	v42 =	vadd.s32 s23, v6;
	v40 =	vadd.s32 s23, v7  }
0xa2: {  	v39 =	vadd.s32 s23, v1;
	v37 =	vadd.s32 s23, v2;
	v25 =	vimm.f32 $-Inf  }
0xa3: {  	v24 =	vimm.s32 $0x0;
	vm0 =	vge.f32 v36, v26;
	vm15 =	vge.f32 v27, v31  }
0xa4: {  	s24 =	simm.s32 $0x10;
	v32 =	vld.idx.msk [tilespmem:v63+s16+$0x0], $0xffff;
	v38 =	vmax.f32 v30, v34;
	v28 =	vsel vm0, $0x2, v10;
	v33 =	vsel vm15, $0x4, v11  }
.LBB2_14:
0xa5: {  	p1 =	sne.s32 s24, $0x3F8;
	v36 =	vmax.f32 v36, v26;
	v26 =	vld.idx.msk [tilespmem:v41+s16+$0x0], $0xffff;
	v41 =	vmax.f32 v27, v31;
	v44 =	vmax.f32 v29, v35  }
0xa6: {  	v27 =	vld.idx.msk [tilespmem:v43+s16+$0x0], $0xffff;
	v43 =	vadd.s32 s23, v8;
	v45 =	vmax.f32 v38, v36;
	v46 =	vmax.f32 v41, v44  }
0xa7: {  	vm0 =	vge.f32 v30, v34;
	vm1 =	vge.f32 v29, v35;
	v31 =	vld.idx.msk [tilespmem:v42+s16+$0x0], $0xffff;
	v34 =	vmax.f32 v45, v46  }
0xa8: {  	vm0 =	vmneg vm0;
	v29 =	vld.idx.msk [tilespmem:v40+s16+$0x0], $0xffff;
	v40 =	vsel vm1, $0x6, v12;
	vm1 =	vgt.f32 v34, v25  }
0xa9: {  	v35 =	vsel vm0, $0x1, v9;
	vm0 =	vge.f32 v38, v36;
	v30 =	vld.idx.msk [tilespmem:v39+s16+$0x0], $0xffff;
	v25 =	vsel vm1, v34, v25  }
0xaa: {  	vm2 =	vge.f32 v45, v46;
	v34 =	vld.idx.msk [tilespmem:v37+s16+$0x0], $0xffff;
	v37 =	vsel vm0, v35, v28;
	vm0 =	vge.f32 v41, v44  }
0xab: {  	v38 =	vadd.s32 s24, v3;
	v36 =	vmovc v32;
	vm3 =	vge.f32 v32, v26;
	v35 =	vld.idx.msk [tilespmem:v43+s16+$0x0], $0xffff;
	v33 =	vsel vm0, v33, v40  }
.Ltmp6:
0xac: {  	v41 =	vadd.s32 s24, v4;
	v28 =	vsel vm3, $0x2, v10;
	v32 =	vsel vm2, v37, v33;
	(pc) =	sbr.rel @p1 .LBB2_14-.Ltmp6, $4  }
0xad: {  	v43 =	vadd.s32 s24, v5;
	vm0 =	vge.f32 v27, v31;
	v32 =	vor.u32 s22, v32;
	s22 =	smov.u32 s23;
	s23 =	smov.u32 s24  }
0xae: {  	v42 =	vadd.s32 s24, v6;
	v33 =	vsel vm0, $0x4, v11;
	v24 =	vsel vm1, v32, v24  }
0xaf: {  	v40 =	vadd.s32 s24, v7  }
0xb0: {  	s24 =	sadd.s32 $0x8, s24;
	v39 =	vadd.s32 s23, v1;
	v37 =	vadd.s32 s23, v2;
	v32 =	vld.idx.msk [tilespmem:v38+s16+$0x0], $0xffff;
	v38 =	vmax.f32 v30, v34  }
0xb1: {  	_ =	sdelay $0x3  }
0xb2: {  	v41 =	vld.idx.msk [tilespmem:v41+s16+$0x0], $0xffff  }
0xb3: {  	v43 =	vld.idx.msk [tilespmem:v43+s16+$0x0], $0xffff;
	v44 =	vadd.s32 s23, v8;
	v26 =	vmax.f32 v36, v26;
	v27 =	vmax.f32 v27, v31  }
0xb4: {  	v31 =	vmax.f32 v29, v35;
	v52 =	vld.idx.msk [tilespmem:v42+s16+$0x0], $0xffff;
	vm0 =	vge.f32 v30, v34;
	vm1 =	vge.f32 v29, v35  }
0xb5: {  	v30 =	vld.idx.msk [tilespmem:v39+s16+$0x0], $0xffff;
	v53 =	vmax.f32 v38, v26;
	v45 =	vmax.f32 v27, v31;
	vm0 =	vmneg vm0  }
0xb6: {  	v55 =	vld.idx.msk [tilespmem:v37+s16+$0x0], $0xffff;
	v54 =	vsel vm1, $0x6, v12;
	vm4 =	vge.f32 v38, v26;
	vm2 =	vge.f32 v27, v31  }
0xb7: {  	v29 =	vmax.f32 v53, v45;
	v56 =	vsel vm0, $0x1, v9;
	vm5 =	vge.f32 v53, v45  }
0xb8: {  	v40 =	vld.idx.msk [tilespmem:v40+s16+$0x0], $0xffff;
	vm15 =	vgt.f32 v29, v25;
	v27 =	vsel vm4, v56, v28;
	v28 =	vsel vm2, v33, v54  }
0xb9: {  	v25 =	vsel vm15, v29, v25;
	v27 =	vsel vm5, v27, v28;
	v26 =	vld.idx.msk [tilespmem:v44+s16+$0x0], $0xffff  }
0xba: {  	vm6 =	vge.f32 v32, v41;
	vm7 =	vge.f32 v43, v52;
	v27 =	vor.u32 s22, v27  }
0xbb: {  	v31 =	vmax.f32 v32, v41;
	v57 =	vmax.f32 v43, v52;
	vm8 =	vge.f32 v30, v55  }
0xbc: {  	v28 =	vsel vm6, $0x2, v10;
	v24 =	vsel vm15, v27, v24;
	v27 =	vmax.f32 v30, v55  }
0xbd: {  	v29 =	vsel vm7, $0x4, v11;
	vm0 =	vmneg vm8;
	v59 =	vmax.f32 v27, v31  }
0xbe: {  	v60 =	vsel vm0, $0x1, v9;
	vm10 =	vge.f32 v27, v31;
	v58 =	vmax.f32 v40, v26  }
0xbf: {  	v27 =	vsel vm10, v60, v28;
	vm9 =	vge.f32 v40, v26;
	v26 =	vmax.f32 v57, v58  }
0xc0: {  	s22 =	simm.s32 $0x0;
	v30 =	vsel vm9, $0x6, v12;
	vm11 =	vge.f32 v57, v58;
	vm12 =	vge.f32 v59, v26  }
0xc1: {  	v28 =	vsel vm11, v29, v30;
	v26 =	vmax.f32 v59, v26;
	v29 =	vadd.s32 s22, v16  }
0xc2: {  	v61 =	vadd.s32 s22, v14;
	v27 =	vsel vm12, v27, v28;
	vm13 =	vgt.f32 v26, v25  }
0xc3: {  	v28 =	vadd.s32 s22, v15;
	v27 =	vor.u32 s23, v27;
	v25 =	vsel vm13, v26, v25  }
0xc4: {  	v62 =	vadd.s32 s22, v20;
	v24 =	vsel vm13, v27, v24;
	[tilespmem:$0x102E0] =	vst v25  }
0xc5: {  	v27 =	vadd.s32 s22, v17;
	[tilespmem:$0x10220] =	vst v24  }
0xc6: {  	v24 =	vadd.s32 s22, v18;
	v26 =	vld.idx.msk [tilespmem:v29+s16+$0x0], $0xffff  }
0xc7: {  	v25 =	vadd.s32 s22, v13;
	v33 =	vld.idx.msk [tilespmem:v61+s16+$0x0], $0xffff  }
0xc8: {  	v36 =	vld.idx.msk [tilespmem:v28+s16+$0x0], $0xffff;
	v28 =	vadd.s32 s22, v19  }
0xc9: {  	v35 =	vld.idx.msk [tilespmem:v62+s16+$0x0], $0xffff  }
0xca: {  	v27 =	vld.idx.msk [tilespmem:v27+s16+$0x0], $0xffff  }
0xcb: {  	s23 =	simm.s32 $0x8;
	v31 =	vld.idx.msk [tilespmem:v24+s16+$0x0], $0xffff  }
0xcc: {  	v63 =	vadd.s32 s23, v15;
	v30 =	vld.idx.msk [tilespmem:v25+s16+$0x0], $0xffff  }
0xcd: {  	v40 =	vadd.s32 s23, v16;
	v29 =	vld.idx.msk [tilespmem:v28+s16+$0x0], $0xffff  }
0xce: {  	v42 =	vadd.s32 s23, v17;
	v43 =	vadd.s32 s23, v18;
	v41 =	vadd.s32 s23, v19  }
0xcf: {  	v39 =	vadd.s32 s23, v13;
	v37 =	vadd.s32 s23, v14;
	v25 =	vimm.f32 $-Inf  }
0xd0: {  	v24 =	vimm.s32 $0x0;
	vm14 =	vge.f32 v36, v26;
	vm15 =	vge.f32 v27, v31  }
0xd1: {  	s24 =	simm.s32 $0x10;
	v34 =	vld.idx.msk [tilespmem:v63+s16+$0x0], $0xffff;
	v28 =	vsel vm14, $0x2, v10;
	v38 =	vmax.f32 v30, v33;
	v32 =	vsel vm15, $0x4, v11  }
.LBB2_16:
0xd2: {  	p1 =	sne.s32 s24, $0x3F8;
	v36 =	vmax.f32 v36, v26;
	v26 =	vld.idx.msk [tilespmem:v40+s16+$0x0], $0xffff;
	v40 =	vmax.f32 v27, v31;
	v44 =	vmax.f32 v29, v35  }
0xd3: {  	v27 =	vld.idx.msk [tilespmem:v42+s16+$0x0], $0xffff;
	v42 =	vadd.s32 s23, v20;
	v45 =	vmax.f32 v38, v36;
	v46 =	vmax.f32 v40, v44  }
0xd4: {  	vm0 =	vge.f32 v30, v33;
	vm1 =	vge.f32 v29, v35;
	v31 =	vld.idx.msk [tilespmem:v43+s16+$0x0], $0xffff;
	v33 =	vmax.f32 v45, v46  }
0xd5: {  	vm0 =	vmneg vm0;
	v29 =	vld.idx.msk [tilespmem:v41+s16+$0x0], $0xffff;
	v41 =	vsel vm1, $0x6, v12;
	vm1 =	vgt.f32 v33, v25  }
0xd6: {  	v35 =	vsel vm0, $0x1, v9;
	vm0 =	vge.f32 v38, v36;
	v30 =	vld.idx.msk [tilespmem:v39+s16+$0x0], $0xffff;
	v25 =	vsel vm1, v33, v25  }
0xd7: {  	vm2 =	vge.f32 v45, v46;
	v33 =	vld.idx.msk [tilespmem:v37+s16+$0x0], $0xffff;
	v37 =	vsel vm0, v35, v28;
	vm0 =	vge.f32 v40, v44  }
0xd8: {  	v38 =	vadd.s32 s24, v15;
	v36 =	vmovc v34;
	vm3 =	vge.f32 v34, v26;
	v35 =	vld.idx.msk [tilespmem:v42+s16+$0x0], $0xffff;
	v32 =	vsel vm0, v32, v41  }
.Ltmp7:
0xd9: {  	v40 =	vadd.s32 s24, v16;
	v28 =	vsel vm3, $0x2, v10;
	v32 =	vsel vm2, v37, v32;
	(pc) =	sbr.rel @p1 .LBB2_16-.Ltmp7, $4  }
0xda: {  	v42 =	vadd.s32 s24, v17;
	vm0 =	vge.f32 v27, v31;
	v34 =	vor.u32 s22, v32;
	s22 =	smov.u32 s23;
	s23 =	smov.u32 s24  }
0xdb: {  	v43 =	vadd.s32 s24, v18;
	v32 =	vsel vm0, $0x4, v11;
	v24 =	vsel vm1, v34, v24  }
0xdc: {  	v41 =	vadd.s32 s24, v19  }
0xdd: {  	s24 =	sadd.s32 $0x8, s24;
	v39 =	vadd.s32 s23, v13;
	v37 =	vadd.s32 s23, v14;
	v34 =	vld.idx.msk [tilespmem:v38+s16+$0x0], $0xffff;
	v38 =	vmax.f32 v30, v33  }
0xde: {  	_ =	sdelay $0x3  }
0xdf: {  	v40 =	vld.idx.msk [tilespmem:v40+s16+$0x0], $0xffff  }
0xe0: {  	v42 =	vld.idx.msk [tilespmem:v42+s16+$0x0], $0xffff  }
0xe1: {  	v44 =	vadd.s32 s23, v20;
	v43 =	vld.idx.msk [tilespmem:v43+s16+$0x0], $0xffff;
	v26 =	vmax.f32 v36, v26;
	v27 =	vmax.f32 v27, v31  }
0xe2: {  	v61 =	vmax.f32 v29, v35;
	vm0 =	vge.f32 v30, v33;
	v47 =	vld.idx.msk [tilespmem:v39+s16+$0x0], $0xffff;
	vm1 =	vge.f32 v29, v35  }
0xe3: {  	v49 =	vld.idx.msk [tilespmem:v37+s16+$0x0], $0xffff;
	v63 =	vmax.f32 v38, v26;
	v45 =	vmax.f32 v27, v61;
	vm2 =	vmneg vm0  }
0xe4: {  	vm6 =	vge.f32 v38, v26;
	v52 =	vsel vm1, $0x6, v12;
	vm7 =	vge.f32 v27, v61  }
0xe5: {  	v62 =	vld.idx.msk [tilespmem:v41+s16+$0x0], $0xffff;
	v48 =	vmax.f32 v63, v45;
	v50 =	vsel vm2, $0x1, v9;
	vm8 =	vge.f32 v63, v45  }
0xe6: {  	v27 =	vsel vm7, v32, v52;
	vm15 =	vgt.f32 v48, v25;
	v28 =	vsel vm6, v50, v28;
	v51 =	vld.idx.msk [tilespmem:v44+s16+$0x0], $0xffff  }
0xe7: {  	v25 =	vsel vm15, v48, v25;
	v27 =	vsel vm8, v28, v27;
	vm3 =	vge.f32 v34, v40  }
0xe8: {  	vm9 =	vge.f32 v42, v43;
	v55 =	vmax.f32 v47, v49;
	v56 =	vmax.f32 v34, v40  }
0xe9: {  	v57 =	vmax.f32 v42, v43;
	vm10 =	vge.f32 v47, v49;
	v27 =	vor.u32 s22, v27  }
0xea: {  	v53 =	vsel vm3, $0x2, v10;
	v54 =	vsel vm9, $0x4, v11;
	v59 =	vmax.f32 v55, v56  }
0xeb: {  	vm1 =	vmneg vm10;
	vm12 =	vge.f32 v55, v56;
	v58 =	vmax.f32 v62, v51  }
0xec: {  	vm11 =	vge.f32 v62, v51;
	v62 =	vsel vm1, $0x1, v9;
	v60 =	vmax.f32 v57, v58  }
0xed: {  	v61 =	vsel vm11, $0x6, v12;
	vm13 =	vge.f32 v57, v58;
	v29 =	vsel vm12, v62, v53  }
0xee: {  	vm14 =	vge.f32 v59, v60;
	v28 =	vsel vm13, v54, v61;
	v26 =	vmax.f32 v59, v60  }
0xef: {  	v24 =	vsel vm15, v27, v24;
	v28 =	vsel vm14, v29, v28;
	vm15 =	vgt.f32 v26, v25  }
0xf0: {  	v63 =	vor.u32 s23, v28;
	v25 =	vsel vm15, v26, v25  }
0xf1: {  	s25 =	sadd.s32 $0x0, s7;
	v24 =	vsel vm15, v63, v24;
	[tilespmem:$0x102F0] =	vst v25  }
0xf2: {  	s24 =	simm.s32 $0x8508;
	s22 =	simm.s32 $0x80;
	s23 =	simm.s32 $0x8100;
	[tilespmem:$0x10230] =	vst v24  }
.LBB2_18:
0xf3: {  	[tilespmem:s23], [sflag:$0x2] =	stream.linear.gather [hbm4b:s25+s2], $0x400, $0x38;
	[tilespmem:$0x10840] =	vst v63  }
0xf4: {  	s25 =	smov.u32 s22;
	s23 =	smov.u32 s24;
	p1 =	sne.s32 s22, $0xF80  }
.Ltmp8:
0xf5: {  	s22 =	sadd.s32 $0x80, s22;
	(pc) =	sbr.rel @p1 .LBB2_18-.Ltmp8, $2  }
0xf6: {  	_ =	sdelay $0x2  }
0xf7: {  	s24 =	sadd.s32 $0x408, s24;
	s25 =	sadd.s32 s25, s7  }
0xf8: {  	s22 =	simm.s32 $0x0  }
0xf9: {  	v24 =	vadd.s32 s22, v3  }
0xfa: {  	[tilespmem:s23], [sflag:$0x2] =	stream.linear.gather [hbm4b:s25+s2], $0x400, $0x38;
	v25 =	vadd.s32 s22, v4;
	[tilespmem:$0x10840] =	vst v63  }
0xfb: {  	_ =	swait.ge [sflag:s14], $0x8000;
	v27 =	vadd.s32 s22, v5  }
0xfc: {  	v28 =	vadd.s32 s22, v6;
	[sflag:s14] =	ssyncset.done $0x0  }
0xfd: {  	v29 =	vadd.s32 s22, v1;
	[sflag:s14] =	ssyncadd.s32 $0xFFFF8000  }
0xfe: {  	v32 =	vadd.s32 s22, v2;
	v36 =	vld.idx.msk [tilespmem:v24+s2+$0x0], $0xffff  }
0xff: {  	v33 =	vadd.s32 s22, v7;
	v26 =	vld.idx.msk [tilespmem:v25+s2+$0x0], $0xffff  }
0x100: {  	v35 =	vadd.s32 s22, v8;
	v27 =	vld.idx.msk [tilespmem:v27+s2+$0x0], $0xffff  }
0x101: {  	v31 =	vld.idx.msk [tilespmem:v28+s2+$0x0], $0xffff  }
0x102: {  	v30 =	vld.idx.msk [tilespmem:v29+s2+$0x0], $0xffff  }
0x103: {  	s23 =	simm.s32 $0x8;
	v34 =	vld.idx.msk [tilespmem:v32+s2+$0x0], $0xffff  }
0x104: {  	v63 =	vadd.s32 s23, v3;
	v29 =	vld.idx.msk [tilespmem:v33+s2+$0x0], $0xffff  }
0x105: {  	v41 =	vadd.s32 s23, v4;
	v35 =	vld.idx.msk [tilespmem:v35+s2+$0x0], $0xffff  }
0x106: {  	v43 =	vadd.s32 s23, v5;
	v42 =	vadd.s32 s23, v6;
	v40 =	vadd.s32 s23, v7  }
0x107: {  	v39 =	vadd.s32 s23, v1;
	v37 =	vadd.s32 s23, v2;
	v25 =	vimm.f32 $-Inf  }
0x108: {  	v24 =	vimm.s32 $0x0;
	vm0 =	vge.f32 v36, v26;
	vm15 =	vge.f32 v27, v31  }
0x109: {  	s24 =	simm.s32 $0x10;
	v32 =	vld.idx.msk [tilespmem:v63+s2+$0x0], $0xffff;
	v38 =	vmax.f32 v30, v34;
	v28 =	vsel vm0, $0x2, v10;
	v33 =	vsel vm15, $0x4, v11  }
.LBB2_20:
0x10a: {  	p1 =	sne.s32 s24, $0x3F8;
	v36 =	vmax.f32 v36, v26;
	v26 =	vld.idx.msk [tilespmem:v41+s2+$0x0], $0xffff;
	v41 =	vmax.f32 v27, v31;
	v44 =	vmax.f32 v29, v35  }
0x10b: {  	v27 =	vld.idx.msk [tilespmem:v43+s2+$0x0], $0xffff;
	v43 =	vadd.s32 s23, v8;
	v45 =	vmax.f32 v38, v36;
	v46 =	vmax.f32 v41, v44  }
0x10c: {  	vm0 =	vge.f32 v30, v34;
	vm1 =	vge.f32 v29, v35;
	v31 =	vld.idx.msk [tilespmem:v42+s2+$0x0], $0xffff;
	v34 =	vmax.f32 v45, v46  }
0x10d: {  	vm0 =	vmneg vm0;
	v29 =	vld.idx.msk [tilespmem:v40+s2+$0x0], $0xffff;
	v40 =	vsel vm1, $0x6, v12;
	vm1 =	vgt.f32 v34, v25  }
0x10e: {  	v35 =	vsel vm0, $0x1, v9;
	vm0 =	vge.f32 v38, v36;
	v30 =	vld.idx.msk [tilespmem:v39+s2+$0x0], $0xffff;
	v25 =	vsel vm1, v34, v25  }
0x10f: {  	vm2 =	vge.f32 v45, v46;
	v34 =	vld.idx.msk [tilespmem:v37+s2+$0x0], $0xffff;
	v37 =	vsel vm0, v35, v28;
	vm0 =	vge.f32 v41, v44  }
0x110: {  	v38 =	vadd.s32 s24, v3;
	v36 =	vmovc v32;
	vm3 =	vge.f32 v32, v26;
	v35 =	vld.idx.msk [tilespmem:v43+s2+$0x0], $0xffff;
	v33 =	vsel vm0, v33, v40  }
.Ltmp9:
0x111: {  	v41 =	vadd.s32 s24, v4;
	v28 =	vsel vm3, $0x2, v10;
	v32 =	vsel vm2, v37, v33;
	(pc) =	sbr.rel @p1 .LBB2_20-.Ltmp9, $4  }
0x112: {  	v43 =	vadd.s32 s24, v5;
	vm0 =	vge.f32 v27, v31;
	v32 =	vor.u32 s22, v32;
	s22 =	smov.u32 s23;
	s23 =	smov.u32 s24  }
0x113: {  	v42 =	vadd.s32 s24, v6;
	v33 =	vsel vm0, $0x4, v11;
	v24 =	vsel vm1, v32, v24  }
0x114: {  	v40 =	vadd.s32 s24, v7  }
0x115: {  	s24 =	sadd.s32 $0x8, s24;
	v39 =	vadd.s32 s23, v1;
	v37 =	vadd.s32 s23, v2;
	v32 =	vld.idx.msk [tilespmem:v38+s2+$0x0], $0xffff;
	v38 =	vmax.f32 v30, v34  }
0x116: {  	_ =	sdelay $0x3  }
0x117: {  	v41 =	vld.idx.msk [tilespmem:v41+s2+$0x0], $0xffff  }
0x118: {  	v43 =	vld.idx.msk [tilespmem:v43+s2+$0x0], $0xffff;
	v44 =	vadd.s32 s23, v8;
	v26 =	vmax.f32 v36, v26;
	v27 =	vmax.f32 v27, v31  }
0x119: {  	v31 =	vmax.f32 v29, v35;
	v52 =	vld.idx.msk [tilespmem:v42+s2+$0x0], $0xffff;
	vm0 =	vge.f32 v30, v34;
	vm1 =	vge.f32 v29, v35  }
0x11a: {  	v30 =	vld.idx.msk [tilespmem:v39+s2+$0x0], $0xffff;
	v53 =	vmax.f32 v38, v26;
	v45 =	vmax.f32 v27, v31;
	vm0 =	vmneg vm0  }
0x11b: {  	v55 =	vld.idx.msk [tilespmem:v37+s2+$0x0], $0xffff;
	v54 =	vsel vm1, $0x6, v12;
	vm4 =	vge.f32 v38, v26;
	vm2 =	vge.f32 v27, v31  }
0x11c: {  	v29 =	vmax.f32 v53, v45;
	v56 =	vsel vm0, $0x1, v9;
	vm5 =	vge.f32 v53, v45  }
0x11d: {  	v40 =	vld.idx.msk [tilespmem:v40+s2+$0x0], $0xffff;
	vm15 =	vgt.f32 v29, v25;
	v27 =	vsel vm4, v56, v28;
	v28 =	vsel vm2, v33, v54  }
0x11e: {  	v25 =	vsel vm15, v29, v25;
	v27 =	vsel vm5, v27, v28;
	v26 =	vld.idx.msk [tilespmem:v44+s2+$0x0], $0xffff  }
0x11f: {  	vm6 =	vge.f32 v32, v41;
	vm7 =	vge.f32 v43, v52;
	v27 =	vor.u32 s22, v27  }
0x120: {  	v31 =	vmax.f32 v32, v41;
	v57 =	vmax.f32 v43, v52;
	vm8 =	vge.f32 v30, v55  }
0x121: {  	v28 =	vsel vm6, $0x2, v10;
	v24 =	vsel vm15, v27, v24;
	v27 =	vmax.f32 v30, v55  }
0x122: {  	v29 =	vsel vm7, $0x4, v11;
	vm0 =	vmneg vm8;
	v59 =	vmax.f32 v27, v31  }
0x123: {  	v60 =	vsel vm0, $0x1, v9;
	vm10 =	vge.f32 v27, v31;
	v58 =	vmax.f32 v40, v26  }
0x124: {  	v27 =	vsel vm10, v60, v28;
	vm9 =	vge.f32 v40, v26;
	v26 =	vmax.f32 v57, v58  }
0x125: {  	s22 =	simm.s32 $0x0;
	v30 =	vsel vm9, $0x6, v12;
	vm11 =	vge.f32 v57, v58;
	vm12 =	vge.f32 v59, v26  }
0x126: {  	v28 =	vsel vm11, v29, v30;
	v26 =	vmax.f32 v59, v26;
	v29 =	vadd.s32 s22, v16  }
0x127: {  	v61 =	vadd.s32 s22, v14;
	v27 =	vsel vm12, v27, v28;
	vm13 =	vgt.f32 v26, v25  }
0x128: {  	v28 =	vadd.s32 s22, v15;
	v27 =	vor.u32 s23, v27;
	v25 =	vsel vm13, v26, v25  }
0x129: {  	v62 =	vadd.s32 s22, v20;
	v24 =	vsel vm13, v27, v24;
	[tilespmem:$0x10300] =	vst v25  }
0x12a: {  	v27 =	vadd.s32 s22, v17;
	[tilespmem:$0x10240] =	vst v24  }
0x12b: {  	v24 =	vadd.s32 s22, v18;
	v26 =	vld.idx.msk [tilespmem:v29+s2+$0x0], $0xffff  }
0x12c: {  	v25 =	vadd.s32 s22, v13;
	v33 =	vld.idx.msk [tilespmem:v61+s2+$0x0], $0xffff  }
0x12d: {  	v36 =	vld.idx.msk [tilespmem:v28+s2+$0x0], $0xffff;
	v28 =	vadd.s32 s22, v19  }
0x12e: {  	v35 =	vld.idx.msk [tilespmem:v62+s2+$0x0], $0xffff  }
0x12f: {  	v27 =	vld.idx.msk [tilespmem:v27+s2+$0x0], $0xffff  }
0x130: {  	s23 =	simm.s32 $0x8;
	v31 =	vld.idx.msk [tilespmem:v24+s2+$0x0], $0xffff  }
0x131: {  	v63 =	vadd.s32 s23, v15;
	v30 =	vld.idx.msk [tilespmem:v25+s2+$0x0], $0xffff  }
0x132: {  	v40 =	vadd.s32 s23, v16;
	v29 =	vld.idx.msk [tilespmem:v28+s2+$0x0], $0xffff  }
0x133: {  	v42 =	vadd.s32 s23, v17;
	v43 =	vadd.s32 s23, v18;
	v41 =	vadd.s32 s23, v19  }
0x134: {  	v39 =	vadd.s32 s23, v13;
	v37 =	vadd.s32 s23, v14;
	v25 =	vimm.f32 $-Inf  }
0x135: {  	v24 =	vimm.s32 $0x0;
	vm14 =	vge.f32 v36, v26;
	vm15 =	vge.f32 v27, v31  }
0x136: {  	s24 =	simm.s32 $0x10;
	v34 =	vld.idx.msk [tilespmem:v63+s2+$0x0], $0xffff;
	v28 =	vsel vm14, $0x2, v10;
	v38 =	vmax.f32 v30, v33;
	v32 =	vsel vm15, $0x4, v11  }
.LBB2_22:
0x137: {  	p1 =	sne.s32 s24, $0x3F8;
	v36 =	vmax.f32 v36, v26;
	v26 =	vld.idx.msk [tilespmem:v40+s2+$0x0], $0xffff;
	v40 =	vmax.f32 v27, v31;
	v44 =	vmax.f32 v29, v35  }
0x138: {  	v27 =	vld.idx.msk [tilespmem:v42+s2+$0x0], $0xffff;
	v42 =	vadd.s32 s23, v20;
	v45 =	vmax.f32 v38, v36;
	v46 =	vmax.f32 v40, v44  }
0x139: {  	vm0 =	vge.f32 v30, v33;
	vm1 =	vge.f32 v29, v35;
	v31 =	vld.idx.msk [tilespmem:v43+s2+$0x0], $0xffff;
	v33 =	vmax.f32 v45, v46  }
0x13a: {  	vm0 =	vmneg vm0;
	v29 =	vld.idx.msk [tilespmem:v41+s2+$0x0], $0xffff;
	v41 =	vsel vm1, $0x6, v12;
	vm1 =	vgt.f32 v33, v25  }
0x13b: {  	v35 =	vsel vm0, $0x1, v9;
	vm0 =	vge.f32 v38, v36;
	v30 =	vld.idx.msk [tilespmem:v39+s2+$0x0], $0xffff;
	v25 =	vsel vm1, v33, v25  }
0x13c: {  	vm2 =	vge.f32 v45, v46;
	v33 =	vld.idx.msk [tilespmem:v37+s2+$0x0], $0xffff;
	v37 =	vsel vm0, v35, v28;
	vm0 =	vge.f32 v40, v44  }
0x13d: {  	v38 =	vadd.s32 s24, v15;
	v36 =	vmovc v34;
	vm3 =	vge.f32 v34, v26;
	v35 =	vld.idx.msk [tilespmem:v42+s2+$0x0], $0xffff;
	v32 =	vsel vm0, v32, v41  }
.Ltmp10:
0x13e: {  	v40 =	vadd.s32 s24, v16;
	v28 =	vsel vm3, $0x2, v10;
	v32 =	vsel vm2, v37, v32;
	(pc) =	sbr.rel @p1 .LBB2_22-.Ltmp10, $4  }
0x13f: {  	v42 =	vadd.s32 s24, v17;
	vm0 =	vge.f32 v27, v31;
	v34 =	vor.u32 s22, v32;
	s22 =	smov.u32 s23;
	s23 =	smov.u32 s24  }
0x140: {  	v43 =	vadd.s32 s24, v18;
	v32 =	vsel vm0, $0x4, v11;
	v24 =	vsel vm1, v34, v24  }
0x141: {  	v41 =	vadd.s32 s24, v19  }
0x142: {  	s24 =	sadd.s32 $0x8, s24;
	v39 =	vadd.s32 s23, v13;
	v37 =	vadd.s32 s23, v14;
	v34 =	vld.idx.msk [tilespmem:v38+s2+$0x0], $0xffff;
	v38 =	vmax.f32 v30, v33  }
0x143: {  	_ =	sdelay $0x3  }
0x144: {  	v40 =	vld.idx.msk [tilespmem:v40+s2+$0x0], $0xffff  }
0x145: {  	v42 =	vld.idx.msk [tilespmem:v42+s2+$0x0], $0xffff  }
0x146: {  	v44 =	vadd.s32 s23, v20;
	v43 =	vld.idx.msk [tilespmem:v43+s2+$0x0], $0xffff;
	v26 =	vmax.f32 v36, v26;
	v27 =	vmax.f32 v27, v31  }
0x147: {  	v61 =	vmax.f32 v29, v35;
	vm0 =	vge.f32 v30, v33;
	v47 =	vld.idx.msk [tilespmem:v39+s2+$0x0], $0xffff;
	vm1 =	vge.f32 v29, v35  }
0x148: {  	v49 =	vld.idx.msk [tilespmem:v37+s2+$0x0], $0xffff;
	v63 =	vmax.f32 v38, v26;
	v45 =	vmax.f32 v27, v61;
	vm2 =	vmneg vm0  }
0x149: {  	vm6 =	vge.f32 v38, v26;
	v52 =	vsel vm1, $0x6, v12;
	vm7 =	vge.f32 v27, v61  }
0x14a: {  	v62 =	vld.idx.msk [tilespmem:v41+s2+$0x0], $0xffff;
	v48 =	vmax.f32 v63, v45;
	v50 =	vsel vm2, $0x1, v9;
	vm8 =	vge.f32 v63, v45  }
0x14b: {  	v27 =	vsel vm7, v32, v52;
	vm15 =	vgt.f32 v48, v25;
	v28 =	vsel vm6, v50, v28;
	v51 =	vld.idx.msk [tilespmem:v44+s2+$0x0], $0xffff  }
0x14c: {  	v25 =	vsel vm15, v48, v25;
	v27 =	vsel vm8, v28, v27;
	vm3 =	vge.f32 v34, v40  }
0x14d: {  	vm9 =	vge.f32 v42, v43;
	v55 =	vmax.f32 v47, v49;
	v56 =	vmax.f32 v34, v40  }
0x14e: {  	v57 =	vmax.f32 v42, v43;
	vm10 =	vge.f32 v47, v49;
	v27 =	vor.u32 s22, v27  }
0x14f: {  	v53 =	vsel vm3, $0x2, v10;
	v54 =	vsel vm9, $0x4, v11;
	v59 =	vmax.f32 v55, v56  }
0x150: {  	vm1 =	vmneg vm10;
	vm12 =	vge.f32 v55, v56;
	v58 =	vmax.f32 v62, v51  }
0x151: {  	vm11 =	vge.f32 v62, v51;
	v62 =	vsel vm1, $0x1, v9;
	v60 =	vmax.f32 v57, v58  }
0x152: {  	v61 =	vsel vm11, $0x6, v12;
	vm13 =	vge.f32 v57, v58;
	v29 =	vsel vm12, v62, v53  }
0x153: {  	vm14 =	vge.f32 v59, v60;
	v28 =	vsel vm13, v54, v61;
	v26 =	vmax.f32 v59, v60  }
0x154: {  	v24 =	vsel vm15, v27, v24;
	v28 =	vsel vm14, v29, v28;
	vm15 =	vgt.f32 v26, v25  }
0x155: {  	v63 =	vor.u32 s23, v28;
	v25 =	vsel vm15, v26, v25  }
0x156: {  	s25 =	sadd.s32 $0x0, s8;
	v24 =	vsel vm15, v63, v24;
	[tilespmem:$0x10310] =	vst v25  }
0x157: {  	s24 =	simm.s32 $0x408;
	s22 =	simm.s32 $0x80;
	s23 =	simm.s32 $0x0;
	[tilespmem:$0x10250] =	vst v24  }
.LBB2_24:
0x158: {  	[tilespmem:s23], [sflag:$0x1] =	stream.linear.gather [hbm4b:s25+s2], $0x400, $0x38;
	[tilespmem:$0x10840] =	vst v63  }
0x159: {  	s25 =	smov.u32 s22;
	s23 =	smov.u32 s24;
	p1 =	sne.s32 s22, $0xF80  }
.Ltmp11:
0x15a: {  	s22 =	sadd.s32 $0x80, s22;
	(pc) =	sbr.rel @p1 .LBB2_24-.Ltmp11, $2  }
0x15b: {  	_ =	sdelay $0x2  }
0x15c: {  	s24 =	sadd.s32 $0x408, s24;
	s25 =	sadd.s32 s25, s8  }
0x15d: {  	s22 =	simm.s32 $0x0  }
0x15e: {  	v24 =	vadd.s32 s22, v3  }
0x15f: {  	[tilespmem:s23], [sflag:$0x1] =	stream.linear.gather [hbm4b:s25+s2], $0x400, $0x38;
	v25 =	vadd.s32 s22, v4;
	[tilespmem:$0x10840] =	vst v63  }
0x160: {  	_ =	swait.ge [sflag:s15], $0x8000;
	v27 =	vadd.s32 s22, v5  }
0x161: {  	v28 =	vadd.s32 s22, v6;
	[sflag:s15] =	ssyncset.done $0x0  }
0x162: {  	v29 =	vadd.s32 s22, v1;
	[sflag:s15] =	ssyncadd.s32 $0xFFFF8000  }
0x163: {  	v32 =	vadd.s32 s22, v2;
	v36 =	vld.idx.msk [tilespmem:v24+s16+$0x0], $0xffff  }
0x164: {  	v33 =	vadd.s32 s22, v7;
	v26 =	vld.idx.msk [tilespmem:v25+s16+$0x0], $0xffff  }
0x165: {  	v35 =	vadd.s32 s22, v8;
	v27 =	vld.idx.msk [tilespmem:v27+s16+$0x0], $0xffff  }
0x166: {  	v31 =	vld.idx.msk [tilespmem:v28+s16+$0x0], $0xffff  }
0x167: {  	v30 =	vld.idx.msk [tilespmem:v29+s16+$0x0], $0xffff  }
0x168: {  	s23 =	simm.s32 $0x8;
	v34 =	vld.idx.msk [tilespmem:v32+s16+$0x0], $0xffff  }
0x169: {  	v63 =	vadd.s32 s23, v3;
	v29 =	vld.idx.msk [tilespmem:v33+s16+$0x0], $0xffff  }
0x16a: {  	v41 =	vadd.s32 s23, v4;
	v35 =	vld.idx.msk [tilespmem:v35+s16+$0x0], $0xffff  }
0x16b: {  	v43 =	vadd.s32 s23, v5;
	v42 =	vadd.s32 s23, v6;
	v40 =	vadd.s32 s23, v7  }
0x16c: {  	v39 =	vadd.s32 s23, v1;
	v37 =	vadd.s32 s23, v2;
	v25 =	vimm.f32 $-Inf  }
0x16d: {  	v24 =	vimm.s32 $0x0;
	vm0 =	vge.f32 v36, v26;
	vm15 =	vge.f32 v27, v31  }
0x16e: {  	s24 =	simm.s32 $0x10;
	v32 =	vld.idx.msk [tilespmem:v63+s16+$0x0], $0xffff;
	v38 =	vmax.f32 v30, v34;
	v28 =	vsel vm0, $0x2, v10;
	v33 =	vsel vm15, $0x4, v11  }
.LBB2_26:
0x16f: {  	p1 =	sne.s32 s24, $0x3F8;
	v36 =	vmax.f32 v36, v26;
	v26 =	vld.idx.msk [tilespmem:v41+s16+$0x0], $0xffff;
	v41 =	vmax.f32 v27, v31;
	v44 =	vmax.f32 v29, v35  }
0x170: {  	v27 =	vld.idx.msk [tilespmem:v43+s16+$0x0], $0xffff;
	v43 =	vadd.s32 s23, v8;
	v45 =	vmax.f32 v38, v36;
	v46 =	vmax.f32 v41, v44  }
0x171: {  	vm0 =	vge.f32 v30, v34;
	vm1 =	vge.f32 v29, v35;
	v31 =	vld.idx.msk [tilespmem:v42+s16+$0x0], $0xffff;
	v34 =	vmax.f32 v45, v46  }
0x172: {  	vm0 =	vmneg vm0;
	v29 =	vld.idx.msk [tilespmem:v40+s16+$0x0], $0xffff;
	v40 =	vsel vm1, $0x6, v12;
	vm1 =	vgt.f32 v34, v25  }
0x173: {  	v35 =	vsel vm0, $0x1, v9;
	vm0 =	vge.f32 v38, v36;
	v30 =	vld.idx.msk [tilespmem:v39+s16+$0x0], $0xffff;
	v25 =	vsel vm1, v34, v25  }
0x174: {  	vm2 =	vge.f32 v45, v46;
	v34 =	vld.idx.msk [tilespmem:v37+s16+$0x0], $0xffff;
	v37 =	vsel vm0, v35, v28;
	vm0 =	vge.f32 v41, v44  }
0x175: {  	v38 =	vadd.s32 s24, v3;
	v36 =	vmovc v32;
	vm3 =	vge.f32 v32, v26;
	v35 =	vld.idx.msk [tilespmem:v43+s16+$0x0], $0xffff;
	v33 =	vsel vm0, v33, v40  }
.Ltmp12:
0x176: {  	v41 =	vadd.s32 s24, v4;
	v28 =	vsel vm3, $0x2, v10;
	v32 =	vsel vm2, v37, v33;
	(pc) =	sbr.rel @p1 .LBB2_26-.Ltmp12, $4  }
0x177: {  	v43 =	vadd.s32 s24, v5;
	vm0 =	vge.f32 v27, v31;
	v32 =	vor.u32 s22, v32;
	s22 =	smov.u32 s23;
	s23 =	smov.u32 s24  }
0x178: {  	v42 =	vadd.s32 s24, v6;
	v33 =	vsel vm0, $0x4, v11;
	v24 =	vsel vm1, v32, v24  }
0x179: {  	v40 =	vadd.s32 s24, v7  }
0x17a: {  	s24 =	sadd.s32 $0x8, s24;
	v39 =	vadd.s32 s23, v1;
	v37 =	vadd.s32 s23, v2;
	v32 =	vld.idx.msk [tilespmem:v38+s16+$0x0], $0xffff;
	v38 =	vmax.f32 v30, v34  }
0x17b: {  	_ =	sdelay $0x3  }
0x17c: {  	v41 =	vld.idx.msk [tilespmem:v41+s16+$0x0], $0xffff  }
0x17d: {  	v43 =	vld.idx.msk [tilespmem:v43+s16+$0x0], $0xffff;
	v44 =	vadd.s32 s23, v8;
	v26 =	vmax.f32 v36, v26;
	v27 =	vmax.f32 v27, v31  }
0x17e: {  	v31 =	vmax.f32 v29, v35;
	v52 =	vld.idx.msk [tilespmem:v42+s16+$0x0], $0xffff;
	vm0 =	vge.f32 v30, v34;
	vm1 =	vge.f32 v29, v35  }
0x17f: {  	v30 =	vld.idx.msk [tilespmem:v39+s16+$0x0], $0xffff;
	v53 =	vmax.f32 v38, v26;
	v45 =	vmax.f32 v27, v31;
	vm0 =	vmneg vm0  }
0x180: {  	v55 =	vld.idx.msk [tilespmem:v37+s16+$0x0], $0xffff;
	v54 =	vsel vm1, $0x6, v12;
	vm4 =	vge.f32 v38, v26;
	vm2 =	vge.f32 v27, v31  }
0x181: {  	v29 =	vmax.f32 v53, v45;
	v56 =	vsel vm0, $0x1, v9;
	vm5 =	vge.f32 v53, v45  }
0x182: {  	v40 =	vld.idx.msk [tilespmem:v40+s16+$0x0], $0xffff;
	vm15 =	vgt.f32 v29, v25;
	v27 =	vsel vm4, v56, v28;
	v28 =	vsel vm2, v33, v54  }
0x183: {  	v25 =	vsel vm15, v29, v25;
	v27 =	vsel vm5, v27, v28;
	v26 =	vld.idx.msk [tilespmem:v44+s16+$0x0], $0xffff  }
0x184: {  	vm6 =	vge.f32 v32, v41;
	vm7 =	vge.f32 v43, v52;
	v27 =	vor.u32 s22, v27  }
0x185: {  	v31 =	vmax.f32 v32, v41;
	v57 =	vmax.f32 v43, v52;
	vm8 =	vge.f32 v30, v55  }
0x186: {  	v28 =	vsel vm6, $0x2, v10;
	v24 =	vsel vm15, v27, v24;
	v27 =	vmax.f32 v30, v55  }
0x187: {  	v29 =	vsel vm7, $0x4, v11;
	vm0 =	vmneg vm8;
	v59 =	vmax.f32 v27, v31  }
0x188: {  	v60 =	vsel vm0, $0x1, v9;
	vm10 =	vge.f32 v27, v31;
	v58 =	vmax.f32 v40, v26  }
0x189: {  	v27 =	vsel vm10, v60, v28;
	vm9 =	vge.f32 v40, v26;
	v26 =	vmax.f32 v57, v58  }
0x18a: {  	s22 =	simm.s32 $0x0;
	v30 =	vsel vm9, $0x6, v12;
	vm11 =	vge.f32 v57, v58;
	vm12 =	vge.f32 v59, v26  }
0x18b: {  	v28 =	vsel vm11, v29, v30;
	v26 =	vmax.f32 v59, v26;
	v29 =	vadd.s32 s22, v16  }
0x18c: {  	v61 =	vadd.s32 s22, v14;
	v27 =	vsel vm12, v27, v28;
	vm13 =	vgt.f32 v26, v25  }
0x18d: {  	v28 =	vadd.s32 s22, v15;
	v27 =	vor.u32 s23, v27;
	v25 =	vsel vm13, v26, v25  }
0x18e: {  	v62 =	vadd.s32 s22, v20;
	v24 =	vsel vm13, v27, v24;
	[tilespmem:$0x10320] =	vst v25  }
0x18f: {  	v27 =	vadd.s32 s22, v17;
	[tilespmem:$0x10260] =	vst v24  }
0x190: {  	v24 =	vadd.s32 s22, v18;
	v26 =	vld.idx.msk [tilespmem:v29+s16+$0x0], $0xffff  }
0x191: {  	v25 =	vadd.s32 s22, v13;
	v33 =	vld.idx.msk [tilespmem:v61+s16+$0x0], $0xffff  }
0x192: {  	v36 =	vld.idx.msk [tilespmem:v28+s16+$0x0], $0xffff;
	v28 =	vadd.s32 s22, v19  }
0x193: {  	v35 =	vld.idx.msk [tilespmem:v62+s16+$0x0], $0xffff  }
0x194: {  	v27 =	vld.idx.msk [tilespmem:v27+s16+$0x0], $0xffff  }
0x195: {  	s23 =	simm.s32 $0x8;
	v31 =	vld.idx.msk [tilespmem:v24+s16+$0x0], $0xffff  }
0x196: {  	v63 =	vadd.s32 s23, v15;
	v30 =	vld.idx.msk [tilespmem:v25+s16+$0x0], $0xffff  }
0x197: {  	v40 =	vadd.s32 s23, v16;
	v29 =	vld.idx.msk [tilespmem:v28+s16+$0x0], $0xffff  }
0x198: {  	v42 =	vadd.s32 s23, v17;
	v43 =	vadd.s32 s23, v18;
	v41 =	vadd.s32 s23, v19  }
0x199: {  	v39 =	vadd.s32 s23, v13;
	v37 =	vadd.s32 s23, v14;
	v25 =	vimm.f32 $-Inf  }
0x19a: {  	v24 =	vimm.s32 $0x0;
	vm14 =	vge.f32 v36, v26;
	vm15 =	vge.f32 v27, v31  }
0x19b: {  	s24 =	simm.s32 $0x10;
	v34 =	vld.idx.msk [tilespmem:v63+s16+$0x0], $0xffff;
	v28 =	vsel vm14, $0x2, v10;
	v38 =	vmax.f32 v30, v33;
	v32 =	vsel vm15, $0x4, v11  }
.LBB2_28:
0x19c: {  	p1 =	sne.s32 s24, $0x3F8;
	v36 =	vmax.f32 v36, v26;
	v26 =	vld.idx.msk [tilespmem:v40+s16+$0x0], $0xffff;
	v40 =	vmax.f32 v27, v31;
	v44 =	vmax.f32 v29, v35  }
0x19d: {  	v27 =	vld.idx.msk [tilespmem:v42+s16+$0x0], $0xffff;
	v42 =	vadd.s32 s23, v20;
	v45 =	vmax.f32 v38, v36;
	v46 =	vmax.f32 v40, v44  }
0x19e: {  	vm0 =	vge.f32 v30, v33;
	vm1 =	vge.f32 v29, v35;
	v31 =	vld.idx.msk [tilespmem:v43+s16+$0x0], $0xffff;
	v33 =	vmax.f32 v45, v46  }
0x19f: {  	vm0 =	vmneg vm0;
	v29 =	vld.idx.msk [tilespmem:v41+s16+$0x0], $0xffff;
	v41 =	vsel vm1, $0x6, v12;
	vm1 =	vgt.f32 v33, v25  }
0x1a0: {  	v35 =	vsel vm0, $0x1, v9;
	vm0 =	vge.f32 v38, v36;
	v30 =	vld.idx.msk [tilespmem:v39+s16+$0x0], $0xffff;
	v25 =	vsel vm1, v33, v25  }
0x1a1: {  	vm2 =	vge.f32 v45, v46;
	v33 =	vld.idx.msk [tilespmem:v37+s16+$0x0], $0xffff;
	v37 =	vsel vm0, v35, v28;
	vm0 =	vge.f32 v40, v44  }
0x1a2: {  	v38 =	vadd.s32 s24, v15;
	v36 =	vmovc v34;
	vm3 =	vge.f32 v34, v26;
	v35 =	vld.idx.msk [tilespmem:v42+s16+$0x0], $0xffff;
	v32 =	vsel vm0, v32, v41  }
.Ltmp13:
0x1a3: {  	v40 =	vadd.s32 s24, v16;
	v28 =	vsel vm3, $0x2, v10;
	v32 =	vsel vm2, v37, v32;
	(pc) =	sbr.rel @p1 .LBB2_28-.Ltmp13, $4  }
0x1a4: {  	v42 =	vadd.s32 s24, v17;
	vm0 =	vge.f32 v27, v31;
	v34 =	vor.u32 s22, v32;
	s22 =	smov.u32 s23;
	s23 =	smov.u32 s24  }
0x1a5: {  	v43 =	vadd.s32 s24, v18;
	v32 =	vsel vm0, $0x4, v11;
	v24 =	vsel vm1, v34, v24  }
0x1a6: {  	v41 =	vadd.s32 s24, v19  }
0x1a7: {  	s24 =	sadd.s32 $0x8, s24;
	v39 =	vadd.s32 s23, v13;
	v37 =	vadd.s32 s23, v14;
	v34 =	vld.idx.msk [tilespmem:v38+s16+$0x0], $0xffff;
	v38 =	vmax.f32 v30, v33  }
0x1a8: {  	_ =	sdelay $0x3  }
0x1a9: {  	v40 =	vld.idx.msk [tilespmem:v40+s16+$0x0], $0xffff  }
0x1aa: {  	v42 =	vld.idx.msk [tilespmem:v42+s16+$0x0], $0xffff  }
0x1ab: {  	v44 =	vadd.s32 s23, v20;
	v43 =	vld.idx.msk [tilespmem:v43+s16+$0x0], $0xffff;
	v26 =	vmax.f32 v36, v26;
	v27 =	vmax.f32 v27, v31  }
0x1ac: {  	v61 =	vmax.f32 v29, v35;
	vm0 =	vge.f32 v30, v33;
	v47 =	vld.idx.msk [tilespmem:v39+s16+$0x0], $0xffff;
	vm1 =	vge.f32 v29, v35  }
0x1ad: {  	v49 =	vld.idx.msk [tilespmem:v37+s16+$0x0], $0xffff;
	v63 =	vmax.f32 v38, v26;
	v45 =	vmax.f32 v27, v61;
	vm2 =	vmneg vm0  }
0x1ae: {  	vm6 =	vge.f32 v38, v26;
	v52 =	vsel vm1, $0x6, v12;
	vm7 =	vge.f32 v27, v61  }
0x1af: {  	v62 =	vld.idx.msk [tilespmem:v41+s16+$0x0], $0xffff;
	v48 =	vmax.f32 v63, v45;
	v50 =	vsel vm2, $0x1, v9;
	vm8 =	vge.f32 v63, v45  }
0x1b0: {  	v27 =	vsel vm7, v32, v52;
	vm15 =	vgt.f32 v48, v25;
	v28 =	vsel vm6, v50, v28;
	v51 =	vld.idx.msk [tilespmem:v44+s16+$0x0], $0xffff  }
0x1b1: {  	v25 =	vsel vm15, v48, v25;
	v27 =	vsel vm8, v28, v27;
	vm3 =	vge.f32 v34, v40  }
0x1b2: {  	vm9 =	vge.f32 v42, v43;
	v55 =	vmax.f32 v47, v49;
	v56 =	vmax.f32 v34, v40  }
0x1b3: {  	v57 =	vmax.f32 v42, v43;
	vm10 =	vge.f32 v47, v49;
	v27 =	vor.u32 s22, v27  }
0x1b4: {  	v53 =	vsel vm3, $0x2, v10;
	v54 =	vsel vm9, $0x4, v11;
	v59 =	vmax.f32 v55, v56  }
0x1b5: {  	vm1 =	vmneg vm10;
	vm12 =	vge.f32 v55, v56;
	v58 =	vmax.f32 v62, v51  }
0x1b6: {  	vm11 =	vge.f32 v62, v51;
	v62 =	vsel vm1, $0x1, v9;
	v60 =	vmax.f32 v57, v58  }
0x1b7: {  	v61 =	vsel vm11, $0x6, v12;
	vm13 =	vge.f32 v57, v58;
	v29 =	vsel vm12, v62, v53  }
0x1b8: {  	vm14 =	vge.f32 v59, v60;
	v28 =	vsel vm13, v54, v61;
	v26 =	vmax.f32 v59, v60  }
0x1b9: {  	v24 =	vsel vm15, v27, v24;
	v28 =	vsel vm14, v29, v28;
	vm15 =	vgt.f32 v26, v25  }
0x1ba: {  	v63 =	vor.u32 s23, v28;
	v25 =	vsel vm15, v26, v25  }
0x1bb: {  	s25 =	sadd.s32 $0x0, s9;
	v24 =	vsel vm15, v63, v24;
	[tilespmem:$0x10330] =	vst v25  }
0x1bc: {  	s24 =	simm.s32 $0x8508;
	s22 =	simm.s32 $0x80;
	s23 =	simm.s32 $0x8100;
	[tilespmem:$0x10270] =	vst v24  }
.LBB2_30:
0x1bd: {  	[tilespmem:s23], [sflag:$0x2] =	stream.linear.gather [hbm4b:s25+s2], $0x400, $0x38;
	[tilespmem:$0x10840] =	vst v63  }
0x1be: {  	s25 =	smov.u32 s22;
	s23 =	smov.u32 s24;
	p1 =	sne.s32 s22, $0xF80  }
.Ltmp14:
0x1bf: {  	s22 =	sadd.s32 $0x80, s22;
	(pc) =	sbr.rel @p1 .LBB2_30-.Ltmp14, $2  }
0x1c0: {  	_ =	sdelay $0x2  }
0x1c1: {  	s24 =	sadd.s32 $0x408, s24;
	s25 =	sadd.s32 s25, s9  }
0x1c2: {  	s22 =	simm.s32 $0x0  }
0x1c3: {  	v24 =	vadd.s32 s22, v3  }
0x1c4: {  	[tilespmem:s23], [sflag:$0x2] =	stream.linear.gather [hbm4b:s25+s2], $0x400, $0x38;
	v25 =	vadd.s32 s22, v4;
	[tilespmem:$0x10840] =	vst v63  }
0x1c5: {  	_ =	swait.ge [sflag:s14], $0x8000;
	v27 =	vadd.s32 s22, v5  }
0x1c6: {  	v28 =	vadd.s32 s22, v6;
	[sflag:s14] =	ssyncset.done $0x0  }
0x1c7: {  	v29 =	vadd.s32 s22, v1;
	[sflag:s14] =	ssyncadd.s32 $0xFFFF8000  }
0x1c8: {  	v32 =	vadd.s32 s22, v2;
	v36 =	vld.idx.msk [tilespmem:v24+s2+$0x0], $0xffff  }
0x1c9: {  	v33 =	vadd.s32 s22, v7;
	v26 =	vld.idx.msk [tilespmem:v25+s2+$0x0], $0xffff  }
0x1ca: {  	v35 =	vadd.s32 s22, v8;
	v27 =	vld.idx.msk [tilespmem:v27+s2+$0x0], $0xffff  }
0x1cb: {  	v31 =	vld.idx.msk [tilespmem:v28+s2+$0x0], $0xffff  }
0x1cc: {  	v30 =	vld.idx.msk [tilespmem:v29+s2+$0x0], $0xffff  }
0x1cd: {  	s23 =	simm.s32 $0x8;
	v34 =	vld.idx.msk [tilespmem:v32+s2+$0x0], $0xffff  }
0x1ce: {  	v63 =	vadd.s32 s23, v3;
	v29 =	vld.idx.msk [tilespmem:v33+s2+$0x0], $0xffff  }
0x1cf: {  	v41 =	vadd.s32 s23, v4;
	v35 =	vld.idx.msk [tilespmem:v35+s2+$0x0], $0xffff  }
0x1d0: {  	v43 =	vadd.s32 s23, v5;
	v42 =	vadd.s32 s23, v6;
	v40 =	vadd.s32 s23, v7  }
0x1d1: {  	v39 =	vadd.s32 s23, v1;
	v37 =	vadd.s32 s23, v2;
	v25 =	vimm.f32 $-Inf  }
0x1d2: {  	v24 =	vimm.s32 $0x0;
	vm0 =	vge.f32 v36, v26;
	vm15 =	vge.f32 v27, v31  }
0x1d3: {  	s24 =	simm.s32 $0x10;
	v32 =	vld.idx.msk [tilespmem:v63+s2+$0x0], $0xffff;
	v38 =	vmax.f32 v30, v34;
	v28 =	vsel vm0, $0x2, v10;
	v33 =	vsel vm15, $0x4, v11  }
.LBB2_32:
0x1d4: {  	p1 =	sne.s32 s24, $0x3F8;
	v36 =	vmax.f32 v36, v26;
	v26 =	vld.idx.msk [tilespmem:v41+s2+$0x0], $0xffff;
	v41 =	vmax.f32 v27, v31;
	v44 =	vmax.f32 v29, v35  }
0x1d5: {  	v27 =	vld.idx.msk [tilespmem:v43+s2+$0x0], $0xffff;
	v43 =	vadd.s32 s23, v8;
	v45 =	vmax.f32 v38, v36;
	v46 =	vmax.f32 v41, v44  }
0x1d6: {  	vm0 =	vge.f32 v30, v34;
	vm1 =	vge.f32 v29, v35;
	v31 =	vld.idx.msk [tilespmem:v42+s2+$0x0], $0xffff;
	v34 =	vmax.f32 v45, v46  }
0x1d7: {  	vm0 =	vmneg vm0;
	v29 =	vld.idx.msk [tilespmem:v40+s2+$0x0], $0xffff;
	v40 =	vsel vm1, $0x6, v12;
	vm1 =	vgt.f32 v34, v25  }
0x1d8: {  	v35 =	vsel vm0, $0x1, v9;
	vm0 =	vge.f32 v38, v36;
	v30 =	vld.idx.msk [tilespmem:v39+s2+$0x0], $0xffff;
	v25 =	vsel vm1, v34, v25  }
0x1d9: {  	vm2 =	vge.f32 v45, v46;
	v34 =	vld.idx.msk [tilespmem:v37+s2+$0x0], $0xffff;
	v37 =	vsel vm0, v35, v28;
	vm0 =	vge.f32 v41, v44  }
0x1da: {  	v38 =	vadd.s32 s24, v3;
	v36 =	vmovc v32;
	vm3 =	vge.f32 v32, v26;
	v35 =	vld.idx.msk [tilespmem:v43+s2+$0x0], $0xffff;
	v33 =	vsel vm0, v33, v40  }
.Ltmp15:
0x1db: {  	v41 =	vadd.s32 s24, v4;
	v28 =	vsel vm3, $0x2, v10;
	v32 =	vsel vm2, v37, v33;
	(pc) =	sbr.rel @p1 .LBB2_32-.Ltmp15, $4  }
0x1dc: {  	v43 =	vadd.s32 s24, v5;
	vm0 =	vge.f32 v27, v31;
	v32 =	vor.u32 s22, v32;
	s22 =	smov.u32 s23;
	s23 =	smov.u32 s24  }
0x1dd: {  	v42 =	vadd.s32 s24, v6;
	v33 =	vsel vm0, $0x4, v11;
	v24 =	vsel vm1, v32, v24  }
0x1de: {  	v40 =	vadd.s32 s24, v7  }
0x1df: {  	s24 =	sadd.s32 $0x8, s24;
	v39 =	vadd.s32 s23, v1;
	v37 =	vadd.s32 s23, v2;
	v32 =	vld.idx.msk [tilespmem:v38+s2+$0x0], $0xffff;
	v38 =	vmax.f32 v30, v34  }
0x1e0: {  	_ =	sdelay $0x3  }
0x1e1: {  	v41 =	vld.idx.msk [tilespmem:v41+s2+$0x0], $0xffff  }
0x1e2: {  	v43 =	vld.idx.msk [tilespmem:v43+s2+$0x0], $0xffff;
	v44 =	vadd.s32 s23, v8;
	v26 =	vmax.f32 v36, v26;
	v27 =	vmax.f32 v27, v31  }
0x1e3: {  	v31 =	vmax.f32 v29, v35;
	v52 =	vld.idx.msk [tilespmem:v42+s2+$0x0], $0xffff;
	vm0 =	vge.f32 v30, v34;
	vm1 =	vge.f32 v29, v35  }
0x1e4: {  	v30 =	vld.idx.msk [tilespmem:v39+s2+$0x0], $0xffff;
	v53 =	vmax.f32 v38, v26;
	v45 =	vmax.f32 v27, v31;
	vm0 =	vmneg vm0  }
0x1e5: {  	v55 =	vld.idx.msk [tilespmem:v37+s2+$0x0], $0xffff;
	v54 =	vsel vm1, $0x6, v12;
	vm4 =	vge.f32 v38, v26;
	vm2 =	vge.f32 v27, v31  }
0x1e6: {  	v29 =	vmax.f32 v53, v45;
	v56 =	vsel vm0, $0x1, v9;
	vm5 =	vge.f32 v53, v45  }
0x1e7: {  	v40 =	vld.idx.msk [tilespmem:v40+s2+$0x0], $0xffff;
	vm15 =	vgt.f32 v29, v25;
	v27 =	vsel vm4, v56, v28;
	v28 =	vsel vm2, v33, v54  }
0x1e8: {  	v25 =	vsel vm15, v29, v25;
	v27 =	vsel vm5, v27, v28;
	v26 =	vld.idx.msk [tilespmem:v44+s2+$0x0], $0xffff  }
0x1e9: {  	vm6 =	vge.f32 v32, v41;
	vm7 =	vge.f32 v43, v52;
	v27 =	vor.u32 s22, v27  }
0x1ea: {  	v31 =	vmax.f32 v32, v41;
	v57 =	vmax.f32 v43, v52;
	vm8 =	vge.f32 v30, v55  }
0x1eb: {  	v28 =	vsel vm6, $0x2, v10;
	v24 =	vsel vm15, v27, v24;
	v27 =	vmax.f32 v30, v55  }
0x1ec: {  	v29 =	vsel vm7, $0x4, v11;
	vm0 =	vmneg vm8;
	v59 =	vmax.f32 v27, v31  }
0x1ed: {  	v60 =	vsel vm0, $0x1, v9;
	vm10 =	vge.f32 v27, v31;
	v58 =	vmax.f32 v40, v26  }
0x1ee: {  	v27 =	vsel vm10, v60, v28;
	vm9 =	vge.f32 v40, v26;
	v26 =	vmax.f32 v57, v58  }
0x1ef: {  	s22 =	simm.s32 $0x0;
	v30 =	vsel vm9, $0x6, v12;
	vm11 =	vge.f32 v57, v58;
	vm12 =	vge.f32 v59, v26  }
0x1f0: {  	v28 =	vsel vm11, v29, v30;
	v26 =	vmax.f32 v59, v26;
	v29 =	vadd.s32 s22, v16  }
0x1f1: {  	v61 =	vadd.s32 s22, v14;
	v27 =	vsel vm12, v27, v28;
	vm13 =	vgt.f32 v26, v25  }
0x1f2: {  	v28 =	vadd.s32 s22, v15;
	v27 =	vor.u32 s23, v27;
	v25 =	vsel vm13, v26, v25  }
0x1f3: {  	v62 =	vadd.s32 s22, v20;
	v24 =	vsel vm13, v27, v24;
	[tilespmem:$0x10340] =	vst v25  }
0x1f4: {  	v27 =	vadd.s32 s22, v17;
	[tilespmem:$0x10280] =	vst v24  }
0x1f5: {  	v24 =	vadd.s32 s22, v18;
	v26 =	vld.idx.msk [tilespmem:v29+s2+$0x0], $0xffff  }
0x1f6: {  	v25 =	vadd.s32 s22, v13;
	v33 =	vld.idx.msk [tilespmem:v61+s2+$0x0], $0xffff  }
0x1f7: {  	v36 =	vld.idx.msk [tilespmem:v28+s2+$0x0], $0xffff;
	v28 =	vadd.s32 s22, v19  }
0x1f8: {  	v35 =	vld.idx.msk [tilespmem:v62+s2+$0x0], $0xffff  }
0x1f9: {  	v27 =	vld.idx.msk [tilespmem:v27+s2+$0x0], $0xffff  }
0x1fa: {  	s23 =	simm.s32 $0x8;
	v31 =	vld.idx.msk [tilespmem:v24+s2+$0x0], $0xffff  }
0x1fb: {  	v63 =	vadd.s32 s23, v15;
	v30 =	vld.idx.msk [tilespmem:v25+s2+$0x0], $0xffff  }
0x1fc: {  	v40 =	vadd.s32 s23, v16;
	v29 =	vld.idx.msk [tilespmem:v28+s2+$0x0], $0xffff  }
0x1fd: {  	v42 =	vadd.s32 s23, v17;
	v43 =	vadd.s32 s23, v18;
	v41 =	vadd.s32 s23, v19  }
0x1fe: {  	v39 =	vadd.s32 s23, v13;
	v37 =	vadd.s32 s23, v14;
	v25 =	vimm.f32 $-Inf  }
0x1ff: {  	v24 =	vimm.s32 $0x0;
	vm14 =	vge.f32 v36, v26;
	vm15 =	vge.f32 v27, v31  }
0x200: {  	s24 =	simm.s32 $0x10;
	v34 =	vld.idx.msk [tilespmem:v63+s2+$0x0], $0xffff;
	v28 =	vsel vm14, $0x2, v10;
	v38 =	vmax.f32 v30, v33;
	v32 =	vsel vm15, $0x4, v11  }
.LBB2_34:
0x201: {  	p1 =	sne.s32 s24, $0x3F8;
	v36 =	vmax.f32 v36, v26;
	v26 =	vld.idx.msk [tilespmem:v40+s2+$0x0], $0xffff;
	v40 =	vmax.f32 v27, v31;
	v44 =	vmax.f32 v29, v35  }
0x202: {  	v27 =	vld.idx.msk [tilespmem:v42+s2+$0x0], $0xffff;
	v42 =	vadd.s32 s23, v20;
	v45 =	vmax.f32 v38, v36;
	v46 =	vmax.f32 v40, v44  }
0x203: {  	vm0 =	vge.f32 v30, v33;
	vm1 =	vge.f32 v29, v35;
	v31 =	vld.idx.msk [tilespmem:v43+s2+$0x0], $0xffff;
	v33 =	vmax.f32 v45, v46  }
0x204: {  	vm0 =	vmneg vm0;
	v29 =	vld.idx.msk [tilespmem:v41+s2+$0x0], $0xffff;
	v41 =	vsel vm1, $0x6, v12;
	vm1 =	vgt.f32 v33, v25  }
0x205: {  	v35 =	vsel vm0, $0x1, v9;
	vm0 =	vge.f32 v38, v36;
	v30 =	vld.idx.msk [tilespmem:v39+s2+$0x0], $0xffff;
	v25 =	vsel vm1, v33, v25  }
0x206: {  	vm2 =	vge.f32 v45, v46;
	v33 =	vld.idx.msk [tilespmem:v37+s2+$0x0], $0xffff;
	v37 =	vsel vm0, v35, v28;
	vm0 =	vge.f32 v40, v44  }
0x207: {  	v38 =	vadd.s32 s24, v15;
	v36 =	vmovc v34;
	vm3 =	vge.f32 v34, v26;
	v35 =	vld.idx.msk [tilespmem:v42+s2+$0x0], $0xffff;
	v32 =	vsel vm0, v32, v41  }
.Ltmp16:
0x208: {  	v40 =	vadd.s32 s24, v16;
	v28 =	vsel vm3, $0x2, v10;
	v32 =	vsel vm2, v37, v32;
	(pc) =	sbr.rel @p1 .LBB2_34-.Ltmp16, $4  }
0x209: {  	v42 =	vadd.s32 s24, v17;
	vm0 =	vge.f32 v27, v31;
	v34 =	vor.u32 s22, v32;
	s22 =	smov.u32 s23;
	s23 =	smov.u32 s24  }
0x20a: {  	v43 =	vadd.s32 s24, v18;
	v32 =	vsel vm0, $0x4, v11;
	v24 =	vsel vm1, v34, v24  }
0x20b: {  	v41 =	vadd.s32 s24, v19  }
0x20c: {  	s24 =	sadd.s32 $0x8, s24;
	v39 =	vadd.s32 s23, v13;
	v37 =	vadd.s32 s23, v14;
	v34 =	vld.idx.msk [tilespmem:v38+s2+$0x0], $0xffff;
	v38 =	vmax.f32 v30, v33  }
0x20d: {  	_ =	sdelay $0x3  }
0x20e: {  	v40 =	vld.idx.msk [tilespmem:v40+s2+$0x0], $0xffff  }
0x20f: {  	v42 =	vld.idx.msk [tilespmem:v42+s2+$0x0], $0xffff  }
0x210: {  	v44 =	vadd.s32 s23, v20;
	v43 =	vld.idx.msk [tilespmem:v43+s2+$0x0], $0xffff;
	v26 =	vmax.f32 v36, v26;
	v27 =	vmax.f32 v27, v31  }
0x211: {  	v31 =	vmax.f32 v29, v35;
	vm0 =	vge.f32 v30, v33;
	v30 =	vld.idx.msk [tilespmem:v39+s2+$0x0], $0xffff;
	vm1 =	vge.f32 v29, v35  }
0x212: {  	v52 =	vld.idx.msk [tilespmem:v37+s2+$0x0], $0xffff;
	v51 =	vmax.f32 v38, v26;
	v45 =	vmax.f32 v27, v31;
	vm2 =	vmneg vm0  }
0x213: {  	vm14 =	vge.f32 v38, v26;
	v54 =	vsel vm1, $0x6, v12;
	vm15 =	vge.f32 v27, v31  }
0x214: {  	v29 =	vmax.f32 v51, v45;
	v53 =	vsel vm2, $0x1, v9;
	vm6 =	vge.f32 v51, v45  }
0x215: {  	v50 =	vld.idx.msk [tilespmem:v41+s2+$0x0], $0xffff;
	v27 =	vsel vm15, v32, v54;
	vm13 =	vgt.f32 v29, v25;
	v28 =	vsel vm14, v53, v28  }
0x216: {  	v25 =	vsel vm13, v29, v25;
	v27 =	vsel vm6, v28, v27;
	v26 =	vld.idx.msk [tilespmem:v44+s2+$0x0], $0xffff;
	vm3 =	vge.f32 v34, v40  }
0x217: {  	vm7 =	vge.f32 v42, v43;
	v31 =	vmax.f32 v30, v52;
	v55 =	vmax.f32 v34, v40  }
0x218: {  	v56 =	vmax.f32 v42, v43;
	vm8 =	vge.f32 v30, v52;
	v27 =	vor.u32 s22, v27  }
0x219: {  	v29 =	vsel vm3, $0x2, v10;
	v28 =	vsel vm7, $0x4, v11;
	vm1 =	vmneg vm8  }
0x21a: {  	v58 =	vmax.f32 v31, v55;
	vm10 =	vge.f32 v31, v55;
	v59 =	vsel vm1, $0x1, v9  }
0x21b: {  	v29 =	vsel vm10, v59, v29;
	v57 =	vmax.f32 v50, v26;
	vm9 =	vge.f32 v50, v26  }
0x21c: {  	v26 =	vmax.f32 v56, v57;
	v30 =	vsel vm9, $0x6, v12;
	vm11 =	vge.f32 v56, v57  }
0x21d: {  	vm12 =	vge.f32 v58, v26;
	v28 =	vsel vm11, v28, v30;
	v26 =	vmax.f32 v58, v26  }
0x21e: {  	v24 =	vsel vm13, v27, v24;
	v28 =	vsel vm12, v29, v28;
	vm13 =	vgt.f32 v26, v25  }
0x21f: {  	s22 =	simm.s32 $0x0;
	v27 =	vor.u32 s23, v28;
	v25 =	vsel vm13, v26, v25  }
0x220: {  	v24 =	vsel vm13, v27, v24;
	[tilespmem:$0x10350] =	vst v25;
	v25 =	vadd.s32 s22, v4  }
0x221: {  	v27 =	vadd.s32 s22, v5;
	[tilespmem:$0x10290] =	vst v24  }
0x222: {  	v28 =	vadd.s32 s22, v6;
	_ =	swait.ge [sflag:s15], $0x8000  }
0x223: {  	v29 =	vadd.s32 s22, v1;
	[sflag:s15] =	ssyncset.done $0x0  }
0x224: {  	v60 =	vadd.s32 s22, v2;
	[sflag:s15] =	ssyncadd.s32 $0xFFFF8000  }
0x225: {  	v24 =	vadd.s32 s22, v3;
	v26 =	vld.idx.msk [tilespmem:v25+s16+$0x0], $0xffff  }
0x226: {  	v61 =	vadd.s32 s22, v7;
	v27 =	vld.idx.msk [tilespmem:v27+s16+$0x0], $0xffff  }
0x227: {  	v62 =	vadd.s32 s22, v8;
	v31 =	vld.idx.msk [tilespmem:v28+s16+$0x0], $0xffff  }
0x228: {  	v30 =	vld.idx.msk [tilespmem:v29+s16+$0x0], $0xffff  }
0x229: {  	v34 =	vld.idx.msk [tilespmem:v60+s16+$0x0], $0xffff  }
0x22a: {  	s23 =	simm.s32 $0x8;
	v36 =	vld.idx.msk [tilespmem:v24+s16+$0x0], $0xffff  }
0x22b: {  	v63 =	vadd.s32 s23, v3;
	v29 =	vld.idx.msk [tilespmem:v61+s16+$0x0], $0xffff  }
0x22c: {  	v41 =	vadd.s32 s23, v4;
	v35 =	vld.idx.msk [tilespmem:v62+s16+$0x0], $0xffff  }
0x22d: {  	v43 =	vadd.s32 s23, v5;
	v42 =	vadd.s32 s23, v6;
	v40 =	vadd.s32 s23, v7  }
0x22e: {  	v39 =	vadd.s32 s23, v1;
	v37 =	vadd.s32 s23, v2;
	v25 =	vimm.f32 $-Inf  }
0x22f: {  	v24 =	vimm.s32 $0x0;
	vm15 =	vge.f32 v27, v31;
	vm14 =	vge.f32 v36, v26  }
0x230: {  	s24 =	simm.s32 $0x10;
	v32 =	vld.idx.msk [tilespmem:v63+s16+$0x0], $0xffff;
	v38 =	vmax.f32 v30, v34;
	v33 =	vsel vm15, $0x4, v11;
	v28 =	vsel vm14, $0x2, v10  }
.LBB2_36:
0x231: {  	p1 =	sne.s32 s24, $0x3F8;
	v36 =	vmax.f32 v36, v26;
	v26 =	vld.idx.msk [tilespmem:v41+s16+$0x0], $0xffff;
	v41 =	vmax.f32 v27, v31;
	v44 =	vmax.f32 v29, v35  }
0x232: {  	v27 =	vld.idx.msk [tilespmem:v43+s16+$0x0], $0xffff;
	v43 =	vadd.s32 s23, v8;
	v45 =	vmax.f32 v38, v36;
	v46 =	vmax.f32 v41, v44  }
0x233: {  	vm0 =	vge.f32 v30, v34;
	vm1 =	vge.f32 v29, v35;
	v31 =	vld.idx.msk [tilespmem:v42+s16+$0x0], $0xffff;
	v34 =	vmax.f32 v45, v46  }
0x234: {  	vm0 =	vmneg vm0;
	v29 =	vld.idx.msk [tilespmem:v40+s16+$0x0], $0xffff;
	v40 =	vsel vm1, $0x6, v12;
	vm1 =	vgt.f32 v34, v25  }
0x235: {  	v35 =	vsel vm0, $0x1, v9;
	vm0 =	vge.f32 v38, v36;
	v30 =	vld.idx.msk [tilespmem:v39+s16+$0x0], $0xffff;
	v25 =	vsel vm1, v34, v25  }
0x236: {  	vm2 =	vge.f32 v45, v46;
	v34 =	vld.idx.msk [tilespmem:v37+s16+$0x0], $0xffff;
	v37 =	vsel vm0, v35, v28;
	vm0 =	vge.f32 v41, v44  }
0x237: {  	v38 =	vadd.s32 s24, v3;
	v36 =	vmovc v32;
	vm3 =	vge.f32 v32, v26;
	v35 =	vld.idx.msk [tilespmem:v43+s16+$0x0], $0xffff;
	v33 =	vsel vm0, v33, v40  }
.Ltmp17:
0x238: {  	v41 =	vadd.s32 s24, v4;
	v28 =	vsel vm3, $0x2, v10;
	v32 =	vsel vm2, v37, v33;
	(pc) =	sbr.rel @p1 .LBB2_36-.Ltmp17, $4  }
0x239: {  	v43 =	vadd.s32 s24, v5;
	vm0 =	vge.f32 v27, v31;
	v32 =	vor.u32 s22, v32;
	s22 =	smov.u32 s23;
	s23 =	smov.u32 s24  }
0x23a: {  	v42 =	vadd.s32 s24, v6;
	v33 =	vsel vm0, $0x4, v11;
	v24 =	vsel vm1, v32, v24  }
0x23b: {  	v40 =	vadd.s32 s24, v7  }
0x23c: {  	s24 =	sadd.s32 $0x8, s24;
	v39 =	vadd.s32 s23, v1;
	v37 =	vadd.s32 s23, v2;
	v32 =	vld.idx.msk [tilespmem:v38+s16+$0x0], $0xffff;
	v38 =	vmax.f32 v30, v34  }
0x23d: {  	_ =	sdelay $0x3  }
0x23e: {  	v41 =	vld.idx.msk [tilespmem:v41+s16+$0x0], $0xffff  }
0x23f: {  	v43 =	vld.idx.msk [tilespmem:v43+s16+$0x0], $0xffff;
	v44 =	vadd.s32 s23, v8;
	v26 =	vmax.f32 v36, v26;
	v27 =	vmax.f32 v27, v31  }
0x240: {  	v31 =	vmax.f32 v29, v35;
	v54 =	vld.idx.msk [tilespmem:v42+s16+$0x0], $0xffff;
	vm0 =	vge.f32 v30, v34;
	vm1 =	vge.f32 v29, v35  }
0x241: {  	v30 =	vld.idx.msk [tilespmem:v39+s16+$0x0], $0xffff;
	v55 =	vmax.f32 v38, v26;
	v45 =	vmax.f32 v27, v31;
	vm0 =	vmneg vm0  }
0x242: {  	v57 =	vld.idx.msk [tilespmem:v37+s16+$0x0], $0xffff;
	v56 =	vsel vm1, $0x6, v12;
	vm4 =	vge.f32 v38, v26;
	vm2 =	vge.f32 v27, v31  }
0x243: {  	v29 =	vmax.f32 v55, v45;
	v58 =	vsel vm0, $0x1, v9;
	vm5 =	vge.f32 v55, v45  }
0x244: {  	v40 =	vld.idx.msk [tilespmem:v40+s16+$0x0], $0xffff;
	vm15 =	vgt.f32 v29, v25;
	v27 =	vsel vm4, v58, v28;
	v28 =	vsel vm2, v33, v56  }
0x245: {  	v25 =	vsel vm15, v29, v25;
	v27 =	vsel vm5, v27, v28;
	v26 =	vld.idx.msk [tilespmem:v44+s16+$0x0], $0xffff;
	vm6 =	vge.f32 v32, v41  }
0x246: {  	vm7 =	vge.f32 v43, v54;
	v27 =	vor.u32 s22, v27;
	v31 =	vmax.f32 v32, v41  }
0x247: {  	v59 =	vmax.f32 v43, v54;
	vm8 =	vge.f32 v30, v57;
	v28 =	vsel vm6, $0x2, v10  }
0x248: {  	v24 =	vsel vm15, v27, v24;
	v27 =	vmax.f32 v30, v57;
	vm0 =	vmneg vm8  }
0x249: {  	v29 =	vsel vm7, $0x4, v11;
	v61 =	vmax.f32 v27, v31;
	v62 =	vsel vm0, $0x1, v9  }
0x24a: {  	vm10 =	vge.f32 v27, v31;
	v60 =	vmax.f32 v40, v26;
	vm9 =	vge.f32 v40, v26  }
0x24b: {  	v26 =	vmax.f32 v59, v60;
	v30 =	vsel vm9, $0x6, v12;
	vm11 =	vge.f32 v59, v60  }
0x24c: {  	s22 =	simm.s32 $0x0;
	v27 =	vsel vm10, v62, v28;
	vm12 =	vge.f32 v61, v26;
	v28 =	vsel vm11, v29, v30  }
0x24d: {  	v26 =	vmax.f32 v61, v26;
	v29 =	vadd.s32 s22, v16;
	v27 =	vsel vm12, v27, v28  }
0x24e: {  	v28 =	vadd.s32 s22, v15;
	vm13 =	vgt.f32 v26, v25;
	v27 =	vor.u32 s23, v27  }
0x24f: {  	v25 =	vsel vm13, v26, v25;
	v24 =	vsel vm13, v27, v24;
	v27 =	vadd.s32 s22, v17  }
0x250: {  	v26 =	vadd.s32 s22, v14;
	[tilespmem:$0x10360] =	vst v25  }
0x251: {  	v25 =	vadd.s32 s22, v13;
	[tilespmem:$0x102A0] =	vst v24  }
0x252: {  	v24 =	vadd.s32 s22, v18;
	v29 =	vld.idx.msk [tilespmem:v29+s16+$0x0], $0xffff  }
0x253: {  	v37 =	vld.idx.msk [tilespmem:v28+s16+$0x0], $0xffff;
	v28 =	vadd.s32 s22, v20  }
0x254: {  	v30 =	vld.idx.msk [tilespmem:v27+s16+$0x0], $0xffff;
	v27 =	vadd.s32 s22, v19  }
0x255: {  	v34 =	vld.idx.msk [tilespmem:v26+s16+$0x0], $0xffff  }
0x256: {  	v32 =	vld.idx.msk [tilespmem:v25+s16+$0x0], $0xffff  }
0x257: {  	s23 =	simm.s32 $0x8;
	v33 =	vld.idx.msk [tilespmem:v24+s16+$0x0], $0xffff  }
0x258: {  	v63 =	vadd.s32 s23, v15;
	v35 =	vld.idx.msk [tilespmem:v28+s16+$0x0], $0xffff  }
0x259: {  	v43 =	vadd.s32 s23, v16;
	v31 =	vld.idx.msk [tilespmem:v27+s16+$0x0], $0xffff  }
0x25a: {  	v42 =	vadd.s32 s23, v17;
	v41 =	vadd.s32 s23, v18;
	v40 =	vadd.s32 s23, v19  }
0x25b: {  	v39 =	vadd.s32 s23, v13;
	v36 =	vadd.s32 s23, v14;
	v25 =	vimm.f32 $-Inf  }
0x25c: {  	v24 =	vimm.s32 $0x0;
	vm14 =	vge.f32 v37, v29;
	vm15 =	vge.f32 v30, v33  }
0x25d: {  	s24 =	simm.s32 $0x10;
	v28 =	vld.idx.msk [tilespmem:v63+s16+$0x0], $0xffff;
	v26 =	vsel vm14, $0x2, v10;
	v38 =	vmax.f32 v32, v34;
	v27 =	vsel vm15, $0x4, v11  }
.LBB2_38:
0x25e: {  	p1 =	sne.s32 s24, $0x3F8;
	v37 =	vmax.f32 v37, v29;
	v29 =	vld.idx.msk [tilespmem:v43+s16+$0x0], $0xffff;
	v43 =	vmax.f32 v30, v33;
	v44 =	vmax.f32 v31, v35  }
0x25f: {  	v30 =	vld.idx.msk [tilespmem:v42+s16+$0x0], $0xffff;
	v42 =	vadd.s32 s23, v20;
	v45 =	vmax.f32 v38, v37;
	v46 =	vmax.f32 v43, v44  }
0x260: {  	vm0 =	vge.f32 v32, v34;
	vm1 =	vge.f32 v31, v35;
	v33 =	vld.idx.msk [tilespmem:v41+s16+$0x0], $0xffff;
	v34 =	vmax.f32 v45, v46  }
0x261: {  	vm0 =	vmneg vm0;
	v31 =	vld.idx.msk [tilespmem:v40+s16+$0x0], $0xffff;
	v40 =	vsel vm1, $0x6, v12;
	vm1 =	vgt.f32 v34, v25  }
0x262: {  	v35 =	vsel vm0, $0x1, v9;
	vm0 =	vge.f32 v38, v37;
	v32 =	vld.idx.msk [tilespmem:v39+s16+$0x0], $0xffff;
	v25 =	vsel vm1, v34, v25  }
0x263: {  	vm2 =	vge.f32 v45, v46;
	v34 =	vld.idx.msk [tilespmem:v36+s16+$0x0], $0xffff;
	v36 =	vsel vm0, v35, v26;
	vm0 =	vge.f32 v43, v44  }
0x264: {  	v38 =	vadd.s32 s24, v15;
	v37 =	vmovc v28;
	vm3 =	vge.f32 v28, v29;
	v35 =	vld.idx.msk [tilespmem:v42+s16+$0x0], $0xffff;
	v27 =	vsel vm0, v27, v40  }
.Ltmp18:
0x265: {  	v43 =	vadd.s32 s24, v16;
	v26 =	vsel vm3, $0x2, v10;
	v27 =	vsel vm2, v36, v27;
	(pc) =	sbr.rel @p1 .LBB2_38-.Ltmp18, $4  }
0x266: {  	v42 =	vadd.s32 s24, v17;
	vm0 =	vge.f32 v30, v33;
	v28 =	vor.u32 s22, v27;
	s22 =	smov.u32 s23;
	s23 =	smov.u32 s24  }
0x267: {  	v41 =	vadd.s32 s24, v18;
	v27 =	vsel vm0, $0x4, v11;
	v24 =	vsel vm1, v28, v24  }
0x268: {  	v40 =	vadd.s32 s24, v19  }
0x269: {  	s24 =	sadd.s32 $0x8, s24;
	v39 =	vadd.s32 s23, v13;
	v36 =	vadd.s32 s23, v14;
	v28 =	vld.idx.msk [tilespmem:v38+s16+$0x0], $0xffff;
	v38 =	vmax.f32 v32, v34  }
0x26a: {  	(v2sf) =	vpush v23, $0x0  }
0x26b: {  	(v2sf) =	vpush v22, $0x0;
	_ =	sdelay $0x2  }
0x26c: {  	(v2sf) =	vpush v23, $0x1  }
0x26d: {  	(v2sf) =	vpush v22, $0x1;
	_ =	sdelay $0x2  }
0x26e: {  	(v2sf) =	vpush v23, $0x2  }
0x26f: {  	(v2sf) =	vpush v22, $0x2;
	_ =	sdelay $0x3  }
0x270: {  	(v2sf) =	vpush v23, $0x3  }
0x271: {  	(v2sf) =	vpush v22, $0x3  }
0x272: {  	s25 =	spop (v2sf);
	(v2sf) =	vpush v23, $0x4  }
0x273: {  	s24 =	spop (v2sf);
	(v2sf) =	vpush v22, $0x4;
	_ =	sdelay $0x2  }
0x274: {  	s26 =	spop (v2sf);
	(v2sf) =	vpush v23, $0x5  }
0x275: {  	s28 =	spop (v2sf);
	(v2sf) =	vpush v22, $0x5;
	_ =	sdelay $0x1  }
0x276: {  	p1 =	seq.f32 s26, s25;
	p3 =	sgt.f32 s26, s25  }
0x277: {  	s25 =	smax.f32 s25, s26;
	s31 =	spop (v2sf);
	(v2sf) =	vpush v23, $0x6  }
0x278: {  	p2 =	slt.s32 s24, s28;
	s29 =	smov.u32 s28;
	s26 =	spop (v2sf);
	(v2sf) =	vpush v22, $0x6  }
0x279: {  	s29 =	smov.u32 @p2 s24  }
0x27a: {  	s24 =	smov.u32 @p1 s29  }
0x27b: {  	p1 =	seq.f32 s31, s25;
	s24 =	smov.u32 @p3 s28  }
0x27c: {  	s29 =	smov.u32 s26;
	s30 =	spop (v2sf);
	p2 =	slt.s32 s24, s26  }
0x27d: {  	p3 =	sgt.f32 s31, s25;
	s28 =	spop (v2sf);
	s29 =	smov.u32 @p2 s24  }
0x27e: {  	s25 =	smax.f32 s25, s31;
	s24 =	smov.u32 @p1 s29;
	s31 =	spop (v2sf);
	(v2sf) =	vpush v23, $0x7  }
0x27f: {  	s24 =	smov.u32 @p3 s26;
	s26 =	spop (v2sf);
	(v2sf) =	vpush v22, $0x7  }
0x280: {  	p1 =	seq.f32 s30, s25;
	s29 =	smov.u32 s28;
	p2 =	slt.s32 s24, s28  }
0x281: {  	p3 =	sgt.f32 s30, s25;
	s29 =	smov.u32 @p2 s24  }
0x282: {  	s25 =	smax.f32 s25, s30;
	s24 =	smov.u32 @p1 s29;
	s30 =	spop (v2sf);
	(v2sf) =	vpush v23, $0x8  }
0x283: {  	s24 =	smov.u32 @p3 s28;
	s28 =	spop (v2sf);
	(v2sf) =	vpush v22, $0x8  }
0x284: {  	p1 =	seq.f32 s31, s25;
	p2 =	slt.s32 s24, s26;
	s29 =	smov.u32 s26  }
0x285: {  	p3 =	sgt.f32 s31, s25;
	s29 =	smov.u32 @p2 s24  }
0x286: {  	s25 =	smax.f32 s25, s31;
	s24 =	smov.u32 @p1 s29;
	s31 =	spop (v2sf);
	(v2sf) =	vpush v23, $0x9  }
0x287: {  	s24 =	smov.u32 @p3 s26;
	s26 =	spop (v2sf);
	(v2sf) =	vpush v22, $0x9;
	_ =	sdelay $0x3  }
0x288: {  	p1 =	seq.f32 s30, s25;
	s29 =	smov.u32 s28;
	p2 =	slt.s32 s24, s28  }
0x289: {  	p3 =	sgt.f32 s30, s25;
	s29 =	smov.u32 @p2 s24  }
0x28a: {  	s25 =	smax.f32 s25, s30;
	s24 =	smov.u32 @p1 s29;
	s30 =	spop (v2sf);
	(v2sf) =	vpush v23, $0xA  }
0x28b: {  	s24 =	smov.u32 @p3 s28;
	s28 =	spop (v2sf);
	(v2sf) =	vpush v22, $0xA  }
0x28c: {  	p1 =	seq.f32 s31, s25;
	s29 =	smov.u32 s26;
	p2 =	slt.s32 s24, s26  }
0x28d: {  	p3 =	sgt.f32 s31, s25;
	s29 =	smov.u32 @p2 s24  }
0x28e: {  	s25 =	smax.f32 s25, s31;
	s24 =	smov.u32 @p1 s29;
	s31 =	spop (v2sf);
	(v2sf) =	vpush v23, $0xB  }
0x28f: {  	s24 =	smov.u32 @p3 s26;
	s26 =	spop (v2sf);
	(v2sf) =	vpush v22, $0xB  }
0x290: {  	p1 =	seq.f32 s30, s25;
	p2 =	slt.s32 s24, s28;
	s29 =	smov.u32 s28  }
0x291: {  	p3 =	sgt.f32 s30, s25;
	s29 =	smov.u32 @p2 s24  }
0x292: {  	s25 =	smax.f32 s25, s30;
	s24 =	smov.u32 @p1 s29;
	s30 =	spop (v2sf);
	(v2sf) =	vpush v23, $0xC  }
0x293: {  	s24 =	smov.u32 @p3 s28;
	s28 =	spop (v2sf);
	(v2sf) =	vpush v22, $0xC;
	_ =	sdelay $0x2  }
0x294: {  	p1 =	seq.f32 s31, s25;
	s29 =	smov.u32 s26;
	p2 =	slt.s32 s24, s26  }
0x295: {  	p3 =	sgt.f32 s31, s25;
	s29 =	smov.u32 @p2 s24  }
0x296: {  	s25 =	smax.f32 s25, s31;
	s24 =	smov.u32 @p1 s29  }
0x297: {  	p1 =	seq.f32 s30, s25;
	s24 =	smov.u32 @p3 s26;
	s31 =	spop (v2sf);
	(v2sf) =	vpush v23, $0xD  }
0x298: {  	s29 =	smov.u32 s28;
	p2 =	slt.s32 s24, s28;
	s26 =	spop (v2sf);
	(v2sf) =	vpush v22, $0xD  }
0x299: {  	p3 =	sgt.f32 s30, s25;
	s29 =	smov.u32 @p2 s24  }
0x29a: {  	v43 =	vld.idx.msk [tilespmem:v43+s16+$0x0], $0xffff;
	s25 =	smax.f32 s25, s30;
	s24 =	smov.u32 @p1 s29  }
0x29b: {  	v42 =	vld.idx.msk [tilespmem:v42+s16+$0x0], $0xffff;
	v44 =	vadd.s32 s23, v20;
	s24 =	smov.u32 @p3 s28;
	p1 =	seq.f32 s31, s25;
	s30 =	spop (v2sf);
	(v2sf) =	vpush v23, $0xE  }
0x29c: {  	v59 =	vld.idx.msk [tilespmem:v41+s16+$0x0], $0xffff;
	p2 =	slt.s32 s24, s26;
	s29 =	smov.u32 s26;
	s28 =	spop (v2sf);
	(v2sf) =	vpush v22, $0xE  }
0x29d: {  	v61 =	vld.idx.msk [tilespmem:v39+s16+$0x0], $0xffff;
	p3 =	sgt.f32 s31, s25;
	s29 =	smov.u32 @p2 s24  }
0x29e: {  	v29 =	vmax.f32 v37, v29;
	v30 =	vmax.f32 v30, v33;
	v58 =	vmax.f32 v31, v35;
	v62 =	vld.idx.msk [tilespmem:v36+s16+$0x0], $0xffff;
	s25 =	smax.f32 s25, s31;
	s24 =	smov.u32 @p1 s29  }
0x29f: {  	v40 =	vld.idx.msk [tilespmem:v40+s16+$0x0], $0xffff;
	vm0 =	vge.f32 v32, v34;
	vm1 =	vge.f32 v31, v35;
	p1 =	seq.f32 s30, s25;
	s31 =	spop (v2sf);
	(v2sf) =	vpush v23, $0xF;
	s24 =	smov.u32 @p3 s26  }
0x2a0: {  	v60 =	vmax.f32 v38, v29;
	v45 =	vmax.f32 v30, v58;
	v63 =	vld.idx.msk [tilespmem:v44+s16+$0x0], $0xffff;
	s29 =	smov.u32 s28;
	s26 =	spop (v2sf);
	(v2sf) =	vpush v22, $0xF;
	p2 =	slt.s32 s24, s28  }
0x2a1: {  	vm2 =	vmneg vm0;
	v36 =	vsel vm1, $0x6, v12;
	vm6 =	vge.f32 v30, v58;
	p3 =	sgt.f32 s30, s25;
	s29 =	smov.u32 @p2 s24  }
0x2a2: {  	vm5 =	vge.f32 v38, v29;
	vm7 =	vge.f32 v60, v45;
	v38 =	vsel vm6, v27, v36;
	s24 =	smov.u32 @p1 s29  }
0x2a3: {  	vm3 =	vge.f32 v28, v43;
	vm8 =	vge.f32 v42, v59;
	v44 =	vmax.f32 v61, v62;
	s25 =	smax.f32 s25, s30;
	s24 =	smov.u32 @p3 s28  }
0x2a4: {  	v46 =	vmax.f32 v42, v59;
	vm9 =	vge.f32 v61, v62;
	v39 =	vsel vm3, $0x2, v10;
	p1 =	seq.f32 s31, s25;
	s29 =	smov.u32 s26;
	p2 =	slt.s32 s24, s26  }
0x2a5: {  	v41 =	vsel vm8, $0x4, v11;
	vm1 =	vmneg vm9;
	v47 =	vmax.f32 v40, v63;
	p3 =	sgt.f32 s31, s25;
	s29 =	smov.u32 @p2 s24  }
0x2a6: {  	v51 =	vsel vm1, $0x1, v9;
	vm10 =	vge.f32 v40, v63;
	v49 =	vmax.f32 v46, v47;
	s24 =	smov.u32 @p1 s29;
	s30 =	spop (v2sf)  }
0x2a7: {  	v50 =	vsel vm10, $0x6, v12;
	vm12 =	vge.f32 v46, v47;
	v23 =	vmax.f32 v60, v45;
	s25 =	smax.f32 s25, s31;
	s24 =	smov.u32 @p3 s26;
	s26 =	spop (v2sf)  }
0x2a8: {  	v45 =	vmax.f32 v28, v43;
	vm15 =	vgt.f32 v23, v25;
	v22 =	vsel vm2, $0x1, v9;
	p1 =	seq.f32 s30, s25;
	p2 =	slt.s32 s24, s26;
	s28 =	smov.u32 s26  }
0x2a9: {  	v48 =	vmax.f32 v44, v45;
	vm11 =	vge.f32 v44, v45;
	v23 =	vsel vm15, v23, v25;
	p3 =	sgt.f32 s30, s25;
	s28 =	smov.u32 @p2 s24  }
0x2aa: {  	v22 =	vsel vm5, v22, v26;
	v26 =	vsel vm11, v51, v39;
	vm13 =	vge.f32 v48, v49;
	s31 =	spop (v2sf);
	s24 =	smov.u32 @p1 s28  }
0x2ab: {  	v25 =	vsel vm12, v41, v50;
	v52 =	vmax.f32 v48, v49;
	v22 =	vsel vm7, v22, v38;
	s25 =	smax.f32 s25, s30;
	s28 =	spop (v2sf);
	s24 =	smov.u32 @p3 s26  }
0x2ac: {  	v25 =	vsel vm13, v26, v25;
	vm14 =	vgt.f32 v52, v23;
	v22 =	vor.u32 s22, v22;
	p1 =	seq.f32 s31, s25;
	s22 =	smov.u32 s28;
	p2 =	slt.s32 s24, s28  }
0x2ad: {  	v25 =	vor.u32 s23, v25;
	v23 =	vsel vm14, v52, v23;
	v22 =	vsel vm15, v22, v24;
	p3 =	sgt.f32 s31, s25;
	s22 =	smov.u32 @p2 s24  }
0x2ae: {  	[tilespmem:$0x10370] =	vst v23;
	v22 =	vsel vm14, v25, v22;
	s30 =	spop (v2sf);
	s24 =	smov.u32 @p1 s22  }
0x2af: {  	[tilespmem:$0x102B0] =	vst v22;
	s31 =	smax.f32 s25, s31;
	s25 =	spop (v2sf);
	s24 =	smov.u32 @p3 s28  }
0x2b0: {  	v22 =	vld.idx.msk [tilespmem:v21+s17+$0x0], $0xffff;
	s26 =	smov.u32 s25;
	p1 =	seq.f32 s30, s31;
	p2 =	slt.s32 s24, s25  }
0x2b1: {  	v23 =	vld [tilespmem:$0x10200];
	p3 =	sgt.f32 s30, s31;
	s26 =	smov.u32 @p2 s24  }
0x2b2: {  	s24 =	smov.u32 @p1 s26  }
0x2b3: {  	s24 =	smov.u32 @p3 s25  }
0x2b4: {  	vm15 =	veq.s32 v0, $0x0;
	s24 =	simm.s32 @p0 $0xFFFFFFFF  }
0x2b5: {  	v53 =	vadd.s32 $0xF, v0;
	v22 =	vsel vm15, s24, v22  }
0x2b6: {  	vm4 =	vne.s32 v23, $0x3FF;
	vm5 =	vne.s32 v23, v22  }
0x2b7: {  	vm0 =	vmand vm4, vm5  }
0x2b8: {  	v22 =	vsel vm0, $0x1, v9  }
0x2b9: {  	[tilespmem:$0x10380] =	vst v22;
	v22 =	vld [tilespmem:$0x10210]  }
0x2ba: {  	v23 =	vld.idx.msk [tilespmem:v53+s17+$0x0], $0xffff;
	_ =	sdelay $0x3  }
0x2bb: {  	v54 =	vadd.s32 $0x1F, v0  }
0x2bc: {  	vm6 =	vne.s32 v22, $0x3FF;
	vm7 =	vne.s32 v22, v23  }
0x2bd: {  	vm0 =	vmand vm6, vm7  }
0x2be: {  	v22 =	vsel vm0, $0x1, v9  }
0x2bf: {  	[tilespmem:$0x10390] =	vst v22;
	v22 =	vld [tilespmem:$0x10220]  }
0x2c0: {  	v23 =	vld.idx.msk [tilespmem:v54+s17+$0x0], $0xffff;
	_ =	sdelay $0x3  }
0x2c1: {  	v55 =	vadd.s32 $0x2F, v0  }
0x2c2: {  	vm8 =	vne.s32 v22, $0x3FF;
	vm9 =	vne.s32 v22, v23  }
0x2c3: {  	vm0 =	vmand vm8, vm9  }
0x2c4: {  	v22 =	vsel vm0, $0x1, v9  }
0x2c5: {  	[tilespmem:$0x103A0] =	vst v22;
	v22 =	vld [tilespmem:$0x10230]  }
0x2c6: {  	v23 =	vld.idx.msk [tilespmem:v55+s17+$0x0], $0xffff;
	_ =	sdelay $0x3  }
0x2c7: {  	v56 =	vadd.s32 $0x3F, v0  }
0x2c8: {  	vm10 =	vne.s32 v22, $0x3FF;
	vm11 =	vne.s32 v22, v23  }
0x2c9: {  	vm0 =	vmand vm10, vm11  }
0x2ca: {  	v22 =	vsel vm0, $0x1, v9  }
0x2cb: {  	[tilespmem:$0x103B0] =	vst v22;
	v22 =	vld [tilespmem:$0x10240]  }
0x2cc: {  	v23 =	vld.idx.msk [tilespmem:v56+s17+$0x0], $0xffff;
	_ =	sdelay $0x3  }
0x2cd: {  	v57 =	vadd.s32 $0x4F, v0  }
0x2ce: {  	vm12 =	vne.s32 v22, $0x3FF;
	vm13 =	vne.s32 v22, v23  }
0x2cf: {  	vm0 =	vmand vm12, vm13  }
0x2d0: {  	v22 =	vsel vm0, $0x1, v9  }
0x2d1: {  	[tilespmem:$0x103C0] =	vst v22;
	v22 =	vld [tilespmem:$0x10250]  }
0x2d2: {  	v23 =	vld.idx.msk [tilespmem:v57+s17+$0x0], $0xffff;
	_ =	sdelay $0x3  }
0x2d3: {  	v58 =	vadd.s32 $0x5F, v0  }
0x2d4: {  	vm14 =	vne.s32 v22, $0x3FF;
	vm15 =	vne.s32 v22, v23  }
0x2d5: {  	vm0 =	vmand vm14, vm15  }
0x2d6: {  	v22 =	vsel vm0, $0x1, v9  }
0x2d7: {  	[tilespmem:$0x103D0] =	vst v22;
	v22 =	vld [tilespmem:$0x10260]  }
0x2d8: {  	v23 =	vld.idx.msk [tilespmem:v58+s17+$0x0], $0xffff;
	_ =	sdelay $0x3  }
0x2d9: {  	v59 =	vadd.s32 $0x6F, v0  }
0x2da: {  	vm4 =	vne.s32 v22, $0x3FF;
	vm5 =	vne.s32 v22, v23  }
0x2db: {  	vm0 =	vmand vm4, vm5  }
0x2dc: {  	v22 =	vsel vm0, $0x1, v9  }
0x2dd: {  	[tilespmem:$0x103E0] =	vst v22;
	v22 =	vld [tilespmem:$0x10270]  }
0x2de: {  	v23 =	vld.idx.msk [tilespmem:v59+s17+$0x0], $0xffff;
	_ =	sdelay $0x3  }
0x2df: {  	v60 =	vadd.s32 $0x7F, v0  }
0x2e0: {  	vm6 =	vne.s32 v22, $0x3FF;
	vm7 =	vne.s32 v22, v23  }
0x2e1: {  	vm0 =	vmand vm6, vm7  }
0x2e2: {  	v22 =	vsel vm0, $0x1, v9  }
0x2e3: {  	[tilespmem:$0x103F0] =	vst v22;
	v22 =	vld [tilespmem:$0x10280]  }
0x2e4: {  	v23 =	vld.idx.msk [tilespmem:v60+s17+$0x0], $0xffff;
	_ =	sdelay $0x3  }
0x2e5: {  	v61 =	vadd.s32 $0x8F, v0  }
0x2e6: {  	vm8 =	vne.s32 v22, $0x3FF;
	vm9 =	vne.s32 v22, v23  }
0x2e7: {  	vm0 =	vmand vm8, vm9  }
0x2e8: {  	v22 =	vsel vm0, $0x1, v9  }
0x2e9: {  	[tilespmem:$0x10400] =	vst v22;
	v22 =	vld [tilespmem:$0x10290]  }
0x2ea: {  	v23 =	vld.idx.msk [tilespmem:v61+s17+$0x0], $0xffff;
	_ =	sdelay $0x3  }
0x2eb: {  	v62 =	vadd.s32 $0x9F, v0  }
0x2ec: {  	vm10 =	vne.s32 v22, $0x3FF;
	vm11 =	vne.s32 v22, v23  }
0x2ed: {  	vm0 =	vmand vm10, vm11  }
0x2ee: {  	v22 =	vsel vm0, $0x1, v9  }
0x2ef: {  	[tilespmem:$0x10410] =	vst v22;
	v22 =	vld [tilespmem:$0x102A0]  }
0x2f0: {  	v23 =	vld.idx.msk [tilespmem:v62+s17+$0x0], $0xffff;
	_ =	sdelay $0x3  }
0x2f1: {  	v63 =	vadd.s32 $0xAF, v0  }
0x2f2: {  	vm12 =	vne.s32 v22, $0x3FF;
	vm13 =	vne.s32 v22, v23  }
0x2f3: {  	vm0 =	vmand vm12, vm13  }
0x2f4: {  	v22 =	vsel vm0, $0x1, v9  }
0x2f5: {  	[tilespmem:$0x10420] =	vst v22;
	v22 =	vld [tilespmem:$0x102B0]  }
0x2f6: {  	v23 =	vld.idx.msk [tilespmem:v63+s17+$0x0], $0xffff;
	_ =	sdelay $0x4  }
0x2f7: {  	vm14 =	vne.s32 v22, $0x3FF;
	vm15 =	vne.s32 v22, v23  }
0x2f8: {  	vm0 =	vmand vm14, vm15  }
0x2f9: {  	v22 =	vsel vm0, $0x1, v9  }
0x2fa: {  	[tilespmem:$0x10430] =	vst v22  }
0x2fb: {  	[hbm4b:s10+s2] =	stream.linear.scatter [tilespmem:s17], [sflag:$0x3], $0xC0, $0x38;
	[tilespmem:$0x10840] =	vst v63  }
0x2fc: {  	_ =	swait.ge [sflag:s18], $0xC0  }
0x2fd: {  	[sflag:s18] =	ssyncset.done $0x0  }
0x2fe: {  	[sflag:s18] =	ssyncadd.s32 $0xFFFFFF40  }
0x2ff: {  	[hbm4b:s11+s2] =	stream.linear.scatter [tilespmem:s19], [sflag:$0x3], $0xC0, $0x38;
	[tilespmem:$0x10840] =	vst v63  }
0x300: {  	s21 =	sadd.s32 $0x1, s21;
	_ =	swait.ge [sflag:s18], $0xC0  }
0x301: {  	p1 =	sne.s32 s21, s13;
	[sflag:s18] =	ssyncset.done $0x0  }
.Ltmp19:
0x302: {  	[sflag:s18] =	ssyncadd.s32 $0xFFFFFF40;
	(pc) =	sbr.rel @p1 .LBB2_1-.Ltmp19, $4  }
0x303: {  	[hbm4b:s12+s2] =	stream.linear.scatter [tilespmem:s20], [sflag:$0x3], $0xC0, $0x38;
	[tilespmem:$0x10840] =	vst v63  }
0x304: {  	_ =	swait.ge [sflag:s18], $0xC0  }
0x305: {  	[sflag:s18] =	ssyncset.done $0x0  }
0x306: {  	[sflag:s18] =	ssyncadd.s32 $0xFFFFFF40  }
0x307: {  	_ =	sfence.sel $0x180000  }
0x308: {  	[bflag:$0x0] =	sbarrier.arrive $0xFFFF  }
0x309: {  	p0 =	sne.s32 s1, $0x0;
	_ =	strace $0x90000047  }
0x30a: {  	s0 =	sadd.s32 @!p0 $0x100000, s0;
	[bflag:$0x2] =	sbarrier.arrive $0xFFFF  }
0x30b: {  	[sflag:s0] =	ssyncadd.tile.s32 @!p0 $0x1;
	_ =	shalt  }
.Lfunc_end2:
_tile_overlayer_lowered:
.L_overlay_start_2:
0x30c: {  	(tag) =	ssettag $0x2  }
0x30d: {  	s0 =	rddreg [dreg:$0x0];
	s2 =	stileid.u32  }
0x30e: {  	s1 =	rddreg [dreg:$0x1];
	p0 =	sne.s32 s2, $0x0  }
0x30f: {  	s3 =	rddreg [dreg:$0x2];
	[bflag:$0x3] =	sbarrier.arrive $0xFFFF;
	s2 =	simm.s32 @!p0 $0x1C03  }
0x310: {  	[timem:s3], [sflag:s2] =	dma.local @!p0 [hbm:s0], s1  }
0x311: {  	s0 =	simm.s32 @!p0 $0x3  }
0x312: {  	_ =	swait.ge @!p0 [sflag:s0], s1  }
0x313: {  	s1 =	ssub.s32 @!p0 $0x0, s1;
	[sflag:s0] =	ssyncset.done @!p0 $0x0  }
0x314: {  	[sflag:s0] =	ssyncadd.s32 @!p0 s1  }
0x315: {  	[bflag:$0x3] =	sbarrier.arrive $0xFFFF  }
0x316: {  	_ =	shalt  }

</sc_bundles>
